<compile_context>
chip_gen: v7x
topology: tpu7x:2x2x1
jax: 0.10.2.dev20260603
libtpu: 0.0.44.dev20260713+nightly
codegen_flags: <defaults>
</compile_context>

<pallas_src>
import functools

import jax
import jax.numpy as jnp
import numpy as np
from jax import lax
from jax.experimental import pallas as pl
from jax.experimental.pallas import tpu as pltpu
from jax.experimental.pallas import tpu_sc as plsc

RANGE_MIN = -5.0
RANGE_MAX = 5.0
MIN_BIN_SIZE = 0.0001
MIN_SLOPE = 0.0001

LN2 = 0.6931471805599453
SQRT2 = 1.4142135623730951

N = 8388608
NC, NS, L = 2, 16, 16
NW = NC * NS
PER_W = N // NW
CHUNK = 16384
N_CHUNKS = PER_W // CHUNK
N_STEPS = N_CHUNKS // 2
VREGS = CHUNK // L
TPAD = 144


def _log_approx(t):
    bits = lax.bitcast_convert_type(t, jnp.int32)
    e_i = (bits >> 23) - 127
    m = lax.bitcast_convert_type((bits & 0x007FFFFF) | 0x3F800000, jnp.float32)
    big = m >= SQRT2
    m = jnp.where(big, m * 0.5, m)
    e_f = e_i.astype(jnp.float32) + jnp.where(big, 1.0, 0.0)
    z = (m - 1.0) / (m + 1.0)
    z2 = z * z
    p = z * (2.0 + z2 * (2.0 / 3.0 + z2 * (2.0 / 5.0 + z2 * (2.0 / 7.0))))
    return e_f * LN2 + p


def _sc_body(x_hbm, xpos_hbm, ypos_hbm, d_hbm, invw_hbm, h_hbm, t0_hbm,
             xposc_hbm, c0_hbm, ln_hbm, rcp_hbm,
             y_hbm, ld_hbm,
             xpos_v, ypos_v, d_v, invw_v, h_v, t0_v, xposc_v, c0_v, ln_v, rcp_v,
             x0, x1, y0, y1, l0, l1,
             sem_in0, sem_in1, sem_oy0, sem_oy1, sem_ol0, sem_ol1):
    wid = lax.axis_index("s") * NC + lax.axis_index("c")
    base = wid * PER_W

    pltpu.sync_copy(xpos_hbm, xpos_v)
    pltpu.sync_copy(ypos_hbm, ypos_v)
    pltpu.sync_copy(d_hbm, d_v)
    pltpu.sync_copy(invw_hbm, invw_v)
    pltpu.sync_copy(h_hbm, h_v)
    pltpu.sync_copy(t0_hbm, t0_v)
    pltpu.sync_copy(xposc_hbm, xposc_v)
    pltpu.sync_copy(c0_hbm, c0_v)
    pltpu.sync_copy(ln_hbm, ln_v)
    pltpu.sync_copy(rcp_hbm, rcp_v)

    coarse = xposc_v[pl.ds(0, L)]
    fine4 = xposc_v[pl.ds(L, L)]
    fine2a = xposc_v[pl.ds(2 * L, L)]
    fine2b = xposc_v[pl.ds(3 * L, L)]

    zero_f = jnp.zeros((L,), jnp.float32)
    one_f = jnp.full((L,), 1.0, jnp.float32)
    rmin_f = jnp.full((L,), RANGE_MIN, jnp.float32)
    rmax_f = jnp.full((L,), RANGE_MAX, jnp.float32)
    ln2_f = jnp.full((L,), LN2, jnp.float32)
    zero_i = jnp.zeros((L,), jnp.int32)
    m7f_i = jnp.full((L,), 0x7F, jnp.int32)
    mffff_i = jnp.full((L,), 0xFFFF, jnp.int32)

    def make_vreg_body(x_v, y_v, ld_v):
      def vreg_body(off):
        xv = x_v[pl.ds(off, L)]
        xc = jnp.minimum(jnp.maximum(xv, rmin_f), rmax_f)
        c = zero_i
        for step in (8, 4, 2, 1):
            cand = c + step
            knot = jnp.take_along_axis(coarse, cand, axis=0)
            c = jnp.where(knot <= xc, cand, c)
        k5 = jnp.take_along_axis(fine4, c, axis=0)
        m5 = k5 <= xc
        k6 = jnp.where(m5, jnp.take_along_axis(fine2b, c, axis=0),
                       jnp.take_along_axis(fine2a, c, axis=0))
        m6 = k6 <= xc
        b = c * 8 + jnp.where(m5, 4, 0) + jnp.where(m6, 2, 0)
        cand = b + 1
        knot = plsc.load_gather(xpos_v, [cand])
        b = jnp.where(knot <= xc, cand, b)
        t0 = plsc.load_gather(t0_v, [b])
        y_k = plsc.load_gather(ypos_v, [b])
        iw = plsc.load_gather(invw_v, [b])
        hh = plsc.load_gather(h_v, [b])
        d_k = plsc.load_gather(d_v, [b])
        d_k1 = plsc.load_gather(d_v, [b + 1])
        c0 = plsc.load_gather(c0_v, [b])
        s_ = hh * iw
        xi = jnp.minimum(jnp.maximum(xc * iw + t0, zero_f), one_f)
        om = one_f - xi
        xiom = xi * om
        dkom = d_k * om
        num = xi * (s_ * xi + dkom)
        den = s_ + c0 * xiom
        rden = 1.0 / den
        y_spline = y_k + hh * (num * rden)
        numd = s_ * s_ * (d_k1 * xi * xi + (s_ + s_) * xiom + dkom * om)
        deriv = numd * (rden * rden)
        d_e = jnp.where(xv >= zero_f, d_k1, d_k)
        yv = y_spline + (xv - xc) * d_e
        bits = lax.bitcast_convert_type(deriv, jnp.int32)
        ubits = lax.bitcast_convert_type(deriv, jnp.uint32)
        e_f = (bits >> 23).astype(jnp.float32)
        j = lax.convert_element_type((ubits << 9) >> 25, jnp.int32)
        f_cvt = ((ubits << 16) >> 16).astype(jnp.float32)
        lnm = plsc.load_gather(ln_v, [j]) + f_cvt * plsc.load_gather(rcp_v, [j])
        y_v[pl.ds(off, L)] = yv
        ld_v[pl.ds(off, L)] = e_f * ln2_f + lnm
      return vreg_body

    def half(i, g, x_v, y_v, ld_v, sem_in, sem_oy, sem_ol):
        lo = base + g * CHUNK
        out_y = pltpu.make_async_copy(y_v, y_hbm.at[pl.ds(lo, CHUNK)], sem_oy)
        out_l = pltpu.make_async_copy(ld_v, ld_hbm.at[pl.ds(lo, CHUNK)], sem_ol)

        @pl.when(i > 0)
        def _():
            out_y.wait()
            out_l.wait()

        pltpu.make_async_copy(x_hbm.at[pl.ds(lo, CHUNK)], x_v, sem_in).wait()
        plsc.parallel_loop(0, CHUNK, L, unroll=24)(make_vreg_body(x_v, y_v, ld_v))
        out_y.start()
        out_l.start()

        @pl.when(i < N_STEPS - 1)
        def _():
            nxt = lo + 2 * CHUNK
            pltpu.make_async_copy(x_hbm.at[pl.ds(nxt, CHUNK)], x_v, sem_in).start()

    pltpu.make_async_copy(x_hbm.at[pl.ds(base, CHUNK)], x0, sem_in0).start()
    pltpu.make_async_copy(x_hbm.at[pl.ds(base + CHUNK, CHUNK)], x1, sem_in1).start()

    def step(i, carry):
        half(i, 2 * i, x0, y0, l0, sem_in0, sem_oy0, sem_ol0)
        half(i, 2 * i + 1, x1, y1, l1, sem_in1, sem_oy1, sem_ol1)
        return carry

    lax.fori_loop(0, N_STEPS, step, 0)

    tail = base + (N_CHUNKS - 2) * CHUNK
    pltpu.make_async_copy(y0, y_hbm.at[pl.ds(tail, CHUNK)], sem_oy0).wait()
    pltpu.make_async_copy(l0, ld_hbm.at[pl.ds(tail, CHUNK)], sem_ol0).wait()
    pltpu.make_async_copy(y1, y_hbm.at[pl.ds(tail + CHUNK, CHUNK)], sem_oy1).wait()
    pltpu.make_async_copy(l1, ld_hbm.at[pl.ds(tail + CHUNK, CHUNK)], sem_ol1).wait()


@jax.jit
def kernel(x, params):
    K = (params.shape[-1] - 1) // 3
    total_size = RANGE_MAX - RANGE_MIN
    widths = jax.nn.softmax(params[:K]) * (total_size - K * MIN_BIN_SIZE) + MIN_BIN_SIZE
    heights = jax.nn.softmax(params[K:2 * K]) * (total_size - K * MIN_BIN_SIZE) + MIN_BIN_SIZE
    slopes_offset = jnp.log(jnp.exp(1.0 - MIN_SLOPE) - 1.0)
    slopes = jax.nn.softplus(params[2 * K:] + slopes_offset) + MIN_SLOPE
    x_pos = jnp.concatenate([jnp.array([0.0]), jnp.cumsum(widths)]) + RANGE_MIN
    y_pos = jnp.concatenate([jnp.array([0.0]), jnp.cumsum(heights)]) + RANGE_MIN

    def padto(a):
        return jnp.pad(a, (0, TPAD - a.shape[0]), constant_values=1.0).astype(jnp.float32)

    invw = 1.0 / (x_pos[1:] - x_pos[:-1])
    h = y_pos[1:] - y_pos[:-1]
    s_tab = h * invw
    xpos_p = padto(x_pos)
    ypos_p = padto(y_pos)
    d_p = padto(slopes)
    invw_p = padto(invw)
    h_p = padto(h)
    t0_p = padto(-x_pos[:128] * invw)
    xposc_p = jnp.concatenate([x_pos[0:128:8], x_pos[4:128:8],
                               x_pos[2:128:8], x_pos[6:128:8]]).astype(jnp.float32)
    c0_p = padto(slopes[1:] + slopes[:-1] - 2.0 * s_tab)
    ln_p = jnp.asarray(np.log1p(np.arange(128) / 128.0) - 127.0 * np.log(2.0),
                       dtype=jnp.float32)
    rcp_p = jnp.asarray(2.0 ** -23 / (1.0 + np.arange(128) / 128.0),
                        dtype=jnp.float32)

    mesh = plsc.VectorSubcoreMesh(core_axis_name="c", subcore_axis_name="s")
    f32 = jnp.float32
    run = pl.kernel(
        _sc_body,
        mesh=mesh,
        compiler_params=pltpu.CompilerParams(needs_layout_passes=False),
        out_type=(jax.ShapeDtypeStruct((N,), f32),
                  jax.ShapeDtypeStruct((N,), f32)),
        scratch_types=[
            pltpu.VMEM((TPAD,), f32),
            pltpu.VMEM((TPAD,), f32),
            pltpu.VMEM((TPAD,), f32),
            pltpu.VMEM((TPAD,), f32),
            pltpu.VMEM((TPAD,), f32),
            pltpu.VMEM((TPAD,), f32),
            pltpu.VMEM((64,), f32),
            pltpu.VMEM((TPAD,), f32),
            pltpu.VMEM((128,), f32),
            pltpu.VMEM((128,), f32),
            pltpu.VMEM((CHUNK,), f32),
            pltpu.VMEM((CHUNK,), f32),
            pltpu.VMEM((CHUNK,), f32),
            pltpu.VMEM((CHUNK,), f32),
            pltpu.VMEM((CHUNK,), f32),
            pltpu.VMEM((CHUNK,), f32),
            pltpu.SemaphoreType.DMA,
            pltpu.SemaphoreType.DMA,
            pltpu.SemaphoreType.DMA,
            pltpu.SemaphoreType.DMA,
            pltpu.SemaphoreType.DMA,
            pltpu.SemaphoreType.DMA,
        ],
    )
    return run(x, xpos_p, ypos_p, d_p, invw_p, h_p, t0_p,
               xposc_p, c0_p, ln_p, rcp_p)

# --- scband reference (transcript-rebuilt; emitter-appended) ---
"""Pipeline reference for scband-rqsbijector-79104707658012 (READ-ONLY COPY).

The authoritative reference and input builder live on the scoring server;
editing this copy changes nothing except your own understanding.
"""

import jax, jax.numpy as jnp
import numpy as np

RANGE_MIN = -5.0
RANGE_MAX = 5.0
MIN_BIN_SIZE = 0.0001
MIN_SLOPE = 0.0001


def _normalize_params(params):
    K = (params.shape[-1] - 1) // 3
    widths_unnorm = params[:K]
    heights_unnorm = params[K:2 * K]
    slopes_unnorm = params[2 * K:]
    total_size = RANGE_MAX - RANGE_MIN
    widths_norm = jax.nn.softmax(widths_unnorm, axis=-1)
    widths = widths_norm * (total_size - K * MIN_BIN_SIZE) + MIN_BIN_SIZE
    heights_norm = jax.nn.softmax(heights_unnorm, axis=-1)
    heights = heights_norm * (total_size - K * MIN_BIN_SIZE) + MIN_BIN_SIZE
    slopes_offset = jnp.log(jnp.exp(1.0 - MIN_SLOPE) - 1.0)
    slopes = jax.nn.softplus(slopes_unnorm + slopes_offset) + MIN_SLOPE
    x_pos = jnp.concatenate([jnp.array([0.0]), jnp.cumsum(widths)]) + RANGE_MIN
    y_pos = jnp.concatenate([jnp.array([0.0]), jnp.cumsum(heights)]) + RANGE_MIN
    return x_pos, y_pos, slopes


def _forward_with_params(x, params):
    x_pos, y_pos, slopes = _normalize_params(params)
    below_range = x < RANGE_MIN
    above_range = x > RANGE_MAX
    slope_left, slope_right = slopes[0], slopes[-1]
    y_linear_left = (x - RANGE_MIN) * slope_left + RANGE_MIN
    y_linear_right = (x - RANGE_MAX) * slope_right + RANGE_MAX
    logdet_linear_left = jnp.log(slope_left)
    logdet_linear_right = jnp.log(slope_right)
    num_bins = x_pos.shape[-1] - 1
    bin_idx = jnp.searchsorted(x_pos[1:-1], x, side='right')
    bin_idx = jnp.clip(bin_idx, 0, num_bins - 1)
    x_k, x_k1 = x_pos[bin_idx], x_pos[bin_idx + 1]
    y_k, y_k1 = y_pos[bin_idx], y_pos[bin_idx + 1]
    slope_k, slope_k1 = slopes[bin_idx], slopes[bin_idx + 1]
    width = x_k1 - x_k
    height = y_k1 - y_k
    xi = (x - x_k) / width
    xi = jnp.clip(xi, 0.0, 1.0)
    s = height / width
    numerator = s * xi * xi + slope_k * xi * (1.0 - xi)
    denominator = s + (slope_k1 + slope_k - 2.0 * s) * xi * (1.0 - xi)
    y_spline = y_k + height * numerator / denominator
    xi_1m = 1.0 - xi
    xi_xi_1m = xi * xi_1m
    num_derivative = s * s * (slope_k1 * xi * xi + 2.0 * s * xi_xi_1m + slope_k * xi_1m * xi_1m)
    den_derivative = denominator * denominator
    derivative = num_derivative / den_derivative
    logdet_spline = jnp.log(derivative)
    y = jnp.where(below_range, y_linear_left, jnp.where(above_range, y_linear_right, y_spline))
    logdet = jnp.where(below_range, logdet_linear_left, jnp.where(above_range, logdet_linear_right, logdet_spline))
    return y, logdet


def setup_inputs(seed: int = 0) -> dict:
    key = jax.random.key(seed)
    k1, k2 = jax.random.split(key)
    x = jax.random.normal(k1, (8388608,), dtype=jnp.float32)
    params = jax.random.normal(k2, (385,), dtype=jnp.float32)
    return {"x": x, "params": params}


def reference(x, params):
    return _forward_with_params(x, params)

if __name__ == "__main__":
    import jax
    _d = setup_inputs()
    print(jax.jit(kernel)(*tuple(_d.values())))

</pallas_src>

<mosaic_0001>
#map = affine_map<(d0, d1) -> (0)>
module attributes {stable_mosaic.version = 14 : i64} {
  func.func @_sc_body(%arg0: i32, %arg1: i32, %arg2: memref<8388608xf32, #tpu.memory_space<hbm>>, %arg3: memref<144xf32, #tpu.memory_space<hbm>>, %arg4: memref<144xf32, #tpu.memory_space<hbm>>, %arg5: memref<144xf32, #tpu.memory_space<hbm>>, %arg6: memref<144xf32, #tpu.memory_space<hbm>>, %arg7: memref<144xf32, #tpu.memory_space<hbm>>, %arg8: memref<144xf32, #tpu.memory_space<hbm>>, %arg9: memref<64xf32, #tpu.memory_space<hbm>>, %arg10: memref<144xf32, #tpu.memory_space<hbm>>, %arg11: memref<128xf32, #tpu.memory_space<hbm>>, %arg12: memref<128xf32, #tpu.memory_space<hbm>>, %arg13: memref<8388608xf32, #tpu.memory_space<hbm>>, %arg14: memref<8388608xf32, #tpu.memory_space<hbm>>, %arg15: memref<144xf32, #tpu.memory_space<vmem>>, %arg16: memref<144xf32, #tpu.memory_space<vmem>>, %arg17: memref<144xf32, #tpu.memory_space<vmem>>, %arg18: memref<144xf32, #tpu.memory_space<vmem>>, %arg19: memref<144xf32, #tpu.memory_space<vmem>>, %arg20: memref<144xf32, #tpu.memory_space<vmem>>, %arg21: memref<64xf32, #tpu.memory_space<vmem>>, %arg22: memref<144xf32, #tpu.memory_space<vmem>>, %arg23: memref<128xf32, #tpu.memory_space<vmem>>, %arg24: memref<128xf32, #tpu.memory_space<vmem>>, %arg25: memref<16384xf32, #tpu.memory_space<vmem>>, %arg26: memref<16384xf32, #tpu.memory_space<vmem>>, %arg27: memref<16384xf32, #tpu.memory_space<vmem>>, %arg28: memref<16384xf32, #tpu.memory_space<vmem>>, %arg29: memref<16384xf32, #tpu.memory_space<vmem>>, %arg30: memref<16384xf32, #tpu.memory_space<vmem>>, %arg31: memref<!tpu.dma_semaphore, #tpu.memory_space<semaphore_mem>>, %arg32: memref<!tpu.dma_semaphore, #tpu.memory_space<semaphore_mem>>, %arg33: memref<!tpu.dma_semaphore, #tpu.memory_space<semaphore_mem>>, %arg34: memref<!tpu.dma_semaphore, #tpu.memory_space<semaphore_mem>>, %arg35: memref<!tpu.dma_semaphore, #tpu.memory_space<semaphore_mem>>, %arg36: memref<!tpu.dma_semaphore, #tpu.memory_space<semaphore_mem>>) attributes {dimension_semantics = [#tpu.dimension_semantics<core_parallel>, #tpu.dimension_semantics<subcore_parallel>], iteration_bounds = array<i64: 2, 16>, scalar_prefetch = 0 : i64, scratch_operands = 22 : i64, tpu.core_type = #tpu.core_type<sc_vector_subcore>, window_params = [{transform_indices = #map}, {transform_indices = #map}, {transform_indices = #map}, {transform_indices = #map}, {transform_indices = #map}, {transform_indices = #map}, {transform_indices = #map}, {transform_indices = #map}, {transform_indices = #map}, {transform_indices = #map}, {transform_indices = #map}, {transform_indices = #map}, {transform_indices = #map}]} {
    %mul3A = arith.constant 2 : i32
    %mul3A_0 = arith.muli %arg1, %mul3A : i32
    %add3A = arith.addi %mul3A_0, %arg0 : i32
    %mul3A_1 = arith.constant 262144 : i32
    %mul3A_2 = arith.muli %add3A, %mul3A_1 : i32
    "tpu.region"() ({
      %run_scoped3A = tpu.sem_alloc : memref<!tpu.dma_semaphore, #tpu.memory_space<semaphore_mem>>
      tpu.enqueue_dma source(%arg3 : memref<144xf32, #tpu.memory_space<hbm>>) target(%arg15 : memref<144xf32, #tpu.memory_space<vmem>>) target_semaphore(%run_scoped3A : memref<!tpu.dma_semaphore, #tpu.memory_space<semaphore_mem>>)
      tpu.wait_dma2 semaphore(%run_scoped3A : memref<!tpu.dma_semaphore, #tpu.memory_space<semaphore_mem>>) src(%arg3 : memref<144xf32, #tpu.memory_space<hbm>>) dst(%arg15 : memref<144xf32, #tpu.memory_space<vmem>>)
      tpu.yield
    }) : () -> ()
    "tpu.region"() ({
      %run_scoped3A = tpu.sem_alloc : memref<!tpu.dma_semaphore, #tpu.memory_space<semaphore_mem>>
      tpu.enqueue_dma source(%arg4 : memref<144xf32, #tpu.memory_space<hbm>>) target(%arg16 : memref<144xf32, #tpu.memory_space<vmem>>) target_semaphore(%run_scoped3A : memref<!tpu.dma_semaphore, #tpu.memory_space<semaphore_mem>>)
      tpu.wait_dma2 semaphore(%run_scoped3A : memref<!tpu.dma_semaphore, #tpu.memory_space<semaphore_mem>>) src(%arg4 : memref<144xf32, #tpu.memory_space<hbm>>) dst(%arg16 : memref<144xf32, #tpu.memory_space<vmem>>)
      tpu.yield
    }) : () -> ()
    "tpu.region"() ({
      %run_scoped3A = tpu.sem_alloc : memref<!tpu.dma_semaphore, #tpu.memory_space<semaphore_mem>>
      tpu.enqueue_dma source(%arg5 : memref<144xf32, #tpu.memory_space<hbm>>) target(%arg17 : memref<144xf32, #tpu.memory_space<vmem>>) target_semaphore(%run_scoped3A : memref<!tpu.dma_semaphore, #tpu.memory_space<semaphore_mem>>)
      tpu.wait_dma2 semaphore(%run_scoped3A : memref<!tpu.dma_semaphore, #tpu.memory_space<semaphore_mem>>) src(%arg5 : memref<144xf32, #tpu.memory_space<hbm>>) dst(%arg17 : memref<144xf32, #tpu.memory_space<vmem>>)
      tpu.yield
    }) : () -> ()
    "tpu.region"() ({
      %run_scoped3A = tpu.sem_alloc : memref<!tpu.dma_semaphore, #tpu.memory_space<semaphore_mem>>
      tpu.enqueue_dma source(%arg6 : memref<144xf32, #tpu.memory_space<hbm>>) target(%arg18 : memref<144xf32, #tpu.memory_space<vmem>>) target_semaphore(%run_scoped3A : memref<!tpu.dma_semaphore, #tpu.memory_space<semaphore_mem>>)
      tpu.wait_dma2 semaphore(%run_scoped3A : memref<!tpu.dma_semaphore, #tpu.memory_space<semaphore_mem>>) src(%arg6 : memref<144xf32, #tpu.memory_space<hbm>>) dst(%arg18 : memref<144xf32, #tpu.memory_space<vmem>>)
      tpu.yield
    }) : () -> ()
    "tpu.region"() ({
      %run_scoped3A = tpu.sem_alloc : memref<!tpu.dma_semaphore, #tpu.memory_space<semaphore_mem>>
      tpu.enqueue_dma source(%arg7 : memref<144xf32, #tpu.memory_space<hbm>>) target(%arg19 : memref<144xf32, #tpu.memory_space<vmem>>) target_semaphore(%run_scoped3A : memref<!tpu.dma_semaphore, #tpu.memory_space<semaphore_mem>>)
      tpu.wait_dma2 semaphore(%run_scoped3A : memref<!tpu.dma_semaphore, #tpu.memory_space<semaphore_mem>>) src(%arg7 : memref<144xf32, #tpu.memory_space<hbm>>) dst(%arg19 : memref<144xf32, #tpu.memory_space<vmem>>)
      tpu.yield
    }) : () -> ()
    "tpu.region"() ({
      %run_scoped3A = tpu.sem_alloc : memref<!tpu.dma_semaphore, #tpu.memory_space<semaphore_mem>>
      tpu.enqueue_dma source(%arg8 : memref<144xf32, #tpu.memory_space<hbm>>) target(%arg20 : memref<144xf32, #tpu.memory_space<vmem>>) target_semaphore(%run_scoped3A : memref<!tpu.dma_semaphore, #tpu.memory_space<semaphore_mem>>)
      tpu.wait_dma2 semaphore(%run_scoped3A : memref<!tpu.dma_semaphore, #tpu.memory_space<semaphore_mem>>) src(%arg8 : memref<144xf32, #tpu.memory_space<hbm>>) dst(%arg20 : memref<144xf32, #tpu.memory_space<vmem>>)
      tpu.yield
    }) : () -> ()
    "tpu.region"() ({
      %run_scoped3A = tpu.sem_alloc : memref<!tpu.dma_semaphore, #tpu.memory_space<semaphore_mem>>
      tpu.enqueue_dma source(%arg9 : memref<64xf32, #tpu.memory_space<hbm>>) target(%arg21 : memref<64xf32, #tpu.memory_space<vmem>>) target_semaphore(%run_scoped3A : memref<!tpu.dma_semaphore, #tpu.memory_space<semaphore_mem>>)
      tpu.wait_dma2 semaphore(%run_scoped3A : memref<!tpu.dma_semaphore, #tpu.memory_space<semaphore_mem>>) src(%arg9 : memref<64xf32, #tpu.memory_space<hbm>>) dst(%arg21 : memref<64xf32, #tpu.memory_space<vmem>>)
      tpu.yield
    }) : () -> ()
    "tpu.region"() ({
      %run_scoped3A = tpu.sem_alloc : memref<!tpu.dma_semaphore, #tpu.memory_space<semaphore_mem>>
      tpu.enqueue_dma source(%arg10 : memref<144xf32, #tpu.memory_space<hbm>>) target(%arg22 : memref<144xf32, #tpu.memory_space<vmem>>) target_semaphore(%run_scoped3A : memref<!tpu.dma_semaphore, #tpu.memory_space<semaphore_mem>>)
      tpu.wait_dma2 semaphore(%run_scoped3A : memref<!tpu.dma_semaphore, #tpu.memory_space<semaphore_mem>>) src(%arg10 : memref<144xf32, #tpu.memory_space<hbm>>) dst(%arg22 : memref<144xf32, #tpu.memory_space<vmem>>)
      tpu.yield
    }) : () -> ()
    "tpu.region"() ({
      %run_scoped3A = tpu.sem_alloc : memref<!tpu.dma_semaphore, #tpu.memory_space<semaphore_mem>>
      tpu.enqueue_dma source(%arg11 : memref<128xf32, #tpu.memory_space<hbm>>) target(%arg23 : memref<128xf32, #tpu.memory_space<vmem>>) target_semaphore(%run_scoped3A : memref<!tpu.dma_semaphore, #tpu.memory_space<semaphore_mem>>)
      tpu.wait_dma2 semaphore(%run_scoped3A : memref<!tpu.dma_semaphore, #tpu.memory_space<semaphore_mem>>) src(%arg11 : memref<128xf32, #tpu.memory_space<hbm>>) dst(%arg23 : memref<128xf32, #tpu.memory_space<vmem>>)
      tpu.yield
    }) : () -> ()
    "tpu.region"() ({
      %run_scoped3A = tpu.sem_alloc : memref<!tpu.dma_semaphore, #tpu.memory_space<semaphore_mem>>
      tpu.enqueue_dma source(%arg12 : memref<128xf32, #tpu.memory_space<hbm>>) target(%arg24 : memref<128xf32, #tpu.memory_space<vmem>>) target_semaphore(%run_scoped3A : memref<!tpu.dma_semaphore, #tpu.memory_space<semaphore_mem>>)
      tpu.wait_dma2 semaphore(%run_scoped3A : memref<!tpu.dma_semaphore, #tpu.memory_space<semaphore_mem>>) src(%arg12 : memref<128xf32, #tpu.memory_space<hbm>>) dst(%arg24 : memref<128xf32, #tpu.memory_space<vmem>>)
      tpu.yield
    }) : () -> ()
    %get3A = arith.constant 0 : index
    %get3A_3 = tpu.vector_load %arg21[%get3A] {strides = array<i32>} : memref<64xf32, #tpu.memory_space<vmem>>, vector<16xf32>,
    %get3A_4 = arith.constant 16 : index
    %get3A_5 = tpu.vector_load %arg21[%get3A_4] {strides = array<i32>} : memref<64xf32, #tpu.memory_space<vmem>>, vector<16xf32>,
    %get3A_6 = arith.constant 32 : index
    %get3A_7 = tpu.vector_load %arg21[%get3A_6] {strides = array<i32>} : memref<64xf32, #tpu.memory_space<vmem>>, vector<16xf32>,
    %get3A_8 = arith.constant 48 : index
    %get3A_9 = tpu.vector_load %arg21[%get3A_8] {strides = array<i32>} : memref<64xf32, #tpu.memory_space<vmem>>, vector<16xf32>,
    %broadcast_in_dim3A = arith.constant 0.000000e+00 : f32
    %broadcast_in_dim3A_10 = vector.broadcast %broadcast_in_dim3A : f32 to vector<16xf32>
    %broadcast_in_dim3A_11 = arith.constant 1.000000e+00 : f32
    %broadcast_in_dim3A_12 = vector.broadcast %broadcast_in_dim3A_11 : f32 to vector<16xf32>
    %broadcast_in_dim3A_13 = arith.constant -5.000000e+00 : f32
    %broadcast_in_dim3A_14 = vector.broadcast %broadcast_in_dim3A_13 : f32 to vector<16xf32>
    %broadcast_in_dim3A_15 = arith.constant 5.000000e+00 : f32
    %broadcast_in_dim3A_16 = vector.broadcast %broadcast_in_dim3A_15 : f32 to vector<16xf32>
    %broadcast_in_dim3A_17 = arith.constant 0.693147182 : f32
    %broadcast_in_dim3A_18 = vector.broadcast %broadcast_in_dim3A_17 : f32 to vector<16xf32>
    %broadcast_in_dim3A_19 = arith.constant 0 : i32
    %broadcast_in_dim3A_20 = vector.broadcast %broadcast_in_dim3A_19 : i32 to vector<16xi32>
    %broadcast_in_dim3A_21 = arith.constant 127 : i32
    %broadcast_in_dim3A_22 = vector.broadcast %broadcast_in_dim3A_21 : i32 to vector<16xi32>
    %broadcast_in_dim3A_23 = arith.constant 65535 : i32
    %broadcast_in_dim3A_24 = vector.broadcast %broadcast_in_dim3A_23 : i32 to vector<16xi32>
    %dma_start3A = tpu.memref_slice %arg2[%mul3A_2] : memref<8388608xf32, #tpu.memory_space<hbm>> -> memref<16384xf32, #tpu.memory_space<hbm>>
    %dma_start3A_25 = tpu.memref_slice %arg2[%mul3A_2] : memref<8388608xf32, #tpu.memory_space<hbm>> -> memref<16384xf32, #tpu.memory_space<hbm>>
    tpu.enqueue_dma source(%dma_start3A_25 : memref<16384xf32, #tpu.memory_space<hbm>>) target(%arg25 : memref<16384xf32, #tpu.memory_space<vmem>>) target_semaphore(%arg31 : memref<!tpu.dma_semaphore, #tpu.memory_space<semaphore_mem>>)
    %add3A_26 = arith.constant 16384 : i32
    %add3A_27 = arith.addi %mul3A_2, %add3A_26 : i32
    %dma_start3A_28 = tpu.memref_slice %arg2[%add3A_27] : memref<8388608xf32, #tpu.memory_space<hbm>> -> memref<16384xf32, #tpu.memory_space<hbm>>
    %dma_start3A_29 = tpu.memref_slice %arg2[%add3A_27] : memref<8388608xf32, #tpu.memory_space<hbm>> -> memref<16384xf32, #tpu.memory_space<hbm>>
    tpu.enqueue_dma source(%dma_start3A_29 : memref<16384xf32, #tpu.memory_space<hbm>>) target(%arg26 : memref<16384xf32, #tpu.memory_space<vmem>>) target_semaphore(%arg32 : memref<!tpu.dma_semaphore, #tpu.memory_space<semaphore_mem>>)
    %scan3A = arith.constant 0 : i32
    %scan3A_30 = arith.constant 0 : i32
    %scan3A_31 = arith.constant 8 : i32
    %scan3A_32 = arith.addi %scan3A_30, %scan3A_31 : i32
    %scan3A_33 = arith.constant 1 : i32
    scf.for %scan3A_48 = %scan3A_30 to %scan3A_32 step %scan3A_33  : i32 {
      %mul3A_49 = arith.constant 2 : i32
      %mul3A_50 = arith.muli %mul3A_49, %scan3A_48 : i32
      %mul3A_51 = arith.constant 16384 : i32
      %mul3A_52 = arith.muli %mul3A_50, %mul3A_51 : i32
      %add3A_53 = arith.addi %mul3A_2, %mul3A_52 : i32
      %gt3A = arith.constant 0 : i32
      %gt3A_54 = arith.cmpi sgt, %scan3A_48, %gt3A : i32
      %convert_element_type3A = arith.extui %gt3A_54 : i1 to i32
      %cond3A = arith.constant 0 : i32
      %cond3A_55 = arith.cmpi ne, %convert_element_type3A, %cond3A : i32
      scf.if %cond3A_55 {
        %dma_wait3A_94 = tpu.memref_slice %arg13[%add3A_53] : memref<8388608xf32, #tpu.memory_space<hbm>> -> memref<16384xf32, #tpu.memory_space<hbm>>
        %dma_wait3A_95 = tpu.memref_slice %arg13[%add3A_53] : memref<8388608xf32, #tpu.memory_space<hbm>> -> memref<16384xf32, #tpu.memory_space<hbm>>
        tpu.wait_dma2 semaphore(%arg33 : memref<!tpu.dma_semaphore, #tpu.memory_space<semaphore_mem>>) src(%arg27 : memref<16384xf32, #tpu.memory_space<vmem>>) dst(%dma_wait3A_95 : memref<16384xf32, #tpu.memory_space<hbm>>)
        %dma_wait3A_96 = tpu.memref_slice %arg14[%add3A_53] : memref<8388608xf32, #tpu.memory_space<hbm>> -> memref<16384xf32, #tpu.memory_space<hbm>>
        %dma_wait3A_97 = tpu.memref_slice %arg14[%add3A_53] : memref<8388608xf32, #tpu.memory_space<hbm>> -> memref<16384xf32, #tpu.memory_space<hbm>>
        tpu.wait_dma2 semaphore(%arg35 : memref<!tpu.dma_semaphore, #tpu.memory_space<semaphore_mem>>) src(%arg29 : memref<16384xf32, #tpu.memory_space<vmem>>) dst(%dma_wait3A_97 : memref<16384xf32, #tpu.memory_space<hbm>>)
      } else {
      }
      %dma_wait3A_56 = tpu.memref_slice %arg2[%add3A_53] : memref<8388608xf32, #tpu.memory_space<hbm>> -> memref<16384xf32, #tpu.memory_space<hbm>>
      %dma_wait3A_57 = tpu.memref_slice %arg2[%add3A_53] : memref<8388608xf32, #tpu.memory_space<hbm>> -> memref<16384xf32, #tpu.memory_space<hbm>>
      tpu.wait_dma2 semaphore(%arg31 : memref<!tpu.dma_semaphore, #tpu.memory_space<semaphore_mem>>) src(%dma_wait3A_57 : memref<16384xf32, #tpu.memory_space<hbm>>) dst(%arg25 : memref<16384xf32, #tpu.memory_space<vmem>>)
      %parallel_loop3A = arith.constant 0 : i32
      %parallel_loop3A_58 = arith.constant 16384 : i32
      %parallel_loop3A_59 = arith.constant 16 : i32
      scf.for %parallel_loop3A_94 = %parallel_loop3A to %parallel_loop3A_58 step %parallel_loop3A_59  : i32 {
        %parallel_loop3A_95 = arith.index_cast %parallel_loop3A_94 : i32 to index
        %parallel_loop3A_96 = tpu.vector_load %arg25[%parallel_loop3A_95] {strides = array<i32>} : memref<16384xf32, #tpu.memory_space<vmem>>, vector<16xf32>,
        %parallel_loop3A_97 = arith.maximumf %parallel_loop3A_96, %broadcast_in_dim3A_14 : vector<16xf32>
        %parallel_loop3A_98 = arith.minimumf %parallel_loop3A_97, %broadcast_in_dim3A_16 : vector<16xf32>
        %parallel_loop3A_99 = arith.constant 8 : i32
        %parallel_loop3A_100 = vector.broadcast %parallel_loop3A_99 : i32 to vector<16xi32>
        %parallel_loop3A_101 = arith.addi %broadcast_in_dim3A_20, %parallel_loop3A_100 : vector<16xi32>
        %parallel_loop3A_102 = arith.constant 0 : i32
        %parallel_loop3A_103 = vector.broadcast %parallel_loop3A_102 : i32 to vector<16xi32>
        %parallel_loop3A_104 = arith.cmpi slt, %parallel_loop3A_101, %parallel_loop3A_103 : vector<16xi32>
        %parallel_loop3A_105 = arith.constant 16 : i32
        %parallel_loop3A_106 = vector.broadcast %parallel_loop3A_105 : i32 to vector<16xi32>
        %parallel_loop3A_107 = arith.addi %parallel_loop3A_101, %parallel_loop3A_106 : vector<16xi32>
        %parallel_loop3A_108 = arith.select %parallel_loop3A_104, %parallel_loop3A_107, %parallel_loop3A_101 : vector<16xi1>, vector<16xi32>
        %parallel_loop3A_109 = vector.shape_cast %parallel_loop3A_108 : vector<16xi32> to vector<16x1xi32>
        %parallel_loop3A_110 = vector.shape_cast %parallel_loop3A_109 : vector<16x1xi32> to vector<16xi32>
        %parallel_loop3A_111 = tpu.dynamic_gather %get3A_3[%parallel_loop3A_110] in [0] : vector<16xf32>, vector<16xi32> -> vector<16xf32>
        %parallel_loop3A_112 = arith.cmpf ole, %parallel_loop3A_111, %parallel_loop3A_98 : vector<16xf32>
        %parallel_loop3A_113 = arith.select %parallel_loop3A_112, %parallel_loop3A_101, %broadcast_in_dim3A_20 : vector<16xi1>, vector<16xi32>
        %parallel_loop3A_114 = arith.constant 4 : i32
        %parallel_loop3A_115 = vector.broadcast %parallel_loop3A_114 : i32 to vector<16xi32>
        %parallel_loop3A_116 = arith.addi %parallel_loop3A_113, %parallel_loop3A_115 : vector<16xi32>
        %parallel_loop3A_117 = arith.constant 0 : i32
        %parallel_loop3A_118 = vector.broadcast %parallel_loop3A_117 : i32 to vector<16xi32>
        %parallel_loop3A_119 = arith.cmpi slt, %parallel_loop3A_116, %parallel_loop3A_118 : vector<16xi32>
        %parallel_loop3A_120 = arith.constant 16 : i32
        %parallel_loop3A_121 = vector.broadcast %parallel_loop3A_120 : i32 to vector<16xi32>
        %parallel_loop3A_122 = arith.addi %parallel_loop3A_116, %parallel_loop3A_121 : vector<16xi32>
        %parallel_loop3A_123 = arith.select %parallel_loop3A_119, %parallel_loop3A_122, %parallel_loop3A_116 : vector<16xi1>, vector<16xi32>
        %parallel_loop3A_124 = vector.shape_cast %parallel_loop3A_123 : vector<16xi32> to vector<16x1xi32>
        %parallel_loop3A_125 = vector.shape_cast %parallel_loop3A_124 : vector<16x1xi32> to vector<16xi32>
        %parallel_loop3A_126 = tpu.dynamic_gather %get3A_3[%parallel_loop3A_125] in [0] : vector<16xf32>, vector<16xi32> -> vector<16xf32>
        %parallel_loop3A_127 = arith.cmpf ole, %parallel_loop3A_126, %parallel_loop3A_98 : vector<16xf32>
        %parallel_loop3A_128 = arith.select %parallel_loop3A_127, %parallel_loop3A_116, %parallel_loop3A_113 : vector<16xi1>, vector<16xi32>
        %parallel_loop3A_129 = arith.constant 2 : i32
        %parallel_loop3A_130 = vector.broadcast %parallel_loop3A_129 : i32 to vector<16xi32>
        %parallel_loop3A_131 = arith.addi %parallel_loop3A_128, %parallel_loop3A_130 : vector<16xi32>
        %parallel_loop3A_132 = arith.constant 0 : i32
        %parallel_loop3A_133 = vector.broadcast %parallel_loop3A_132 : i32 to vector<16xi32>
        %parallel_loop3A_134 = arith.cmpi slt, %parallel_loop3A_131, %parallel_loop3A_133 : vector<16xi32>
        %parallel_loop3A_135 = arith.constant 16 : i32
        %parallel_loop3A_136 = vector.broadcast %parallel_loop3A_135 : i32 to vector<16xi32>
        %parallel_loop3A_137 = arith.addi %parallel_loop3A_131, %parallel_loop3A_136 : vector<16xi32>
        %parallel_loop3A_138 = arith.select %parallel_loop3A_134, %parallel_loop3A_137, %parallel_loop3A_131 : vector<16xi1>, vector<16xi32>
        %parallel_loop3A_139 = vector.shape_cast %parallel_loop3A_138 : vector<16xi32> to vector<16x1xi32>
        %parallel_loop3A_140 = vector.shape_cast %parallel_loop3A_139 : vector<16x1xi32> to vector<16xi32>
        %parallel_loop3A_141 = tpu.dynamic_gather %get3A_3[%parallel_loop3A_140] in [0] : vector<16xf32>, vector<16xi32> -> vector<16xf32>
        %parallel_loop3A_142 = arith.cmpf ole, %parallel_loop3A_141, %parallel_loop3A_98 : vector<16xf32>
        %parallel_loop3A_143 = arith.select %parallel_loop3A_142, %parallel_loop3A_131, %parallel_loop3A_128 : vector<16xi1>, vector<16xi32>
        %parallel_loop3A_144 = arith.constant 1 : i32
        %parallel_loop3A_145 = vector.broadcast %parallel_loop3A_144 : i32 to vector<16xi32>
        %parallel_loop3A_146 = arith.addi %parallel_loop3A_143, %parallel_loop3A_145 : vector<16xi32>
        %parallel_loop3A_147 = arith.constant 0 : i32
        %parallel_loop3A_148 = vector.broadcast %parallel_loop3A_147 : i32 to vector<16xi32>
        %parallel_loop3A_149 = arith.cmpi slt, %parallel_loop3A_146, %parallel_loop3A_148 : vector<16xi32>
        %parallel_loop3A_150 = arith.constant 16 : i32
        %parallel_loop3A_151 = vector.broadcast %parallel_loop3A_150 : i32 to vector<16xi32>
        %parallel_loop3A_152 = arith.addi %parallel_loop3A_146, %parallel_loop3A_151 : vector<16xi32>
        %parallel_loop3A_153 = arith.select %parallel_loop3A_149, %parallel_loop3A_152, %parallel_loop3A_146 : vector<16xi1>, vector<16xi32>
        %parallel_loop3A_154 = vector.shape_cast %parallel_loop3A_153 : vector<16xi32> to vector<16x1xi32>
        %parallel_loop3A_155 = vector.shape_cast %parallel_loop3A_154 : vector<16x1xi32> to vector<16xi32>
        %parallel_loop3A_156 = tpu.dynamic_gather %get3A_3[%parallel_loop3A_155] in [0] : vector<16xf32>, vector<16xi32> -> vector<16xf32>
        %parallel_loop3A_157 = arith.cmpf ole, %parallel_loop3A_156, %parallel_loop3A_98 : vector<16xf32>
        %parallel_loop3A_158 = arith.select %parallel_loop3A_157, %parallel_loop3A_146, %parallel_loop3A_143 : vector<16xi1>, vector<16xi32>
        %parallel_loop3A_159 = arith.constant 0 : i32
        %parallel_loop3A_160 = vector.broadcast %parallel_loop3A_159 : i32 to vector<16xi32>
        %parallel_loop3A_161 = arith.cmpi slt, %parallel_loop3A_158, %parallel_loop3A_160 : vector<16xi32>
        %parallel_loop3A_162 = arith.constant 16 : i32
        %parallel_loop3A_163 = vector.broadcast %parallel_loop3A_162 : i32 to vector<16xi32>
        %parallel_loop3A_164 = arith.addi %parallel_loop3A_158, %parallel_loop3A_163 : vector<16xi32>
        %parallel_loop3A_165 = arith.select %parallel_loop3A_161, %parallel_loop3A_164, %parallel_loop3A_158 : vector<16xi1>, vector<16xi32>
        %parallel_loop3A_166 = vector.shape_cast %parallel_loop3A_165 : vector<16xi32> to vector<16x1xi32>
        %parallel_loop3A_167 = vector.shape_cast %parallel_loop3A_166 : vector<16x1xi32> to vector<16xi32>
        %parallel_loop3A_168 = tpu.dynamic_gather %get3A_5[%parallel_loop3A_167] in [0] : vector<16xf32>, vector<16xi32> -> vector<16xf32>
        %parallel_loop3A_169 = arith.cmpf ole, %parallel_loop3A_168, %parallel_loop3A_98 : vector<16xf32>
        %parallel_loop3A_170 = arith.constant 0 : i32
        %parallel_loop3A_171 = vector.broadcast %parallel_loop3A_170 : i32 to vector<16xi32>
        %parallel_loop3A_172 = arith.cmpi slt, %parallel_loop3A_158, %parallel_loop3A_171 : vector<16xi32>
        %parallel_loop3A_173 = arith.constant 16 : i32
        %parallel_loop3A_174 = vector.broadcast %parallel_loop3A_173 : i32 to vector<16xi32>
        %parallel_loop3A_175 = arith.addi %parallel_loop3A_158, %parallel_loop3A_174 : vector<16xi32>
        %parallel_loop3A_176 = arith.select %parallel_loop3A_172, %parallel_loop3A_175, %parallel_loop3A_158 : vector<16xi1>, vector<16xi32>
        %parallel_loop3A_177 = vector.shape_cast %parallel_loop3A_176 : vector<16xi32> to vector<16x1xi32>
        %parallel_loop3A_178 = vector.shape_cast %parallel_loop3A_177 : vector<16x1xi32> to vector<16xi32>
        %parallel_loop3A_179 = tpu.dynamic_gather %get3A_9[%parallel_loop3A_178] in [0] : vector<16xf32>, vector<16xi32> -> vector<16xf32>
        %parallel_loop3A_180 = arith.constant 0 : i32
        %parallel_loop3A_181 = vector.broadcast %parallel_loop3A_180 : i32 to vector<16xi32>
        %parallel_loop3A_182 = arith.cmpi slt, %parallel_loop3A_158, %parallel_loop3A_181 : vector<16xi32>
        %parallel_loop3A_183 = arith.constant 16 : i32
        %parallel_loop3A_184 = vector.broadcast %parallel_loop3A_183 : i32 to vector<16xi32>
        %parallel_loop3A_185 = arith.addi %parallel_loop3A_158, %parallel_loop3A_184 : vector<16xi32>
        %parallel_loop3A_186 = arith.select %parallel_loop3A_182, %parallel_loop3A_185, %parallel_loop3A_158 : vector<16xi1>, vector<16xi32>
        %parallel_loop3A_187 = vector.shape_cast %parallel_loop3A_186 : vector<16xi32> to vector<16x1xi32>
        %parallel_loop3A_188 = vector.shape_cast %parallel_loop3A_187 : vector<16x1xi32> to vector<16xi32>
        %parallel_loop3A_189 = tpu.dynamic_gather %get3A_7[%parallel_loop3A_188] in [0] : vector<16xf32>, vector<16xi32> -> vector<16xf32>
        %parallel_loop3A_190 = arith.select %parallel_loop3A_169, %parallel_loop3A_179, %parallel_loop3A_189 : vector<16xi1>, vector<16xf32>
        %parallel_loop3A_191 = arith.cmpf ole, %parallel_loop3A_190, %parallel_loop3A_98 : vector<16xf32>
        %parallel_loop3A_192 = arith.constant 8 : i32
        %parallel_loop3A_193 = vector.broadcast %parallel_loop3A_192 : i32 to vector<16xi32>
        %parallel_loop3A_194 = arith.muli %parallel_loop3A_158, %parallel_loop3A_193 : vector<16xi32>
        %parallel_loop3A_195 = arith.constant 4 : i32
        %parallel_loop3A_196 = arith.constant 0 : i32
        %parallel_loop3A_197 = vector.broadcast %parallel_loop3A_195 : i32 to vector<16xi32>
        %parallel_loop3A_198 = vector.broadcast %parallel_loop3A_196 : i32 to vector<16xi32>
        %parallel_loop3A_199 = arith.select %parallel_loop3A_169, %parallel_loop3A_197, %parallel_loop3A_198 : vector<16xi1>, vector<16xi32>
        %parallel_loop3A_200 = arith.addi %parallel_loop3A_194, %parallel_loop3A_199 : vector<16xi32>
        %parallel_loop3A_201 = arith.constant 2 : i32
        %parallel_loop3A_202 = arith.constant 0 : i32
        %parallel_loop3A_203 = vector.broadcast %parallel_loop3A_201 : i32 to vector<16xi32>
        %parallel_loop3A_204 = vector.broadcast %parallel_loop3A_202 : i32 to vector<16xi32>
        %parallel_loop3A_205 = arith.select %parallel_loop3A_191, %parallel_loop3A_203, %parallel_loop3A_204 : vector<16xi1>, vector<16xi32>
        %parallel_loop3A_206 = arith.addi %parallel_loop3A_200, %parallel_loop3A_205 : vector<16xi32>
        %parallel_loop3A_207 = arith.constant 1 : i32
        %parallel_loop3A_208 = vector.broadcast %parallel_loop3A_207 : i32 to vector<16xi32>
        %parallel_loop3A_209 = arith.addi %parallel_loop3A_206, %parallel_loop3A_208 : vector<16xi32>
        %parallel_loop3A_210 = tpu.vector_load_idx %arg15[%parallel_loop3A_209] : memref<144xf32, #tpu.memory_space<vmem>>[vector<16xi32>], vector<16xf32>,
        %parallel_loop3A_211 = arith.cmpf ole, %parallel_loop3A_210, %parallel_loop3A_98 : vector<16xf32>
        %parallel_loop3A_212 = arith.select %parallel_loop3A_211, %parallel_loop3A_209, %parallel_loop3A_206 : vector<16xi1>, vector<16xi32>
        %parallel_loop3A_213 = tpu.vector_load_idx %arg20[%parallel_loop3A_212] : memref<144xf32, #tpu.memory_space<vmem>>[vector<16xi32>], vector<16xf32>,
        %parallel_loop3A_214 = tpu.vector_load_idx %arg16[%parallel_loop3A_212] : memref<144xf32, #tpu.memory_space<vmem>>[vector<16xi32>], vector<16xf32>,
        %parallel_loop3A_215 = tpu.vector_load_idx %arg18[%parallel_loop3A_212] : memref<144xf32, #tpu.memory_space<vmem>>[vector<16xi32>], vector<16xf32>,
        %parallel_loop3A_216 = tpu.vector_load_idx %arg19[%parallel_loop3A_212] : memref<144xf32, #tpu.memory_space<vmem>>[vector<16xi32>], vector<16xf32>,
        %parallel_loop3A_217 = tpu.vector_load_idx %arg17[%parallel_loop3A_212] : memref<144xf32, #tpu.memory_space<vmem>>[vector<16xi32>], vector<16xf32>,
        %parallel_loop3A_218 = arith.constant 1 : i32
        %parallel_loop3A_219 = vector.broadcast %parallel_loop3A_218 : i32 to vector<16xi32>
        %parallel_loop3A_220 = arith.addi %parallel_loop3A_212, %parallel_loop3A_219 : vector<16xi32>
        %parallel_loop3A_221 = tpu.vector_load_idx %arg17[%parallel_loop3A_220] : memref<144xf32, #tpu.memory_space<vmem>>[vector<16xi32>], vector<16xf32>,
        %parallel_loop3A_222 = tpu.vector_load_idx %arg22[%parallel_loop3A_212] : memref<144xf32, #tpu.memory_space<vmem>>[vector<16xi32>], vector<16xf32>,
        %parallel_loop3A_223 = arith.mulf %parallel_loop3A_216, %parallel_loop3A_215 : vector<16xf32>
        %parallel_loop3A_224 = arith.mulf %parallel_loop3A_98, %parallel_loop3A_215 : vector<16xf32>
        %parallel_loop3A_225 = arith.addf %parallel_loop3A_224, %parallel_loop3A_213 : vector<16xf32>
        %parallel_loop3A_226 = arith.maximumf %parallel_loop3A_225, %broadcast_in_dim3A_10 : vector<16xf32>
        %parallel_loop3A_227 = arith.minimumf %parallel_loop3A_226, %broadcast_in_dim3A_12 : vector<16xf32>
        %parallel_loop3A_228 = arith.subf %broadcast_in_dim3A_12, %parallel_loop3A_227 : vector<16xf32>
        %parallel_loop3A_229 = arith.mulf %parallel_loop3A_227, %parallel_loop3A_228 : vector<16xf32>
        %parallel_loop3A_230 = arith.mulf %parallel_loop3A_217, %parallel_loop3A_228 : vector<16xf32>
        %parallel_loop3A_231 = arith.mulf %parallel_loop3A_223, %parallel_loop3A_227 : vector<16xf32>
        %parallel_loop3A_232 = arith.addf %parallel_loop3A_231, %parallel_loop3A_230 : vector<16xf32>
        %parallel_loop3A_233 = arith.mulf %parallel_loop3A_227, %parallel_loop3A_232 : vector<16xf32>
        %parallel_loop3A_234 = arith.mulf %parallel_loop3A_222, %parallel_loop3A_229 : vector<16xf32>
        %parallel_loop3A_235 = arith.addf %parallel_loop3A_223, %parallel_loop3A_234 : vector<16xf32>
        %parallel_loop3A_236 = arith.constant 1.000000e+00 : f32
        %parallel_loop3A_237 = vector.broadcast %parallel_loop3A_236 : f32 to vector<16xf32>
        %parallel_loop3A_238 = arith.divf %parallel_loop3A_237, %parallel_loop3A_235 : vector<16xf32>
        %parallel_loop3A_239 = arith.mulf %parallel_loop3A_233, %parallel_loop3A_238 : vector<16xf32>
        %parallel_loop3A_240 = arith.mulf %parallel_loop3A_216, %parallel_loop3A_239 : vector<16xf32>
        %parallel_loop3A_241 = arith.addf %parallel_loop3A_214, %parallel_loop3A_240 : vector<16xf32>
        %parallel_loop3A_242 = arith.mulf %parallel_loop3A_223, %parallel_loop3A_223 : vector<16xf32>
        %parallel_loop3A_243 = arith.mulf %parallel_loop3A_221, %parallel_loop3A_227 : vector<16xf32>
        %parallel_loop3A_244 = arith.mulf %parallel_loop3A_243, %parallel_loop3A_227 : vector<16xf32>
        %parallel_loop3A_245 = arith.addf %parallel_loop3A_223, %parallel_loop3A_223 : vector<16xf32>
        %parallel_loop3A_246 = arith.mulf %parallel_loop3A_245, %parallel_loop3A_229 : vector<16xf32>
        %parallel_loop3A_247 = arith.addf %parallel_loop3A_244, %parallel_loop3A_246 : vector<16xf32>
        %parallel_loop3A_248 = arith.mulf %parallel_loop3A_230, %parallel_loop3A_228 : vector<16xf32>
        %parallel_loop3A_249 = arith.addf %parallel_loop3A_247, %parallel_loop3A_248 : vector<16xf32>
        %parallel_loop3A_250 = arith.mulf %parallel_loop3A_242, %parallel_loop3A_249 : vector<16xf32>
        %parallel_loop3A_251 = arith.mulf %parallel_loop3A_238, %parallel_loop3A_238 : vector<16xf32>
        %parallel_loop3A_252 = arith.mulf %parallel_loop3A_250, %parallel_loop3A_251 : vector<16xf32>
        %parallel_loop3A_253 = arith.cmpf oge, %parallel_loop3A_96, %broadcast_in_dim3A_10 : vector<16xf32>
        %parallel_loop3A_254 = arith.select %parallel_loop3A_253, %parallel_loop3A_221, %parallel_loop3A_217 : vector<16xi1>, vector<16xf32>
        %parallel_loop3A_255 = arith.subf %parallel_loop3A_96, %parallel_loop3A_98 : vector<16xf32>
        %parallel_loop3A_256 = arith.mulf %parallel_loop3A_255, %parallel_loop3A_254 : vector<16xf32>
        %parallel_loop3A_257 = arith.addf %parallel_loop3A_241, %parallel_loop3A_256 : vector<16xf32>
        %parallel_loop3A_258 = tpu.bitcast %parallel_loop3A_252 : vector<16xf32> -> vector<16xi32>
        %parallel_loop3A_259 = tpu.bitcast %parallel_loop3A_252 : vector<16xf32> -> vector<16xi32>
        %parallel_loop3A_260 = arith.constant 23 : i32
        %parallel_loop3A_261 = vector.broadcast %parallel_loop3A_260 : i32 to vector<16xi32>
        %parallel_loop3A_262 = arith.shrsi %parallel_loop3A_258, %parallel_loop3A_261 : vector<16xi32>
        %parallel_loop3A_263 = arith.sitofp %parallel_loop3A_262 : vector<16xi32> to vector<16xf32>
        %parallel_loop3A_264 = arith.constant 9 : i32
        %parallel_loop3A_265 = vector.broadcast %parallel_loop3A_264 : i32 to vector<16xi32>
        %parallel_loop3A_266 = arith.shli %parallel_loop3A_259, %parallel_loop3A_265 : vector<16xi32>
        %parallel_loop3A_267 = arith.constant 25 : i32
        %parallel_loop3A_268 = vector.broadcast %parallel_loop3A_267 : i32 to vector<16xi32>
        %parallel_loop3A_269 = arith.shrui %parallel_loop3A_266, %parallel_loop3A_268 : vector<16xi32>
        %parallel_loop3A_270 = arith.constant 16 : i32
        %parallel_loop3A_271 = vector.broadcast %parallel_loop3A_270 : i32 to vector<16xi32>
        %parallel_loop3A_272 = arith.shli %parallel_loop3A_259, %parallel_loop3A_271 : vector<16xi32>
        %parallel_loop3A_273 = arith.constant 16 : i32
        %parallel_loop3A_274 = vector.broadcast %parallel_loop3A_273 : i32 to vector<16xi32>
        %parallel_loop3A_275 = arith.shrui %parallel_loop3A_272, %parallel_loop3A_274 : vector<16xi32>
        %parallel_loop3A_276 = arith.uitofp %parallel_loop3A_275 : vector<16xi32> to vector<16xf32>
        %parallel_loop3A_277 = tpu.vector_load_idx %arg23[%parallel_loop3A_269] : memref<128xf32, #tpu.memory_space<vmem>>[vector<16xi32>], vector<16xf32>,
        %parallel_loop3A_278 = tpu.vector_load_idx %arg24[%parallel_loop3A_269] : memref<128xf32, #tpu.memory_space<vmem>>[vector<16xi32>], vector<16xf32>,
        %parallel_loop3A_279 = arith.mulf %parallel_loop3A_276, %parallel_loop3A_278 : vector<16xf32>
        %parallel_loop3A_280 = arith.addf %parallel_loop3A_277, %parallel_loop3A_279 : vector<16xf32>
        %parallel_loop3A_281 = arith.index_cast %parallel_loop3A_94 : i32 to index
        %parallel_loop3A_282 = tpu.vector_load %arg27[%parallel_loop3A_281] {strides = array<i32>} : memref<16384xf32, #tpu.memory_space<vmem>>, vector<16xf32>,
        tpu.vector_store %arg27[%parallel_loop3A_281], %parallel_loop3A_257 {strides = array<i32>} : memref<16384xf32, #tpu.memory_space<vmem>>, vector<16xf32>,
        %parallel_loop3A_283 = arith.mulf %parallel_loop3A_263, %broadcast_in_dim3A_18 : vector<16xf32>
        %parallel_loop3A_284 = arith.addf %parallel_loop3A_283, %parallel_loop3A_280 : vector<16xf32>
        %parallel_loop3A_285 = arith.index_cast %parallel_loop3A_94 : i32 to index
        %parallel_loop3A_286 = tpu.vector_load %arg29[%parallel_loop3A_285] {strides = array<i32>} : memref<16384xf32, #tpu.memory_space<vmem>>, vector<16xf32>,
        tpu.vector_store %arg29[%parallel_loop3A_285], %parallel_loop3A_284 {strides = array<i32>} : memref<16384xf32, #tpu.memory_space<vmem>>, vector<16xf32>,
      } {sc.loop_unroll_factor = 24 : i64, sc.parallel_access}
      %dma_start3A_60 = tpu.memref_slice %arg13[%add3A_53] : memref<8388608xf32, #tpu.memory_space<hbm>> -> memref<16384xf32, #tpu.memory_space<hbm>>
      %dma_start3A_61 = tpu.memref_slice %arg13[%add3A_53] : memref<8388608xf32, #tpu.memory_space<hbm>> -> memref<16384xf32, #tpu.memory_space<hbm>>
      tpu.enqueue_dma source(%arg27 : memref<16384xf32, #tpu.memory_space<vmem>>) target(%dma_start3A_61 : memref<16384xf32, #tpu.memory_space<hbm>>) target_semaphore(%arg33 : memref<!tpu.dma_semaphore, #tpu.memory_space<semaphore_mem>>)
      %dma_start3A_62 = tpu.memref_slice %arg14[%add3A_53] : memref<8388608xf32, #tpu.memory_space<hbm>> -> memref<16384xf32, #tpu.memory_space<hbm>>
      %dma_start3A_63 = tpu.memref_slice %arg14[%add3A_53] : memref<8388608xf32, #tpu.memory_space<hbm>> -> memref<16384xf32, #tpu.memory_space<hbm>>
      tpu.enqueue_dma source(%arg29 : memref<16384xf32, #tpu.memory_space<vmem>>) target(%dma_start3A_63 : memref<16384xf32, #tpu.memory_space<hbm>>) target_semaphore(%arg35 : memref<!tpu.dma_semaphore, #tpu.memory_space<semaphore_mem>>)
      %lt3A = arith.constant 7 : i32
      %lt3A_64 = arith.cmpi slt, %scan3A_48, %lt3A : i32
      %convert_element_type3A_65 = arith.extui %lt3A_64 : i1 to i32
      %cond3A_66 = arith.constant 0 : i32
      %cond3A_67 = arith.cmpi ne, %convert_element_type3A_65, %cond3A_66 : i32
      scf.if %cond3A_67 {
        %add3A_94 = arith.constant 32768 : i32
        %add3A_95 = arith.addi %add3A_53, %add3A_94 : i32
        %dma_start3A_96 = tpu.memref_slice %arg2[%add3A_95] : memref<8388608xf32, #tpu.memory_space<hbm>> -> memref<16384xf32, #tpu.memory_space<hbm>>
        %dma_start3A_97 = tpu.memref_slice %arg2[%add3A_95] : memref<8388608xf32, #tpu.memory_space<hbm>> -> memref<16384xf32, #tpu.memory_space<hbm>>
        tpu.enqueue_dma source(%dma_start3A_97 : memref<16384xf32, #tpu.memory_space<hbm>>) target(%arg25 : memref<16384xf32, #tpu.memory_space<vmem>>) target_semaphore(%arg31 : memref<!tpu.dma_semaphore, #tpu.memory_space<semaphore_mem>>)
      } else {
      }
      %mul3A_68 = arith.constant 2 : i32
      %mul3A_69 = arith.muli %mul3A_68, %scan3A_48 : i32
      %add3A_70 = arith.constant 1 : i32
      %add3A_71 = arith.addi %mul3A_69, %add3A_70 : i32
      %mul3A_72 = arith.constant 16384 : i32
      %mul3A_73 = arith.muli %add3A_71, %mul3A_72 : i32
      %add3A_74 = arith.addi %mul3A_2, %mul3A_73 : i32
      %gt3A_75 = arith.constant 0 : i32
      %gt3A_76 = arith.cmpi sgt, %scan3A_48, %gt3A_75 : i32
      %convert_element_type3A_77 = arith.extui %gt3A_76 : i1 to i32
      %cond3A_78 = arith.constant 0 : i32
      %cond3A_79 = arith.cmpi ne, %convert_element_type3A_77, %cond3A_78 : i32
      scf.if %cond3A_79 {
        %dma_wait3A_94 = tpu.memref_slice %arg13[%add3A_74] : memref<8388608xf32, #tpu.memory_space<hbm>> -> memref<16384xf32, #tpu.memory_space<hbm>>
        %dma_wait3A_95 = tpu.memref_slice %arg13[%add3A_74] : memref<8388608xf32, #tpu.memory_space<hbm>> -> memref<16384xf32, #tpu.memory_space<hbm>>
        tpu.wait_dma2 semaphore(%arg34 : memref<!tpu.dma_semaphore, #tpu.memory_space<semaphore_mem>>) src(%arg28 : memref<16384xf32, #tpu.memory_space<vmem>>) dst(%dma_wait3A_95 : memref<16384xf32, #tpu.memory_space<hbm>>)
        %dma_wait3A_96 = tpu.memref_slice %arg14[%add3A_74] : memref<8388608xf32, #tpu.memory_space<hbm>> -> memref<16384xf32, #tpu.memory_space<hbm>>
        %dma_wait3A_97 = tpu.memref_slice %arg14[%add3A_74] : memref<8388608xf32, #tpu.memory_space<hbm>> -> memref<16384xf32, #tpu.memory_space<hbm>>
        tpu.wait_dma2 semaphore(%arg36 : memref<!tpu.dma_semaphore, #tpu.memory_space<semaphore_mem>>) src(%arg30 : memref<16384xf32, #tpu.memory_space<vmem>>) dst(%dma_wait3A_97 : memref<16384xf32, #tpu.memory_space<hbm>>)
      } else {
      }
      %dma_wait3A_80 = tpu.memref_slice %arg2[%add3A_74] : memref<8388608xf32, #tpu.memory_space<hbm>> -> memref<16384xf32, #tpu.memory_space<hbm>>
      %dma_wait3A_81 = tpu.memref_slice %arg2[%add3A_74] : memref<8388608xf32, #tpu.memory_space<hbm>> -> memref<16384xf32, #tpu.memory_space<hbm>>
      tpu.wait_dma2 semaphore(%arg32 : memref<!tpu.dma_semaphore, #tpu.memory_space<semaphore_mem>>) src(%dma_wait3A_81 : memref<16384xf32, #tpu.memory_space<hbm>>) dst(%arg26 : memref<16384xf32, #tpu.memory_space<vmem>>)
      %parallel_loop3A_82 = arith.constant 0 : i32
      %parallel_loop3A_83 = arith.constant 16384 : i32
      %parallel_loop3A_84 = arith.constant 16 : i32
      scf.for %parallel_loop3A_94 = %parallel_loop3A_82 to %parallel_loop3A_83 step %parallel_loop3A_84  : i32 {
        %parallel_loop3A_95 = arith.index_cast %parallel_loop3A_94 : i32 to index
        %parallel_loop3A_96 = tpu.vector_load %arg26[%parallel_loop3A_95] {strides = array<i32>} : memref<16384xf32, #tpu.memory_space<vmem>>, vector<16xf32>,
        %parallel_loop3A_97 = arith.maximumf %parallel_loop3A_96, %broadcast_in_dim3A_14 : vector<16xf32>
        %parallel_loop3A_98 = arith.minimumf %parallel_loop3A_97, %broadcast_in_dim3A_16 : vector<16xf32>
        %parallel_loop3A_99 = arith.constant 8 : i32
        %parallel_loop3A_100 = vector.broadcast %parallel_loop3A_99 : i32 to vector<16xi32>
        %parallel_loop3A_101 = arith.addi %broadcast_in_dim3A_20, %parallel_loop3A_100 : vector<16xi32>
        %parallel_loop3A_102 = arith.constant 0 : i32
        %parallel_loop3A_103 = vector.broadcast %parallel_loop3A_102 : i32 to vector<16xi32>
        %parallel_loop3A_104 = arith.cmpi slt, %parallel_loop3A_101, %parallel_loop3A_103 : vector<16xi32>
        %parallel_loop3A_105 = arith.constant 16 : i32
        %parallel_loop3A_106 = vector.broadcast %parallel_loop3A_105 : i32 to vector<16xi32>
        %parallel_loop3A_107 = arith.addi %parallel_loop3A_101, %parallel_loop3A_106 : vector<16xi32>
        %parallel_loop3A_108 = arith.select %parallel_loop3A_104, %parallel_loop3A_107, %parallel_loop3A_101 : vector<16xi1>, vector<16xi32>
        %parallel_loop3A_109 = vector.shape_cast %parallel_loop3A_108 : vector<16xi32> to vector<16x1xi32>
        %parallel_loop3A_110 = vector.shape_cast %parallel_loop3A_109 : vector<16x1xi32> to vector<16xi32>
        %parallel_loop3A_111 = tpu.dynamic_gather %get3A_3[%parallel_loop3A_110] in [0] : vector<16xf32>, vector<16xi32> -> vector<16xf32>
        %parallel_loop3A_112 = arith.cmpf ole, %parallel_loop3A_111, %parallel_loop3A_98 : vector<16xf32>
        %parallel_loop3A_113 = arith.select %parallel_loop3A_112, %parallel_loop3A_101, %broadcast_in_dim3A_20 : vector<16xi1>, vector<16xi32>
        %parallel_loop3A_114 = arith.constant 4 : i32
        %parallel_loop3A_115 = vector.broadcast %parallel_loop3A_114 : i32 to vector<16xi32>
        %parallel_loop3A_116 = arith.addi %parallel_loop3A_113, %parallel_loop3A_115 : vector<16xi32>
        %parallel_loop3A_117 = arith.constant 0 : i32
        %parallel_loop3A_118 = vector.broadcast %parallel_loop3A_117 : i32 to vector<16xi32>
        %parallel_loop3A_119 = arith.cmpi slt, %parallel_loop3A_116, %parallel_loop3A_118 : vector<16xi32>
        %parallel_loop3A_120 = arith.constant 16 : i32
        %parallel_loop3A_121 = vector.broadcast %parallel_loop3A_120 : i32 to vector<16xi32>
        %parallel_loop3A_122 = arith.addi %parallel_loop3A_116, %parallel_loop3A_121 : vector<16xi32>
        %parallel_loop3A_123 = arith.select %parallel_loop3A_119, %parallel_loop3A_122, %parallel_loop3A_116 : vector<16xi1>, vector<16xi32>
        %parallel_loop3A_124 = vector.shape_cast %parallel_loop3A_123 : vector<16xi32> to vector<16x1xi32>
        %parallel_loop3A_125 = vector.shape_cast %parallel_loop3A_124 : vector<16x1xi32> to vector<16xi32>
        %parallel_loop3A_126 = tpu.dynamic_gather %get3A_3[%parallel_loop3A_125] in [0] : vector<16xf32>, vector<16xi32> -> vector<16xf32>
        %parallel_loop3A_127 = arith.cmpf ole, %parallel_loop3A_126, %parallel_loop3A_98 : vector<16xf32>
        %parallel_loop3A_128 = arith.select %parallel_loop3A_127, %parallel_loop3A_116, %parallel_loop3A_113 : vector<16xi1>, vector<16xi32>
        %parallel_loop3A_129 = arith.constant 2 : i32
        %parallel_loop3A_130 = vector.broadcast %parallel_loop3A_129 : i32 to vector<16xi32>
        %parallel_loop3A_131 = arith.addi %parallel_loop3A_128, %parallel_loop3A_130 : vector<16xi32>
        %parallel_loop3A_132 = arith.constant 0 : i32
        %parallel_loop3A_133 = vector.broadcast %parallel_loop3A_132 : i32 to vector<16xi32>
        %parallel_loop3A_134 = arith.cmpi slt, %parallel_loop3A_131, %parallel_loop3A_133 : vector<16xi32>
        %parallel_loop3A_135 = arith.constant 16 : i32
        %parallel_loop3A_136 = vector.broadcast %parallel_loop3A_135 : i32 to vector<16xi32>
        %parallel_loop3A_137 = arith.addi %parallel_loop3A_131, %parallel_loop3A_136 : vector<16xi32>
        %parallel_loop3A_138 = arith.select %parallel_loop3A_134, %parallel_loop3A_137, %parallel_loop3A_131 : vector<16xi1>, vector<16xi32>
        %parallel_loop3A_139 = vector.shape_cast %parallel_loop3A_138 : vector<16xi32> to vector<16x1xi32>
        %parallel_loop3A_140 = vector.shape_cast %parallel_loop3A_139 : vector<16x1xi32> to vector<16xi32>
        %parallel_loop3A_141 = tpu.dynamic_gather %get3A_3[%parallel_loop3A_140] in [0] : vector<16xf32>, vector<16xi32> -> vector<16xf32>
        %parallel_loop3A_142 = arith.cmpf ole, %parallel_loop3A_141, %parallel_loop3A_98 : vector<16xf32>
        %parallel_loop3A_143 = arith.select %parallel_loop3A_142, %parallel_loop3A_131, %parallel_loop3A_128 : vector<16xi1>, vector<16xi32>
        %parallel_loop3A_144 = arith.constant 1 : i32
        %parallel_loop3A_145 = vector.broadcast %parallel_loop3A_144 : i32 to vector<16xi32>
        %parallel_loop3A_146 = arith.addi %parallel_loop3A_143, %parallel_loop3A_145 : vector<16xi32>
        %parallel_loop3A_147 = arith.constant 0 : i32
        %parallel_loop3A_148 = vector.broadcast %parallel_loop3A_147 : i32 to vector<16xi32>
        %parallel_loop3A_149 = arith.cmpi slt, %parallel_loop3A_146, %parallel_loop3A_148 : vector<16xi32>
        %parallel_loop3A_150 = arith.constant 16 : i32
        %parallel_loop3A_151 = vector.broadcast %parallel_loop3A_150 : i32 to vector<16xi32>
        %parallel_loop3A_152 = arith.addi %parallel_loop3A_146, %parallel_loop3A_151 : vector<16xi32>
        %parallel_loop3A_153 = arith.select %parallel_loop3A_149, %parallel_loop3A_152, %parallel_loop3A_146 : vector<16xi1>, vector<16xi32>
        %parallel_loop3A_154 = vector.shape_cast %parallel_loop3A_153 : vector<16xi32> to vector<16x1xi32>
        %parallel_loop3A_155 = vector.shape_cast %parallel_loop3A_154 : vector<16x1xi32> to vector<16xi32>
        %parallel_loop3A_156 = tpu.dynamic_gather %get3A_3[%parallel_loop3A_155] in [0] : vector<16xf32>, vector<16xi32> -> vector<16xf32>
        %parallel_loop3A_157 = arith.cmpf ole, %parallel_loop3A_156, %parallel_loop3A_98 : vector<16xf32>
        %parallel_loop3A_158 = arith.select %parallel_loop3A_157, %parallel_loop3A_146, %parallel_loop3A_143 : vector<16xi1>, vector<16xi32>
        %parallel_loop3A_159 = arith.constant 0 : i32
        %parallel_loop3A_160 = vector.broadcast %parallel_loop3A_159 : i32 to vector<16xi32>
        %parallel_loop3A_161 = arith.cmpi slt, %parallel_loop3A_158, %parallel_loop3A_160 : vector<16xi32>
        %parallel_loop3A_162 = arith.constant 16 : i32
        %parallel_loop3A_163 = vector.broadcast %parallel_loop3A_162 : i32 to vector<16xi32>
        %parallel_loop3A_164 = arith.addi %parallel_loop3A_158, %parallel_loop3A_163 : vector<16xi32>
        %parallel_loop3A_165 = arith.select %parallel_loop3A_161, %parallel_loop3A_164, %parallel_loop3A_158 : vector<16xi1>, vector<16xi32>
        %parallel_loop3A_166 = vector.shape_cast %parallel_loop3A_165 : vector<16xi32> to vector<16x1xi32>
        %parallel_loop3A_167 = vector.shape_cast %parallel_loop3A_166 : vector<16x1xi32> to vector<16xi32>
        %parallel_loop3A_168 = tpu.dynamic_gather %get3A_5[%parallel_loop3A_167] in [0] : vector<16xf32>, vector<16xi32> -> vector<16xf32>
        %parallel_loop3A_169 = arith.cmpf ole, %parallel_loop3A_168, %parallel_loop3A_98 : vector<16xf32>
        %parallel_loop3A_170 = arith.constant 0 : i32
        %parallel_loop3A_171 = vector.broadcast %parallel_loop3A_170 : i32 to vector<16xi32>
        %parallel_loop3A_172 = arith.cmpi slt, %parallel_loop3A_158, %parallel_loop3A_171 : vector<16xi32>
        %parallel_loop3A_173 = arith.constant 16 : i32
        %parallel_loop3A_174 = vector.broadcast %parallel_loop3A_173 : i32 to vector<16xi32>
        %parallel_loop3A_175 = arith.addi %parallel_loop3A_158, %parallel_loop3A_174 : vector<16xi32>
        %parallel_loop3A_176 = arith.select %parallel_loop3A_172, %parallel_loop3A_175, %parallel_loop3A_158 : vector<16xi1>, vector<16xi32>
        %parallel_loop3A_177 = vector.shape_cast %parallel_loop3A_176 : vector<16xi32> to vector<16x1xi32>
        %parallel_loop3A_178 = vector.shape_cast %parallel_loop3A_177 : vector<16x1xi32> to vector<16xi32>
        %parallel_loop3A_179 = tpu.dynamic_gather %get3A_9[%parallel_loop3A_178] in [0] : vector<16xf32>, vector<16xi32> -> vector<16xf32>
        %parallel_loop3A_180 = arith.constant 0 : i32
        %parallel_loop3A_181 = vector.broadcast %parallel_loop3A_180 : i32 to vector<16xi32>
        %parallel_loop3A_182 = arith.cmpi slt, %parallel_loop3A_158, %parallel_loop3A_181 : vector<16xi32>
        %parallel_loop3A_183 = arith.constant 16 : i32
        %parallel_loop3A_184 = vector.broadcast %parallel_loop3A_183 : i32 to vector<16xi32>
        %parallel_loop3A_185 = arith.addi %parallel_loop3A_158, %parallel_loop3A_184 : vector<16xi32>
        %parallel_loop3A_186 = arith.select %parallel_loop3A_182, %parallel_loop3A_185, %parallel_loop3A_158 : vector<16xi1>, vector<16xi32>
        %parallel_loop3A_187 = vector.shape_cast %parallel_loop3A_186 : vector<16xi32> to vector<16x1xi32>
        %parallel_loop3A_188 = vector.shape_cast %parallel_loop3A_187 : vector<16x1xi32> to vector<16xi32>
        %parallel_loop3A_189 = tpu.dynamic_gather %get3A_7[%parallel_loop3A_188] in [0] : vector<16xf32>, vector<16xi32> -> vector<16xf32>
        %parallel_loop3A_190 = arith.select %parallel_loop3A_169, %parallel_loop3A_179, %parallel_loop3A_189 : vector<16xi1>, vector<16xf32>
        %parallel_loop3A_191 = arith.cmpf ole, %parallel_loop3A_190, %parallel_loop3A_98 : vector<16xf32>
        %parallel_loop3A_192 = arith.constant 8 : i32
        %parallel_loop3A_193 = vector.broadcast %parallel_loop3A_192 : i32 to vector<16xi32>
        %parallel_loop3A_194 = arith.muli %parallel_loop3A_158, %parallel_loop3A_193 : vector<16xi32>
        %parallel_loop3A_195 = arith.constant 4 : i32
        %parallel_loop3A_196 = arith.constant 0 : i32
        %parallel_loop3A_197 = vector.broadcast %parallel_loop3A_195 : i32 to vector<16xi32>
        %parallel_loop3A_198 = vector.broadcast %parallel_loop3A_196 : i32 to vector<16xi32>
        %parallel_loop3A_199 = arith.select %parallel_loop3A_169, %parallel_loop3A_197, %parallel_loop3A_198 : vector<16xi1>, vector<16xi32>
        %parallel_loop3A_200 = arith.addi %parallel_loop3A_194, %parallel_loop3A_199 : vector<16xi32>
        %parallel_loop3A_201 = arith.constant 2 : i32
        %parallel_loop3A_202 = arith.constant 0 : i32
        %parallel_loop3A_203 = vector.broadcast %parallel_loop3A_201 : i32 to vector<16xi32>
        %parallel_loop3A_204 = vector.broadcast %parallel_loop3A_202 : i32 to vector<16xi32>
        %parallel_loop3A_205 = arith.select %parallel_loop3A_191, %parallel_loop3A_203, %parallel_loop3A_204 : vector<16xi1>, vector<16xi32>
        %parallel_loop3A_206 = arith.addi %parallel_loop3A_200, %parallel_loop3A_205 : vector<16xi32>
        %parallel_loop3A_207 = arith.constant 1 : i32
        %parallel_loop3A_208 = vector.broadcast %parallel_loop3A_207 : i32 to vector<16xi32>
        %parallel_loop3A_209 = arith.addi %parallel_loop3A_206, %parallel_loop3A_208 : vector<16xi32>
        %parallel_loop3A_210 = tpu.vector_load_idx %arg15[%parallel_loop3A_209] : memref<144xf32, #tpu.memory_space<vmem>>[vector<16xi32>], vector<16xf32>,
        %parallel_loop3A_211 = arith.cmpf ole, %parallel_loop3A_210, %parallel_loop3A_98 : vector<16xf32>
        %parallel_loop3A_212 = arith.select %parallel_loop3A_211, %parallel_loop3A_209, %parallel_loop3A_206 : vector<16xi1>, vector<16xi32>
        %parallel_loop3A_213 = tpu.vector_load_idx %arg20[%parallel_loop3A_212] : memref<144xf32, #tpu.memory_space<vmem>>[vector<16xi32>], vector<16xf32>,
        %parallel_loop3A_214 = tpu.vector_load_idx %arg16[%parallel_loop3A_212] : memref<144xf32, #tpu.memory_space<vmem>>[vector<16xi32>], vector<16xf32>,
        %parallel_loop3A_215 = tpu.vector_load_idx %arg18[%parallel_loop3A_212] : memref<144xf32, #tpu.memory_space<vmem>>[vector<16xi32>], vector<16xf32>,
        %parallel_loop3A_216 = tpu.vector_load_idx %arg19[%parallel_loop3A_212] : memref<144xf32, #tpu.memory_space<vmem>>[vector<16xi32>], vector<16xf32>,
        %parallel_loop3A_217 = tpu.vector_load_idx %arg17[%parallel_loop3A_212] : memref<144xf32, #tpu.memory_space<vmem>>[vector<16xi32>], vector<16xf32>,
        %parallel_loop3A_218 = arith.constant 1 : i32
        %parallel_loop3A_219 = vector.broadcast %parallel_loop3A_218 : i32 to vector<16xi32>
        %parallel_loop3A_220 = arith.addi %parallel_loop3A_212, %parallel_loop3A_219 : vector<16xi32>
        %parallel_loop3A_221 = tpu.vector_load_idx %arg17[%parallel_loop3A_220] : memref<144xf32, #tpu.memory_space<vmem>>[vector<16xi32>], vector<16xf32>,
        %parallel_loop3A_222 = tpu.vector_load_idx %arg22[%parallel_loop3A_212] : memref<144xf32, #tpu.memory_space<vmem>>[vector<16xi32>], vector<16xf32>,
        %parallel_loop3A_223 = arith.mulf %parallel_loop3A_216, %parallel_loop3A_215 : vector<16xf32>
        %parallel_loop3A_224 = arith.mulf %parallel_loop3A_98, %parallel_loop3A_215 : vector<16xf32>
        %parallel_loop3A_225 = arith.addf %parallel_loop3A_224, %parallel_loop3A_213 : vector<16xf32>
        %parallel_loop3A_226 = arith.maximumf %parallel_loop3A_225, %broadcast_in_dim3A_10 : vector<16xf32>
        %parallel_loop3A_227 = arith.minimumf %parallel_loop3A_226, %broadcast_in_dim3A_12 : vector<16xf32>
        %parallel_loop3A_228 = arith.subf %broadcast_in_dim3A_12, %parallel_loop3A_227 : vector<16xf32>
        %parallel_loop3A_229 = arith.mulf %parallel_loop3A_227, %parallel_loop3A_228 : vector<16xf32>
        %parallel_loop3A_230 = arith.mulf %parallel_loop3A_217, %parallel_loop3A_228 : vector<16xf32>
        %parallel_loop3A_231 = arith.mulf %parallel_loop3A_223, %parallel_loop3A_227 : vector<16xf32>
        %parallel_loop3A_232 = arith.addf %parallel_loop3A_231, %parallel_loop3A_230 : vector<16xf32>
        %parallel_loop3A_233 = arith.mulf %parallel_loop3A_227, %parallel_loop3A_232 : vector<16xf32>
        %parallel_loop3A_234 = arith.mulf %parallel_loop3A_222, %parallel_loop3A_229 : vector<16xf32>
        %parallel_loop3A_235 = arith.addf %parallel_loop3A_223, %parallel_loop3A_234 : vector<16xf32>
        %parallel_loop3A_236 = arith.constant 1.000000e+00 : f32
        %parallel_loop3A_237 = vector.broadcast %parallel_loop3A_236 : f32 to vector<16xf32>
        %parallel_loop3A_238 = arith.divf %parallel_loop3A_237, %parallel_loop3A_235 : vector<16xf32>
        %parallel_loop3A_239 = arith.mulf %parallel_loop3A_233, %parallel_loop3A_238 : vector<16xf32>
        %parallel_loop3A_240 = arith.mulf %parallel_loop3A_216, %parallel_loop3A_239 : vector<16xf32>
        %parallel_loop3A_241 = arith.addf %parallel_loop3A_214, %parallel_loop3A_240 : vector<16xf32>
        %parallel_loop3A_242 = arith.mulf %parallel_loop3A_223, %parallel_loop3A_223 : vector<16xf32>
        %parallel_loop3A_243 = arith.mulf %parallel_loop3A_221, %parallel_loop3A_227 : vector<16xf32>
        %parallel_loop3A_244 = arith.mulf %parallel_loop3A_243, %parallel_loop3A_227 : vector<16xf32>
        %parallel_loop3A_245 = arith.addf %parallel_loop3A_223, %parallel_loop3A_223 : vector<16xf32>
        %parallel_loop3A_246 = arith.mulf %parallel_loop3A_245, %parallel_loop3A_229 : vector<16xf32>
        %parallel_loop3A_247 = arith.addf %parallel_loop3A_244, %parallel_loop3A_246 : vector<16xf32>
        %parallel_loop3A_248 = arith.mulf %parallel_loop3A_230, %parallel_loop3A_228 : vector<16xf32>
        %parallel_loop3A_249 = arith.addf %parallel_loop3A_247, %parallel_loop3A_248 : vector<16xf32>
        %parallel_loop3A_250 = arith.mulf %parallel_loop3A_242, %parallel_loop3A_249 : vector<16xf32>
        %parallel_loop3A_251 = arith.mulf %parallel_loop3A_238, %parallel_loop3A_238 : vector<16xf32>
        %parallel_loop3A_252 = arith.mulf %parallel_loop3A_250, %parallel_loop3A_251 : vector<16xf32>
        %parallel_loop3A_253 = arith.cmpf oge, %parallel_loop3A_96, %broadcast_in_dim3A_10 : vector<16xf32>
        %parallel_loop3A_254 = arith.select %parallel_loop3A_253, %parallel_loop3A_221, %parallel_loop3A_217 : vector<16xi1>, vector<16xf32>
        %parallel_loop3A_255 = arith.subf %parallel_loop3A_96, %parallel_loop3A_98 : vector<16xf32>
        %parallel_loop3A_256 = arith.mulf %parallel_loop3A_255, %parallel_loop3A_254 : vector<16xf32>
        %parallel_loop3A_257 = arith.addf %parallel_loop3A_241, %parallel_loop3A_256 : vector<16xf32>
        %parallel_loop3A_258 = tpu.bitcast %parallel_loop3A_252 : vector<16xf32> -> vector<16xi32>
        %parallel_loop3A_259 = tpu.bitcast %parallel_loop3A_252 : vector<16xf32> -> vector<16xi32>
        %parallel_loop3A_260 = arith.constant 23 : i32
        %parallel_loop3A_261 = vector.broadcast %parallel_loop3A_260 : i32 to vector<16xi32>
        %parallel_loop3A_262 = arith.shrsi %parallel_loop3A_258, %parallel_loop3A_261 : vector<16xi32>
        %parallel_loop3A_263 = arith.sitofp %parallel_loop3A_262 : vector<16xi32> to vector<16xf32>
        %parallel_loop3A_264 = arith.constant 9 : i32
        %parallel_loop3A_265 = vector.broadcast %parallel_loop3A_264 : i32 to vector<16xi32>
        %parallel_loop3A_266 = arith.shli %parallel_loop3A_259, %parallel_loop3A_265 : vector<16xi32>
        %parallel_loop3A_267 = arith.constant 25 : i32
        %parallel_loop3A_268 = vector.broadcast %parallel_loop3A_267 : i32 to vector<16xi32>
        %parallel_loop3A_269 = arith.shrui %parallel_loop3A_266, %parallel_loop3A_268 : vector<16xi32>
        %parallel_loop3A_270 = arith.constant 16 : i32
        %parallel_loop3A_271 = vector.broadcast %parallel_loop3A_270 : i32 to vector<16xi32>
        %parallel_loop3A_272 = arith.shli %parallel_loop3A_259, %parallel_loop3A_271 : vector<16xi32>
        %parallel_loop3A_273 = arith.constant 16 : i32
        %parallel_loop3A_274 = vector.broadcast %parallel_loop3A_273 : i32 to vector<16xi32>
        %parallel_loop3A_275 = arith.shrui %parallel_loop3A_272, %parallel_loop3A_274 : vector<16xi32>
        %parallel_loop3A_276 = arith.uitofp %parallel_loop3A_275 : vector<16xi32> to vector<16xf32>
        %parallel_loop3A_277 = tpu.vector_load_idx %arg23[%parallel_loop3A_269] : memref<128xf32, #tpu.memory_space<vmem>>[vector<16xi32>], vector<16xf32>,
        %parallel_loop3A_278 = tpu.vector_load_idx %arg24[%parallel_loop3A_269] : memref<128xf32, #tpu.memory_space<vmem>>[vector<16xi32>], vector<16xf32>,
        %parallel_loop3A_279 = arith.mulf %parallel_loop3A_276, %parallel_loop3A_278 : vector<16xf32>
        %parallel_loop3A_280 = arith.addf %parallel_loop3A_277, %parallel_loop3A_279 : vector<16xf32>
        %parallel_loop3A_281 = arith.index_cast %parallel_loop3A_94 : i32 to index
        %parallel_loop3A_282 = tpu.vector_load %arg28[%parallel_loop3A_281] {strides = array<i32>} : memref<16384xf32, #tpu.memory_space<vmem>>, vector<16xf32>,
        tpu.vector_store %arg28[%parallel_loop3A_281], %parallel_loop3A_257 {strides = array<i32>} : memref<16384xf32, #tpu.memory_space<vmem>>, vector<16xf32>,
        %parallel_loop3A_283 = arith.mulf %parallel_loop3A_263, %broadcast_in_dim3A_18 : vector<16xf32>
        %parallel_loop3A_284 = arith.addf %parallel_loop3A_283, %parallel_loop3A_280 : vector<16xf32>
        %parallel_loop3A_285 = arith.index_cast %parallel_loop3A_94 : i32 to index
        %parallel_loop3A_286 = tpu.vector_load %arg30[%parallel_loop3A_285] {strides = array<i32>} : memref<16384xf32, #tpu.memory_space<vmem>>, vector<16xf32>,
        tpu.vector_store %arg30[%parallel_loop3A_285], %parallel_loop3A_284 {strides = array<i32>} : memref<16384xf32, #tpu.memory_space<vmem>>, vector<16xf32>,
      } {sc.loop_unroll_factor = 24 : i64, sc.parallel_access}
      %dma_start3A_85 = tpu.memref_slice %arg13[%add3A_74] : memref<8388608xf32, #tpu.memory_space<hbm>> -> memref<16384xf32, #tpu.memory_space<hbm>>
      %dma_start3A_86 = tpu.memref_slice %arg13[%add3A_74] : memref<8388608xf32, #tpu.memory_space<hbm>> -> memref<16384xf32, #tpu.memory_space<hbm>>
      tpu.enqueue_dma source(%arg28 : memref<16384xf32, #tpu.memory_space<vmem>>) target(%dma_start3A_86 : memref<16384xf32, #tpu.memory_space<hbm>>) target_semaphore(%arg34 : memref<!tpu.dma_semaphore, #tpu.memory_space<semaphore_mem>>)
      %dma_start3A_87 = tpu.memref_slice %arg14[%add3A_74] : memref<8388608xf32, #tpu.memory_space<hbm>> -> memref<16384xf32, #tpu.memory_space<hbm>>
      %dma_start3A_88 = tpu.memref_slice %arg14[%add3A_74] : memref<8388608xf32, #tpu.memory_space<hbm>> -> memref<16384xf32, #tpu.memory_space<hbm>>
      tpu.enqueue_dma source(%arg30 : memref<16384xf32, #tpu.memory_space<vmem>>) target(%dma_start3A_88 : memref<16384xf32, #tpu.memory_space<hbm>>) target_semaphore(%arg36 : memref<!tpu.dma_semaphore, #tpu.memory_space<semaphore_mem>>)
      %lt3A_89 = arith.constant 7 : i32
      %lt3A_90 = arith.cmpi slt, %scan3A_48, %lt3A_89 : i32
      %convert_element_type3A_91 = arith.extui %lt3A_90 : i1 to i32
      %cond3A_92 = arith.constant 0 : i32
      %cond3A_93 = arith.cmpi ne, %convert_element_type3A_91, %cond3A_92 : i32
      scf.if %cond3A_93 {
        %add3A_94 = arith.constant 32768 : i32
        %add3A_95 = arith.addi %add3A_74, %add3A_94 : i32
        %dma_start3A_96 = tpu.memref_slice %arg2[%add3A_95] : memref<8388608xf32, #tpu.memory_space<hbm>> -> memref<16384xf32, #tpu.memory_space<hbm>>
        %dma_start3A_97 = tpu.memref_slice %arg2[%add3A_95] : memref<8388608xf32, #tpu.memory_space<hbm>> -> memref<16384xf32, #tpu.memory_space<hbm>>
        tpu.enqueue_dma source(%dma_start3A_97 : memref<16384xf32, #tpu.memory_space<hbm>>) target(%arg26 : memref<16384xf32, #tpu.memory_space<vmem>>) target_semaphore(%arg32 : memref<!tpu.dma_semaphore, #tpu.memory_space<semaphore_mem>>)
      } else {
      }
    }
    %scan3A_34 = arith.constant 8 : i32
    %add3A_35 = arith.constant 229376 : i32
    %add3A_36 = arith.addi %mul3A_2, %add3A_35 : i32
    %dma_wait3A = tpu.memref_slice %arg13[%add3A_36] : memref<8388608xf32, #tpu.memory_space<hbm>> -> memref<16384xf32, #tpu.memory_space<hbm>>
    %dma_wait3A_37 = tpu.memref_slice %arg13[%add3A_36] : memref<8388608xf32, #tpu.memory_space<hbm>> -> memref<16384xf32, #tpu.memory_space<hbm>>
    tpu.wait_dma2 semaphore(%arg33 : memref<!tpu.dma_semaphore, #tpu.memory_space<semaphore_mem>>) src(%arg27 : memref<16384xf32, #tpu.memory_space<vmem>>) dst(%dma_wait3A_37 : memref<16384xf32, #tpu.memory_space<hbm>>)
    %dma_wait3A_38 = tpu.memref_slice %arg14[%add3A_36] : memref<8388608xf32, #tpu.memory_space<hbm>> -> memref<16384xf32, #tpu.memory_space<hbm>>
    %dma_wait3A_39 = tpu.memref_slice %arg14[%add3A_36] : memref<8388608xf32, #tpu.memory_space<hbm>> -> memref<16384xf32, #tpu.memory_space<hbm>>
    tpu.wait_dma2 semaphore(%arg35 : memref<!tpu.dma_semaphore, #tpu.memory_space<semaphore_mem>>) src(%arg29 : memref<16384xf32, #tpu.memory_space<vmem>>) dst(%dma_wait3A_39 : memref<16384xf32, #tpu.memory_space<hbm>>)
    %add3A_40 = arith.constant 16384 : i32
    %add3A_41 = arith.addi %add3A_36, %add3A_40 : i32
    %dma_wait3A_42 = tpu.memref_slice %arg13[%add3A_41] : memref<8388608xf32, #tpu.memory_space<hbm>> -> memref<16384xf32, #tpu.memory_space<hbm>>
    %dma_wait3A_43 = tpu.memref_slice %arg13[%add3A_41] : memref<8388608xf32, #tpu.memory_space<hbm>> -> memref<16384xf32, #tpu.memory_space<hbm>>
    tpu.wait_dma2 semaphore(%arg34 : memref<!tpu.dma_semaphore, #tpu.memory_space<semaphore_mem>>) src(%arg28 : memref<16384xf32, #tpu.memory_space<vmem>>) dst(%dma_wait3A_43 : memref<16384xf32, #tpu.memory_space<hbm>>)
    %add3A_44 = arith.constant 16384 : i32
    %add3A_45 = arith.addi %add3A_36, %add3A_44 : i32
    %dma_wait3A_46 = tpu.memref_slice %arg14[%add3A_45] : memref<8388608xf32, #tpu.memory_space<hbm>> -> memref<16384xf32, #tpu.memory_space<hbm>>
    %dma_wait3A_47 = tpu.memref_slice %arg14[%add3A_45] : memref<8388608xf32, #tpu.memory_space<hbm>> -> memref<16384xf32, #tpu.memory_space<hbm>>
    tpu.wait_dma2 semaphore(%arg36 : memref<!tpu.dma_semaphore, #tpu.memory_space<semaphore_mem>>) src(%arg30 : memref<16384xf32, #tpu.memory_space<vmem>>) dst(%dma_wait3A_47 : memref<16384xf32, #tpu.memory_space<hbm>>)
    return
  }
}

</mosaic_0001>

<sc_bundles>
// kernel: kernel.3.cloned.1.call-start
scs
__scs_entry_jumppad:
0x0: {  	(pc) =	sbr.rel $0x88, $3  }
0x1: {  	(tag) =	ssettag $0x0;
	lr =	simm.s32 $0x1  }
0x2: {  	[smem:$0x3F9F] =	sst lr;
	_ =	strace $0xD0000000  }
0x3: {  	_ = 	snop  }
0x4: {  	_ = 	snop  }
0x5: {  	_ = 	snop  }
0x6: {  	_ = 	snop  }
0x7: {  	_ = 	snop  }
__scs_overlays_trampoline_lowered:
0x8: {  	[smem:$0x3FAE] =	sst s0  }
0x9: {  	[smem:$0x3FAF] =	sst s1  }
0xa: {  	[smem:$0x3FB0] =	sst s2  }
0xb: {  	[smem:$0x3FB1] =	sst s3  }
0xc: {  	[smem:$0x3FB2] =	sst s4  }
0xd: {  	[smem:$0x3FB3] =	sst s5  }
0xe: {  	[smem:$0x3FB4] =	sst s6  }
0xf: {  	[smem:$0x3FB5] =	sst s7  }
0x10: {  	[smem:$0x3FB6] =	sst s8  }
0x11: {  	[smem:$0x3FB7] =	sst s9;
	s0 =	simm.s32 @!p0 $0x0  }
0x12: {  	s1 =	sld [smem:$0x3F9D];
	s0 =	simm.s32 @p0 $0x1  }
0x13: {  	[smem:$0x3FB8] =	sst s0;
	s0 =	simm.s32 @!p1 $0x0  }
0x14: {  	s2 =	sld [smem:$0x3F9C];
	s0 =	simm.s32 @p1 $0x1  }
0x15: {  	[smem:$0x3FB9] =	sst s0;
	s0 =	simm.s32 @!p2 $0x0  }
0x16: {  	s3 =	sld [smem:$0x3FDB];
	s0 =	simm.s32 @p2 $0x1  }
0x17: {  	s4 =	simm.s32 $0x1BF5;
	[smem:$0x3FBB] =	sst s0  }
0x18: {  	s0 =	sld [smem:$0x3F9E];
	_ =	swait.ge [sflag:s4], $0x0  }
0x19: {  	s7 =	sld [smem:$0x3F9F]  }
0x1a: {  	s8 =	sadd.s32 $0xFFFFE003, lr  }
0x1b: {  	s9 =	sadd.s32 $0xFFFFFEF7, lr;
	s5 =	simm.s32 $0xFFFFFFFF;
	p2 =	slt.u32 s8, $0xFFFFF086  }
0x1c: {  	p1 =	slt.u32 s9, $0xF7A;
	s5 =	simm.s32 @!p2 $0x0  }
0x1d: {  	s5 =	simm.s32 @p1 $0x1;
	p0 =	seq.s32 s7, s2  }
0x1e: {  	s7 =	smul.u32 @!p0 $0xF7A, s2;
	p2 =	seq.s32 @!p0 s5, $0x0  }
0x1f: {  	s9 =	smul.u32 $0xF7A, s1;
	s8 =	simm.s32 @!p0 $0x1BF5;
	p2 =	por !p2, p0  }
0x20: {  	[sflag:s8] =	ssyncset.s32 @!p0 $0xFFFFF086;
	s6 =	sadd.s32 @!p0 s3, s7;
	s7 =	simm.s32 @!p0 $0x108  }
0x21: {  	s3 =	sadd.s32 s3, s9;
	s6 =	sadd.s32 @!p0 $0x88, s6;
	s7 =	simm.s32 @p2 $0x1082  }
0x22: {  	[simem:s7], [sflag:s8] =	dma.local @!p0 [hbm:s6], $0xF7A  }
0x23: {  	s9 =	sor.u32 $0xD0000000, s2;
	s6 =	simm.s32 $0x108;
	_ =	swait.ge @!p0 [sflag:s8], $0x0  }
0x24: {  	s3 =	sadd.s32 $0x88, s3;
	s6 =	simm.s32 @!p1 $0x1082;
	[sflag:s4] =	ssyncset.s32 $0xFFFFF086  }
0x25: {  	[simem:s6], [sflag:s4] =	dma.local [hbm:s3], $0xF7A  }
0x26: {  	[smem:$0x3F9F] =	sst s1;
	(tag) =	ssettag s2;
	_ =	strace s9  }
0x27: {  	s1 =	sld [smem:$0x3FAF]  }
0x28: {  	s2 =	sld [smem:$0x3FB0]  }
0x29: {  	s4 =	sld [smem:$0x3FB2]  }
0x2a: {  	p0 =	seq.s32 s5, $0x0;
	s5 =	sld [smem:$0x3FB3]  }
0x2b: {  	s6 =	sld [smem:$0x3FB4]  }
0x2c: {  	s7 =	sld [smem:$0x3FB5]  }
0x2d: {  	s3 =	simm.s32 $0x108;
	s8 =	sld [smem:$0x3FB6]  }
0x2e: {  	s3 =	simm.s32 @!p0 $0x1082;
	s9 =	sld [smem:$0x3FB7]  }
0x2f: {  	lr =	sadd.s32 s0, s3;
	s0 =	sld [smem:$0x3FAE]  }
0x30: {  	s3 =	sld [smem:$0x3FB1]  }
0x31: {  	[smem:$0x3FBA] =	sst s10  }
0x32: {  	s10 =	sld [smem:$0x3FB8];
	_ =	sdelay $0x3  }
0x33: {  	p0 =	seq.s32 s10, $0x1;
	s10 =	sld [smem:$0x3FBA];
	_ =	sdelay $0x3  }
0x34: {  	[smem:$0x3FBA] =	sst s10  }
0x35: {  	s10 =	sld [smem:$0x3FB9];
	_ =	sdelay $0x3  }
0x36: {  	p1 =	seq.s32 s10, $0x1;
	s10 =	sld [smem:$0x3FBA];
	_ =	sdelay $0x3  }
0x37: {  	[smem:$0x3FBA] =	sst s10  }
0x38: {  	s10 =	sld [smem:$0x3FBB]  }
0x39: {  	_ = 	snop;
	(pc) =	sbr.ind lr, $3  }
0x3a: {  	_ = 	snop  }
0x3b: {  	_ = 	snop  }
0x3c: {  	p2 =	seq.s32 s10, $0x1;
	s10 =	sld [smem:$0x3FBA]  }
0x3d: {  	_ =	shalt  }
0x3e: {  	_ =	shalt  }
0x3f: {  	_ =	shalt  }
0x40: {  	_ =	shalt  }
0x41: {  	_ =	shalt  }
0x42: {  	_ =	shalt  }
0x43: {  	_ =	shalt  }
0x44: {  	_ =	shalt  }
0x45: {  	_ =	shalt  }
0x46: {  	_ =	shalt  }
0x47: {  	_ =	shalt  }
0x48: {  	_ =	shalt  }
0x49: {  	_ =	shalt  }
0x4a: {  	_ =	shalt  }
0x4b: {  	_ =	shalt  }
0x4c: {  	_ =	shalt  }
0x4d: {  	_ =	shalt  }
0x4e: {  	_ =	shalt  }
0x4f: {  	_ =	shalt  }
0x50: {  	_ =	shalt  }
0x51: {  	_ =	shalt  }
0x52: {  	_ =	shalt  }
0x53: {  	_ =	shalt  }
0x54: {  	_ =	shalt  }
0x55: {  	_ =	shalt  }
0x56: {  	_ =	shalt  }
0x57: {  	_ =	shalt  }
0x58: {  	_ =	shalt  }
0x59: {  	_ =	shalt  }
0x5a: {  	_ =	shalt  }
0x5b: {  	_ =	shalt  }
0x5c: {  	_ =	shalt  }
0x5d: {  	_ =	shalt  }
0x5e: {  	_ =	shalt  }
0x5f: {  	_ =	shalt  }
0x60: {  	_ =	shalt  }
0x61: {  	_ =	shalt  }
0x62: {  	_ =	shalt  }
0x63: {  	_ =	shalt  }
0x64: {  	_ =	shalt  }
0x65: {  	_ =	shalt  }
0x66: {  	_ =	shalt  }
0x67: {  	_ =	shalt  }
0x68: {  	_ =	shalt  }
0x69: {  	_ =	shalt  }
0x6a: {  	_ =	shalt  }
0x6b: {  	_ =	shalt  }
0x6c: {  	_ =	shalt  }
0x6d: {  	_ =	shalt  }
0x6e: {  	_ =	shalt  }
0x6f: {  	_ =	shalt  }
0x70: {  	_ =	shalt  }
0x71: {  	_ =	shalt  }
0x72: {  	_ =	shalt  }
0x73: {  	_ =	shalt  }
0x74: {  	_ =	shalt  }
0x75: {  	_ =	shalt  }
0x76: {  	_ =	shalt  }
0x77: {  	_ =	shalt  }
0x78: {  	_ =	shalt  }
0x79: {  	_ =	shalt  }
0x7a: {  	_ =	shalt  }
0x7b: {  	_ =	shalt  }
0x7c: {  	_ =	shalt  }
0x7d: {  	_ =	shalt  }
0x7e: {  	_ =	shalt  }
0x7f: {  	_ =	shalt  }
0x80: {  	_ =	shalt  }
0x81: {  	_ =	shalt  }
0x82: {  	_ =	shalt  }
0x83: {  	_ =	shalt  }
0x84: {  	_ =	shalt  }
0x85: {  	_ =	shalt  }
0x86: {  	_ =	shalt  }
0x87: {  	_ =	shalt  }
.Lfunc_end0:
.L_simem_size_0:
called_computation_lowered:
.L_overlay_start_0:
0x88: {  	s2 =	sld [smem:$0x3FD9]  }
0x89: {  	s3 =	sld [smem:$0x3FFE];
	_ =	sdelay $0x1  }
0x8a: {  	s1 =	srdreg.scid  }
0x8b: {  	s0 =	sand.u32 $0x1, s1  }
0x8c: {  	s14 =	sshll.u32 s0, $0xA;
	s2 =	sadd.s32 s3, s2  }
0x8d: {  	s2 =	sadd.s32 s2, s14  }
0x8e: {  	[smem:$0x3FC6] =	sst s2  }
0x8f: {  	_ = 	snop  }
0x90: {  	s2 =	sld [smem:$0x3FD0];
	_ =	sdelay $0x2  }
0x91: {  	s4 =	simm.s32 $0xA;
	s5 =	simm.s32 $0x10;
	s15 =	sld [smem:$0x3FC9]  }
0x92: {  	[smem:s5], [sflag:s4] =	dma.local [hbm:s2], $0x1  }
0x93: {  	_ =	swait.eq [sflag:s4], $0x1  }
0x94: {  	[sflag:s4] =	ssyncset.done $0x0  }
0x95: {  	s16 =	sld [smem:$0x10];
	[sflag:s4] =	ssyncadd.s32 $0xFFFFFFFF  }
0x96: {  	s17 =	sld [smem:$0x11];
	(tm) =	ssettm $0x1  }
0x97: {  	s18 =	sld [smem:$0x3FFB];
	_ =	sdelay $0x3  }
0x98: {  	_ =	strace s18  }
0x99: {  	s5 =	sld [smem:$0x3FFC];
	_ =	sdelay $0x3  }
0x9a: {  	_ =	strace s5  }
0x9b: {  	s5 =	sld [smem:$0x3FFD];
	_ =	sdelay $0x3  }
0x9c: {  	_ =	strace s5  }
0x9d: {  	_ =	strace $0x8FFFFFFF  }
0x9e: {  	s19 =	sld [smem:$0x3FDB];
	_ =	sdelay $0x1  }
0x9f: {  	s6 =	simm.s32 $_scs_section_size  }
0xa0: {  	s7 =	simm.s32 $_size__tile_overlayer_lowered;
	s8 =	simm.s32 $_tile_overlayer_lowered  }
0xa1: {  	s22 =	simm.s32 $0x1BFF;
	s21 =	sshll.u32 s8, $0x1;
	s5 =	sadd.s32 s6, s19  }
0xa2: {  	s9 =	simm.s32 $0x0;
	s20 =	sshll.u32 s7, $0x1;
	s7 =	sadd.s32 s21, s5  }
0xa3: {  	[timem:s9], [sflag:s22] =	dma.local [hbm:s7], s20  }
0xa4: {  	_ =	swait.ge [sflag:s22], s20  }
0xa5: {  	s6 =	ssub.s32 $0x0, s20;
	[sflag:s22] =	ssyncset.done $0x0  }
0xa6: {  	[sflag:s22] =	ssyncadd.s32 s6;
	_ =	sdelay $0x1  }
0xa7: {  	s23 =	simm.s32 $0x1B8B  }
0xa8: {  	_ =	swait.ge [sflag:s23], $0x1  }
0xa9: {  	[sflag:s23] =	ssyncset.done $0x0  }
0xaa: {  	s25 =	simm.s32 $0x1B8E;
	s24 =	sld [smem:$0x3FFE];
	[sflag:s23] =	ssyncadd.s32 $0xFFFFFFFF  }
0xab: {  	s26 =	simm.s32 $execute0_lowered;
	[smem:$0x3FD2] =	sst s25  }
0xac: {  	s7 =	sshll.u32 s26, $0x1;
	_ =	strace $0x80000046;
	[dreg:$0x1] =	wrdreg $0xFFFFFFFF  }
0xad: {  	s28 =	simm.s32 $_size_execute0_lowered;
	s5 =	sadd.s32 s5, s7;
	[dreg:$0x0] =	wrdreg $0x0  }
0xae: {  	s7 =	sshll.u32 s28, $0x1;
	[dreg:$0x2] =	wrdreg s5  }
0xaf: {  	[dreg:$0x3] =	wrdreg s7  }
0xb0: {  	[dreg:$0x4] =	wrdreg $0xC0  }
0xb1: {  	_ =	task [dreg:s9], $0x5FFFF  }
0xb2: {  	[dreg:$0x1] =	wrdreg $0xFFFFFFFF  }
0xb3: {  	[dreg:$0x0] =	wrdreg $0x60  }
0xb4: {  	[dreg:$0x2] =	wrdreg s15  }
0xb5: {  	[dreg:$0x3] =	wrdreg s24  }
0xb6: {  	[dreg:$0x4] =	wrdreg s16  }
0xb7: {  	[dreg:$0x5] =	wrdreg s17  }
0xb8: {  	[dreg:$0x6] =	wrdreg $0x9  }
0xb9: {  	_ =	task.clear_ibuf [dreg:s9], $0x7FFFF;
	_ =	strace $0x90000046  }
0xba: {  	s29 =	simm.s32 $0x9;
	_ =	strace $0x80000048  }
0xbb: {  	_ =	swait.ge [sflag:s29], $0x1  }
0xbc: {  	[sflag:s29] =	ssyncadd.s32 $0xFFFFFFFF  }
0xbd: {  	_ =	strace $0x90000048  }
0xbe: {  	_ =	sfence  }
0xbf: {  	s30 =	sld [smem:$0x0];
	_ =	sdelay $0x2  }
0xc0: {  	s31 =	sshll.u32 s1, $0xD;
	s1 =	sshrl.u32 s1, $0x2  }
0xc1: {  	s3 =	sand.u32 $0x4000, s31;
	s1 =	sadd.s32 s1, s30  }
0xc2: {  	s0 =	sor.u32 s3, s0;
	s1 =	sshll.u32 s1, $0x11  }
0xc3: {  	s0 =	sor.u32 s1, s0  }
0xc4: {  	s0 =	sadd.s32 $0x8F2B, s0  }
0xc5: {  	[sflag:s0] =	ssyncadd.remote.s32 $0x1  }
0xc6: {  	_ =	sfence.sel $0xFFFF  }
0xc7: {  	[dreg:$0x0] =	wrdreg $0xFFFFFFFF;
	(pc) =	sbr.abs _section_cstart, $3  }
0xc8: {  	[dreg:$0x1] =	wrdreg $0xFFFFFFFF  }
0xc9: {  	_ =	task.clear_ibuf [dreg:s9], $0x2FFFF;
	_ =	strace $0x9FFFFFFF  }
0xca: {  	(tm) =	ssettm $0x7FFFFFFF  }
0xcb: {  	_ =	shalt  }
tec
execute0_lowered:
.L_overlay_start_1:
0x0: {  	(tag) =	ssettag $0x1  }
0x1: {  	s1 =	rddreg [dreg:$0x0]  }
0x2: {  	s7 =	rddreg [dreg:$0x1]  }
0x3: {  	s3 =	rddreg [dreg:$0x2]  }
0x4: {  	s4 =	rddreg [dreg:$0x3];
	s5 =	simm.s32 $0x0  }
0x5: {  	s19 =	srdreg.scid;
	s20 =	stileid.u32;
	s29 =	simm.s32 $0x680  }
0x6: {  	s30 =	simm.s32 $0x780;
	[smem:$0x7FF] =	sst s5;
	s0 =	sadd.s32 $0x400, s7  }
0x7: {  	s17 =	sadd.s32 $0x200, s7;
	_ =	strace $0x80000047;
	[dreg:$0x5] =	wrdreg s0  }
0x8: {  	s31 =	simm.s32 $0x800;
	s18 =	sadd.s32 $0x600, s7;
	[dreg:$0x6] =	wrdreg s17  }
0x9: {  	s28 =	simm.s32 $0x1;
	s2 =	sadd.s32 $0xC00, s7;
	[dreg:$0x7] =	wrdreg s18  }
0xa: {  	s9 =	simm.s32 $0x14880;
	s6 =	sadd.s32 $0xA00, s7;
	[dreg:$0x8] =	wrdreg s2  }
0xb: {  	s12 =	simm.s32 $0x4;
	s8 =	sadd.s32 $0xE00, s7;
	[dreg:$0x9] =	wrdreg s6  }
0xc: {  	s13 =	simm.s32 $0x6;
	s22 =	sadd.s32 $0x800, s7;
	[dreg:$0xa] =	wrdreg s8  }
0xd: {  	s23 =	sadd.s32 $0x1200, s7;
	s25 =	sadd.s32 $0x1000, s7;
	[dreg:$0xb] =	wrdreg s22  }
0xe: {  	s7 =	simm.s32 $0x0;
	s0 =	sand.u32 $0x1, s19;
	[dreg:$0xc] =	wrdreg s23  }
0xf: {  	s2 =	sshll.u32 s20, $0x13;
	[dreg:$0xd] =	wrdreg s25;
	s22 =	simm.s32 $0x100  }
0x10: {  	s23 =	simm.s32 $0x200;
	s25 =	simm.s32 $0x400;
	s21 =	sshll.u32 s0, $0x12  }
0x11: {  	s6 =	simm.s32 $0x2;
	s0 =	ssub.s32 $0x2, s0;
	s14 =	sor.u32 s21, s2  }
.Ltmp0:
0x12: {  	s26 =	sshrl.u32 s0, $0x1;
	s24 =	sshrl.u32 s14, $0x3;
	(pc) =	sbr.rel .LBB2_1-.Ltmp0, $4  }
0x13: {  	s8 =	simm.s32 $0xC880;
	s0 =	ssub.s32 s0, s26;
	s2 =	sadd.s32 s1, s24  }
0x14: {  	s19 =	sor.u32 $0x3C000, s14;
	s0 =	smax.u32 s0, $0x1;
	[dreg:$0xe] =	wrdreg s2  }
0x15: {  	s26 =	simm.s32 $0x500;
	s2 =	sadd.s32 $0x800, s2;
	[dreg:$0x10] =	wrdreg s0  }
0x16: {  	v13 =	vimm.s32 $0x0;
	s24 =	simm.s32 $0x300;
	[dreg:$0xf] =	wrdreg s2;
	s2 =	simm.s32 $0x10880  }
.LBB2_12:
0x17: {  	s0 =	simm.s32 $0x3  }
0x18: {  	_ =	swait.ge [sflag:s0], $0x4000  }
0x19: {  	[sflag:s0] =	ssyncset.done $0x0  }
0x1a: {  	s20 =	simm.s32 $0x5;
	[sflag:s0] =	ssyncadd.s32 $0xFFFFC000  }
0x1b: {  	_ =	swait.ge [sflag:s20], $0x4000  }
0x1c: {  	[sflag:s20] =	ssyncset.done $0x0  }
0x1d: {  	[sflag:s20] =	ssyncadd.s32 $0xFFFFC000  }
0x1e: {  	_ =	swait.ge [sflag:s12], $0x4000  }
0x1f: {  	[sflag:s12] =	ssyncset.done $0x0  }
0x20: {  	[sflag:s12] =	ssyncadd.s32 $0xFFFFC000  }
0x21: {  	_ =	swait.ge [sflag:s13], $0x4000  }
0x22: {  	s7 =	rddreg [dreg:$0x11]  }
0x23: {  	s21 =	rddreg [dreg:$0x10];
	s7 =	sadd.s32 $0x1, s7  }
0x24: {  	p0 =	sne.s32 s7, s21  }
.Ltmp1:
0x25: {  	_ = 	snop;
	(pc) =	sbr.rel @!p0 .LBB2_13-.Ltmp1, $3  }
0x26: {  	_ =	sdelay $0x1  }
0x27: {  	[sflag:s13] =	ssyncset.done $0x0  }
0x28: {  	[sflag:s13] =	ssyncadd.s32 $0xFFFFC000  }
.LBB2_1:
0x29: {  	[dreg:$0x11] =	wrdreg s7  }
0x2a: {  	s0 =	rddreg [dreg:$0x5];
	s7 =	simm.s32 $0x7  }
0x2b: {  	[tilespmem:s5], [sflag:$0x7] =	stream.linear.gather [hbm4b:s0+s5], $0x100, $0x38;
	[tilespmem:$0x18880] =	vst v63  }
0x2c: {  	_ =	swait.ge [sflag:s7], $0x100  }
0x2d: {  	[sflag:s7] =	ssyncset.done $0x0  }
0x2e: {  	s15 =	rddreg [dreg:$0x6];
	[sflag:s7] =	ssyncadd.s32 $0xFFFFFF00  }
0x2f: {  	[tilespmem:s22], [sflag:$0x7] =	stream.linear.gather [hbm4b:s15+s5], $0x100, $0x38;
	[tilespmem:$0x18880] =	vst v63  }
0x30: {  	_ =	swait.ge [sflag:s7], $0x100  }
0x31: {  	[sflag:s7] =	ssyncset.done $0x0  }
0x32: {  	[sflag:s7] =	ssyncadd.s32 $0xFFFFFF00  }
0x33: {  	s16 =	rddreg [dreg:$0x1]  }
0x34: {  	[tilespmem:s23], [sflag:$0x7] =	stream.linear.gather [hbm4b:s16+s5], $0x100, $0x38;
	[tilespmem:$0x18880] =	vst v63  }
0x35: {  	_ =	swait.ge [sflag:s7], $0x100  }
0x36: {  	[sflag:s7] =	ssyncset.done $0x0  }
0x37: {  	s17 =	rddreg [dreg:$0x7];
	[sflag:s7] =	ssyncadd.s32 $0xFFFFFF00  }
0x38: {  	[tilespmem:s24], [sflag:$0x7] =	stream.linear.gather [hbm4b:s17+s5], $0x100, $0x38;
	[tilespmem:$0x18880] =	vst v63  }
0x39: {  	_ =	swait.ge [sflag:s7], $0x100  }
0x3a: {  	[sflag:s7] =	ssyncset.done $0x0  }
0x3b: {  	s18 =	rddreg [dreg:$0x8];
	[sflag:s7] =	ssyncadd.s32 $0xFFFFFF00  }
0x3c: {  	[tilespmem:s25], [sflag:$0x7] =	stream.linear.gather [hbm4b:s18+s5], $0x100, $0x38;
	[tilespmem:$0x18880] =	vst v63  }
0x3d: {  	_ =	swait.ge [sflag:s7], $0x100  }
0x3e: {  	[sflag:s7] =	ssyncset.done $0x0  }
0x3f: {  	s20 =	rddreg [dreg:$0x9];
	[sflag:s7] =	ssyncadd.s32 $0xFFFFFF00  }
0x40: {  	[tilespmem:s26], [sflag:$0x7] =	stream.linear.gather [hbm4b:s20+s5], $0x100, $0x38;
	[tilespmem:$0x18880] =	vst v63  }
0x41: {  	_ =	swait.ge [sflag:s7], $0x100  }
0x42: {  	[sflag:s7] =	ssyncset.done $0x0  }
0x43: {  	s10 =	simm.s32 $0x600;
	s21 =	rddreg [dreg:$0xa];
	[sflag:s7] =	ssyncadd.s32 $0xFFFFFF00  }
0x44: {  	[tilespmem:s10], [sflag:$0x7] =	stream.linear.gather [hbm4b:s21+s5], $0x80, $0x38;
	[tilespmem:$0x18880] =	vst v63  }
0x45: {  	_ =	swait.ge [sflag:s7], $0x80  }
0x46: {  	[sflag:s7] =	ssyncset.done $0x0  }
0x47: {  	s11 =	rddreg [dreg:$0xb];
	[sflag:s7] =	ssyncadd.s32 $0xFFFFFF80  }
0x48: {  	[tilespmem:s29], [sflag:$0x7] =	stream.linear.gather [hbm4b:s11+s5], $0x100, $0x38;
	[tilespmem:$0x18880] =	vst v63  }
0x49: {  	_ =	swait.ge [sflag:s7], $0x100  }
0x4a: {  	[sflag:s7] =	ssyncset.done $0x0  }
0x4b: {  	s15 =	rddreg [dreg:$0xc];
	[sflag:s7] =	ssyncadd.s32 $0xFFFFFF00  }
0x4c: {  	[tilespmem:s30], [sflag:$0x7] =	stream.linear.gather [hbm4b:s15+s5], $0x80, $0x38;
	[tilespmem:$0x18880] =	vst v63  }
0x4d: {  	_ =	swait.ge [sflag:s7], $0x80  }
0x4e: {  	[sflag:s7] =	ssyncset.done $0x0  }
0x4f: {  	s16 =	rddreg [dreg:$0xd];
	[sflag:s7] =	ssyncadd.s32 $0xFFFFFF80  }
0x50: {  	[tilespmem:s31], [sflag:$0x7] =	stream.linear.gather [hbm4b:s16+s5], $0x80, $0x38;
	[tilespmem:$0x18880] =	vst v63  }
0x51: {  	_ =	swait.ge [sflag:s7], $0x80  }
0x52: {  	[sflag:s7] =	ssyncset.done $0x0  }
0x53: {  	[sflag:s7] =	ssyncadd.s32 $0xFFFFFF80  }
0x54: {  	v14 =	vld [tilespmem:$0x600]  }
0x55: {  	v15 =	vld [tilespmem:$0x610]  }
0x56: {  	s18 =	simm.s32 $0x880;
	s17 =	rddreg [dreg:$0xe];
	v16 =	vld [tilespmem:$0x620]  }
0x57: {  	v17 =	vld [tilespmem:$0x630];
	[tilespmem:s18], [sflag:$0x1] =	stream.linear.gather [hbm4b:s17+s5], $0x4000, $0x38  }
0x58: {  	s21 =	simm.s32 $0x4880;
	s20 =	rddreg [dreg:$0xf]  }
0x59: {  	[tilespmem:s21], [sflag:$0x2] =	stream.linear.gather [hbm4b:s20+s5], $0x4000, $0x38;
	[tilespmem:$0x18880] =	vst v63  }
0x5a: {  	[tilespmem:$0x1FFB0] =	vst v14  }
0x5b: {  	v0 =	vimm.s32 $0x8;
	[tilespmem:$0x1FFC0] =	vst v15  }
0x5c: {  	v18 =	vperm.xlane v14, v0;
	[tilespmem:$0x1FFD0] =	vst v16  }
0x5d: {  	[tilespmem:$0x1FFE0] =	vst v17  }
0x5e: {  	s16 =	simm.s32 $0x0;
	[tilespmem:$0x1FFF0] =	vst v18  }
.LBB2_2:
0x5f: {  	p0 =	seq.s32 s16, $0x0  }
0x60: {  	s0 =	simm.s32 @!p0 $0x3  }
0x61: {  	_ =	swait.ge @!p0 [sflag:s0], $0x4000  }
0x62: {  	[sflag:s0] =	ssyncset.done @!p0 $0x0  }
0x63: {  	[sflag:s0] =	ssyncadd.s32 @!p0 $0xFFFFC000;
	s0 =	simm.s32 @!p0 $0x5  }
0x64: {  	_ =	swait.ge @!p0 [sflag:s0], $0x4000  }
0x65: {  	[sflag:s0] =	ssyncset.done @!p0 $0x0  }
0x66: {  	[sflag:s0] =	ssyncadd.s32 @!p0 $0xFFFFC000  }
0x67: {  	s21 =	sshll.u32 s16, $0xF;
	s20 =	simm.s32 $0xFFFFFE80;
	_ =	swait.ge [sflag:s28], $0x4000  }
0x68: {  	s17 =	simm.s32 $0x10940;
	s10 =	simm.s32 $0x8940;
	[sflag:s28] =	ssyncset.done $0x0  }
0x69: {  	s11 =	simm.s32 $0x940;
	s18 =	sor.u32 s14, s21;
	[sflag:s28] =	ssyncadd.s32 $0xFFFFC000  }
.LBB2_3:
0x6a: {  	v7 =	vld [tilespmem:s11+$0xFFFFFF40];
	_ =	sdelay $0x4  }
0x6b: {  	v8 =	vmax.f32 v7, $-5.000000000e+00  }
0x6c: {  	v8 =	vmin.f32 v8, $5.000000000e+00  }
0x6d: {  	vm0 =	vle.f32 v18, v8  }
0x6e: {  	v9 =	vsel vm0, $0x8, v13  }
0x6f: {  	v10 =	vor.u32 $0x4, v9  }
0x70: {  	v11 =	vperm.xlane v14, v10;
	_ =	sdelay $0x1  }
0x71: {  	vm6 =	vle.f32 v11, v8  }
0x72: {  	v9 =	vsel vm6, v10, v9  }
0x73: {  	v10 =	vor.u32 $0x2, v9  }
0x74: {  	v24 =	vperm.xlane v14, v10;
	_ =	sdelay $0x1  }
0x75: {  	vm7 =	vle.f32 v24, v8  }
0x76: {  	v9 =	vsel vm7, v10, v9  }
0x77: {  	v10 =	vor.u32 $0x1, v9  }
0x78: {  	v25 =	vperm.xlane v14, v10;
	_ =	sdelay $0x1  }
0x79: {  	vm8 =	vle.f32 v25, v8  }
0x7a: {  	v10 =	vsel vm8, v10, v9  }
0x7b: {  	v9 =	vperm.xlane v15, v10  }
0x7c: {  	v26 =	vperm.xlane v17, v10;
	v12 =	vperm.xlane v16, v10  }
0x7d: {  	vm9 =	vle.f32 v9, v8  }
0x7e: {  	v9 =	vsel vm9, v26, v12  }
0x7f: {  	vm1 =	vle.f32 v9, v8  }
0x80: {  	v27 =	vsel vm9, $0x4, v13;
	v9 =	vld [tilespmem:s11+$0xFFFFFF50];
	v12 =	vsel vm1, $0x2, v13  }
0x81: {  	v10 =	vshll.u32 v10, $0x3;
	v11 =	vor.u32 v12, v27  }
0x82: {  	v11 =	vor.u32 v10, v11  }
0x83: {  	v12 =	vor.u32 $0x1, v11;
	_ =	sdelay $0x1  }
0x84: {  	v29 =	vld [tilespmem:$0x1FFB0];
	v28 =	vmax.f32 v9, $-5.000000000e+00  }
0x85: {  	v10 =	vmin.f32 v28, $5.000000000e+00  }
0x86: {  	v0 =	vimm.s32 $0x0;
	vm10 =	vle.f32 v18, v10  }
0x87: {  	v14 =	vsel vm10, $0x8, v0;
	v13 =	vld.idx.msk [tilespmem:v12+s5+$0x0], $0xffff  }
0x88: {  	v15 =	vor.u32 $0x4, v14  }
0x89: {  	v31 =	vld [tilespmem:$0x1FFB0];
	v16 =	vperm.xlane v29, v15;
	_ =	sdelay $0x1  }
0x8a: {  	vm11 =	vle.f32 v16, v10  }
0x8b: {  	vm12 =	vle.f32 v13, v8;
	v13 =	vsel vm11, v15, v14  }
0x8c: {  	v15 =	vsel vm12, v12, v11;
	v30 =	vor.u32 $0x2, v13  }
0x8d: {  	v32 =	vld [tilespmem:$0x1FFB0];
	v12 =	vperm.xlane v31, v30;
	_ =	sdelay $0x1  }
0x8e: {  	v34 =	vld [tilespmem:$0x1FFC0];
	vm13 =	vle.f32 v12, v10  }
0x8f: {  	v35 =	vld [tilespmem:$0x1FFE0];
	v11 =	vsel vm13, v30, v13  }
0x90: {  	v12 =	vld.idx.msk [tilespmem:v15+s24+$0x0], $0xffff;
	v13 =	vor.u32 $0x1, v11  }
0x91: {  	v36 =	vld [tilespmem:$0x1FFD0];
	v14 =	vperm.xlane v32, v13  }
0x92: {  	v16 =	vld.idx.msk [tilespmem:v15+s26+$0x0], $0xffff  }
0x93: {  	vm14 =	vle.f32 v14, v10  }
0x94: {  	v13 =	vsel vm14, v13, v11  }
0x95: {  	v33 =	vmul.f32 v12, v8;
	v14 =	vperm.xlane v34, v13  }
0x96: {  	v17 =	vperm.xlane v35, v13;
	v18 =	vperm.xlane v36, v13  }
0x97: {  	v39 =	vld [tilespmem:$0x1FFF0];
	vm15 =	vle.f32 v14, v10;
	v14 =	vadd.f32 v33, v16  }
0x98: {  	v37 =	vimm.s32 $0x0;
	v11 =	vld [tilespmem:s11+$0xFFFFFF60];
	v16 =	vsel vm15, v17, v18  }
0x99: {  	v38 =	vimm.s32 $0x0;
	v19 =	vld.idx.msk [tilespmem:v15+s29+$0x0], $0xffff;
	vm4 =	vle.f32 v16, v10;
	v14 =	vmax.f32 v14, $0.0e+00  }
0x9a: {  	v17 =	vsel vm15, $0x4, v37;
	v16 =	vld.idx.msk [tilespmem:v15+s25+$0x0], $0xffff;
	v18 =	vsel vm4, $0x2, v38;
	v14 =	vmin.f32 v14, $1.000000000e+00  }
0x9b: {  	v17 =	vor.u32 v18, v17;
	v18 =	vsub.f32 $1.000000000e+00, v14  }
0x9c: {  	v23 =	vadd.s32 $0x1, v15;
	v13 =	vshll.u32 v13, $0x3  }
0x9d: {  	v41 =	vld [tilespmem:$0x1FFB0];
	v17 =	vor.u32 v17, v13;
	v13 =	vmax.f32 v11, $-5.000000000e+00;
	v21 =	vmul.f32 v18, v14  }
0x9e: {  	v40 =	vimm.s32 $0x0;
	v20 =	vor.u32 $0x1, v17;
	v13 =	vmin.f32 v13, $5.000000000e+00  }
0x9f: {  	vm5 =	vle.f32 v39, v13;
	v22 =	vmul.f32 v16, v12;
	v12 =	vmul.f32 v21, v19  }
0xa0: {  	v27 =	vld.idx.msk [tilespmem:v15+s23+$0x0], $0xffff;
	v19 =	vsel vm5, $0x8, v40  }
0xa1: {  	v23 =	vld.idx.msk [tilespmem:v23+s23+$0x0], $0xffff;
	v24 =	vor.u32 $0x4, v19;
	v12 =	vadd.f32 v12, v22  }
0xa2: {  	v42 =	vld [tilespmem:$0x1FFB0];
	v26 =	vperm.xlane v41, v24  }
0xa3: {  	v25 =	vld.idx.msk [tilespmem:v20+s5+$0x0], $0xffff;
	(erf) = vrcp.f32 v12  }
0xa4: {  	v57 =	vimm.s32 $0x0;
	vm6 =	vle.f32 v26, v13  }
0xa5: {  	v62 =	vimm.s32 $0x0;
	vm15 =	vge.f32 v7, $0.0e+00;
	v19 =	vsel vm6, v24, v19  }
0xa6: {  	v45 =	vmul.f32 v14, v23;
	v43 =	vmul.f32 v18, v27;
	v24 =	vor.u32 $0x2, v19  }
0xa7: {  	v47 =	vld [tilespmem:$0x1FFB0];
	v7 =	vsub.f32 v7, v8;
	v44 =	vmul.f32 v14, v22;
	v12 =	vperm.xlane v42, v24  }
0xa8: {  	v51 =	vld [tilespmem:$0x1FFC0];
	v23 =	vsel vm15, v23, v27;
	v46 =	vadd.f32 v22, v22;
	vm7 =	vle.f32 v25, v10  }
0xa9: {  	v17 =	vsel vm7, v20, v17;
	vm8 =	vle.f32 v12, v13;
	v12 =	vld [tilespmem:s11+$0xFFFFFF70];
	v20 =	vadd.f32 v43, v44  }
0xaa: {  	v53 =	vld [tilespmem:$0x1FFF0];
	v7 =	vmul.f32 v23, v7;
	v21 =	vmul.f32 v21, v46;
	v19 =	vsel vm8, v24, v19  }
0xab: {  	v54 =	vld [tilespmem:$0x1FFE0];
	v28 =	vor.u32 $0x1, v19;
	v20 =	vmul.f32 v20, v14;
	v14 =	vmul.f32 v45, v14  }
0xac: {  	v56 =	vld [tilespmem:$0x1FFD0];
	v4 =	vimm.s32 $0x0;
	v18 =	vmul.f32 v43, v18;
	v29 =	vperm.xlane v47, v28;
	v30 =	vpop (erf)  }
0xad: {  	v15 =	vld.idx.msk [tilespmem:v15+s22+$0x0], $0xffff;
	v22 =	vmul.f32 v22, v22;
	v21 =	vadd.f32 v21, v14;
	v20 =	vmul.f32 v30, v20  }
0xae: {  	v48 =	vld.idx.msk [tilespmem:v17+s24+$0x0], $0xffff;
	vm9 =	vle.f32 v29, v13;
	v49 =	vmax.f32 v12, $-5.000000000e+00;
	v40 =	vmul.f32 v30, v30  }
0xaf: {  	v59 =	vld [tilespmem:$0x1FFB0];
	v19 =	vsel vm9, v28, v19;
	v14 =	vmin.f32 v49, $5.000000000e+00;
	v18 =	vadd.f32 v21, v18  }
0xb0: {  	v50 =	vld.idx.msk [tilespmem:v17+s26+$0x0], $0xffff;
	v52 =	vperm.xlane v51, v19;
	vm10 =	vle.f32 v53, v14;
	v55 =	vperm.xlane v54, v19  }
0xb1: {  	v28 =	vperm.xlane v56, v19;
	v19 =	vshll.u32 v19, $0x3;
	v16 =	vmul.f32 v20, v16  }
0xb2: {  	v31 =	vsel vm10, $0x8, v57;
	v18 =	vmul.f32 v18, v22;
	vm11 =	vle.f32 v52, v13  }
0xb3: {  	v58 =	vor.u32 $0x4, v31;
	v16 =	vadd.f32 v16, v15;
	v32 =	vmul.f32 v48, v10  }
0xb4: {  	v38 =	vld [tilespmem:$0x1FFB0];
	v26 =	vsel vm11, v55, v28;
	v60 =	vperm.xlane v59, v58;
	v63 =	vsel vm11, $0x4, v62  }
0xb5: {  	v28 =	vld.idx.msk [tilespmem:v17+s25+$0x0], $0xffff;
	v18 =	vmul.f32 v40, v18;
	vm12 =	vle.f32 v26, v13;
	v61 =	vadd.f32 v32, v50  }
0xb6: {  	vm11 =	vge.f32 v9, $0.0e+00;
	v5 =	vsel vm12, $0x2, v4;
	vm13 =	vle.f32 v60, v14  }
0xb7: {  	v29 =	vld.idx.msk [tilespmem:v17+s23+$0x0], $0xffff;
	v26 =	vor.u32 v5, v63;
	v25 =	vsel vm13, v58, v31;
	v21 =	vmax.f32 v61, $0.0e+00  }
0xb8: {  	v36 =	vld.idx.msk [tilespmem:v17+s29+$0x0], $0xffff;
	v19 =	vor.u32 v26, v19;
	v6 =	vor.u32 $0x2, v25;
	v21 =	vmin.f32 v21, $1.000000000e+00  }
0xb9: {  	v45 =	vld [tilespmem:$0x1FFB0];
	v37 =	vor.u32 $0x1, v19;
	v39 =	vperm.xlane v38, v6;
	v41 =	vsub.f32 $1.000000000e+00, v21  }
0xba: {  	v9 =	vsub.f32 v9, v10;
	v24 =	vmul.f32 v28, v48;
	v48 =	vadd.s32 $0x1, v17  }
0xbb: {  	v49 =	vld [tilespmem:$0x1FFC0];
	v47 =	vshrl.u32 v18, $0x10;
	vm14 =	vle.f32 v39, v14;
	v20 =	vmul.f32 v41, v21  }
0xbc: {  	v52 =	vld [tilespmem:$0x1FFD0];
	v56 =	vmul.f32 v21, v24;
	v42 =	vsel vm14, v6, v25;
	v55 =	vmul.f32 v41, v29  }
0xbd: {  	v50 =	vld [tilespmem:$0x1FFE0];
	v53 =	vshra.s32 v18, $0x17;
	v25 =	vor.u32 $0x1, v42;
	v43 =	vmul.f32 v20, v36  }
0xbe: {  	v34 =	vadd.f32 v24, v24;
	v44 =	vld.idx.msk [tilespmem:v37+s5+$0x0], $0xffff;
	v46 =	vperm.xlane v45, v25;
	v31 =	vadd.f32 v55, v56  }
0xbf: {  	v60 =	vimm.s32 $0x0;
	v8 =	vand.u32 $0x7F, v47;
	v54 =	vld.idx.msk [tilespmem:v48+s23+$0x0], $0xffff;
	v26 =	vadd.f32 v43, v24  }
0xc0: {  	v20 =	vmul.f32 v20, v34;
	vm4 =	vle.f32 v46, v14;
	v62 =	vmul.f32 v31, v21  }
0xc1: {  	v24 =	vmul.f32 v24, v24;
	v22 =	vsel vm4, v25, v42;
	(erf) = vrcp.f32 v26  }
0xc2: {  	v4 =	vadd.f32 v16, v7;
	v15 =	vperm.xlane v49, v22;
	v51 =	vperm.xlane v50, v22  }
0xc3: {  	v58 =	vimm.s32 $0x0;
	v25 =	vperm.xlane v52, v22;
	v26 =	vcvt.s32.f32 v53  }
0xc4: {  	v22 =	vshll.u32 v22, $0x3;
	vm5 =	vle.f32 v44, v13;
	v61 =	vmul.f32 v21, v54  }
0xc5: {  	v19 =	vsel vm5, v37, v19;
	vm6 =	vle.f32 v15, v14;
	v15 =	vand.u32 $0xFFFF, v18;
	v18 =	vld.idx.msk [tilespmem:v8+s31+$0x0], $0xffff  }
0xc6: {  	v27 =	vsel vm11, v54, v29;
	vm11 =	vge.f32 v11, $0.0e+00;
	v8 =	vld.idx.msk [tilespmem:v8+s30+$0x0], $0xffff;
	v23 =	vsel vm6, v51, v25  }
0xc7: {  	v57 =	vcvt.s32.f32 v15;
	v15 =	vld [tilespmem:s11+$0xFFFFFF80];
	v16 =	vmul.f32 v61, v21;
	vm7 =	vle.f32 v23, v14  }
0xc8: {  	v17 =	vld.idx.msk [tilespmem:v17+s22+$0x0], $0xffff;
	v11 =	vsub.f32 v11, v13;
	v59 =	vsel vm6, $0x4, v58;
	v33 =	vsel vm7, $0x2, v60  }
0xc9: {  	v34 =	vld [tilespmem:$0x1FFF0];
	v26 =	vmul.f32 $6.931471820e-01, v26;
	v16 =	vadd.f32 v20, v16;
	v32 =	vor.u32 v33, v59  }
0xca: {  	v20 =	vmul.f32 v55, v41;
	v35 =	vld.idx.msk [tilespmem:v19+s24+$0x0], $0xffff;
	v22 =	vor.u32 v32, v22;
	v18 =	vmul.f32 v57, v18  }
0xcb: {  	v42 =	vld [tilespmem:$0x1FFB0];
	v37 =	vimm.s32 $0x0;
	v41 =	vadd.s32 $0x1, v19;
	v63 =	vor.u32 $0x1, v22  }
0xcc: {  	v5 =	vld.idx.msk [tilespmem:v19+s26+$0x0], $0xffff;
	v16 =	vadd.f32 v16, v20;
	v8 =	vadd.f32 v18, v8;
	v7 =	vpop (erf);
	v18 =	vmax.f32 v15, $-5.000000000e+00  }
0xcd: {  	v9 =	vmul.f32 v27, v9;
	v23 =	vmul.f32 v7, v62;
	v18 =	vmin.f32 v18, $5.000000000e+00  }
0xce: {  	v49 =	vld [tilespmem:$0x1FFB0];
	v16 =	vmul.f32 v16, v24;
	v44 =	vmul.f32 v7, v7;
	vm8 =	vle.f32 v34, v18  }
0xcf: {  	v45 =	vld.idx.msk [tilespmem:v19+s29+$0x0], $0xffff;
	v33 =	vmul.f32 v35, v13;
	v23 =	vmul.f32 v23, v28;
	v38 =	vsel vm8, $0x8, v37  }
0xd0: {  	[tilespmem:$0x1FEA0] =	vst v4;
	v40 =	vadd.f32 v8, v26;
	v46 =	vmul.f32 v44, v16;
	v36 =	vld.idx.msk [tilespmem:v63+s5+$0x0], $0xffff;
	v39 =	vor.u32 $0x4, v38  }
0xd1: {  	v26 =	vld.idx.msk [tilespmem:v41+s23+$0x0], $0xffff;
	v21 =	vadd.f32 v33, v5;
	v43 =	vperm.xlane v42, v39;
	v20 =	vadd.f32 v23, v17  }
0xd2: {  	[tilespmem:$0x1FEB0] =	vst v40;
	v23 =	vld.idx.msk [tilespmem:v19+s25+$0x0], $0xffff;
	v50 =	vshra.s32 v46, $0x17;
	v51 =	vshrl.u32 v46, $0x10;
	v25 =	vand.u32 $0xFFFF, v46  }
0xd3: {  	v29 =	vld.idx.msk [tilespmem:v19+s23+$0x0], $0xffff;
	v46 =	vimm.s32 $0x0;
	v10 =	vcvt.s32.f32 v50;
	v17 =	vmax.f32 v21, $0.0e+00  }
0xd4: {  	v25 =	vcvt.s32.f32 v25;
	vm9 =	vle.f32 v43, v18;
	v32 =	vmin.f32 v17, $1.000000000e+00  }
0xd5: {  	v17 =	vsel vm9, v39, v38;
	v33 =	vsub.f32 $1.000000000e+00, v32;
	vm10 =	vle.f32 v36, v14  }
0xd6: {  	v47 =	vor.u32 $0x2, v17;
	v53 =	vmul.f32 v32, v26;
	v21 =	vsel vm10, v63, v22  }
0xd7: {  	v54 =	vld [tilespmem:$0x1FFB0];
	v16 =	vperm.xlane v49, v47;
	v30 =	vmul.f32 v23, v35;
	v22 =	vand.u32 $0x7F, v51  }
0xd8: {  	v63 =	vimm.s32 $0x0;
	v48 =	vmul.f32 v33, v32;
	v36 =	vmul.f32 v33, v29  }
0xd9: {  	v34 =	vmul.f32 v53, v32;
	vm12 =	vle.f32 v16, v18;
	v16 =	vld [tilespmem:s11+$0xFFFFFF90];
	v37 =	vadd.f32 v30, v30  }
0xda: {  	v59 =	vld [tilespmem:$0x1FFC0];
	v8 =	vadd.s32 $0x1, v21;
	v24 =	vmul.f32 v48, v45;
	v17 =	vsel vm12, v47, v17  }
0xdb: {  	v60 =	vld [tilespmem:$0x1FFF0];
	v33 =	vmul.f32 v36, v33;
	v52 =	vor.u32 $0x1, v17;
	v28 =	vmul.f32 v48, v37  }
0xdc: {  	v61 =	vld [tilespmem:$0x1FFE0];
	v48 =	vimm.s32 $0x0;
	v24 =	vadd.f32 v24, v30;
	v55 =	vperm.xlane v54, v52  }
0xdd: {  	v62 =	vld [tilespmem:$0x1FFD0];
	v54 =	vmul.f32 v32, v30;
	v30 =	vmul.f32 v30, v30;
	v28 =	vadd.f32 v28, v34  }
0xde: {  	v27 =	vld.idx.msk [tilespmem:v21+s24+$0x0], $0xffff;
	(erf) = vrcp.f32 v24;
	vm13 =	vle.f32 v55, v18;
	v57 =	vmax.f32 v16, $-5.000000000e+00  }
0xdf: {  	v6 =	vld [tilespmem:$0x1FFB0];
	v34 =	vadd.f32 v36, v54;
	v54 =	vimm.s32 $0x0;
	v31 =	vsel vm13, v52, v17  }
0xe0: {  	v56 =	vld.idx.msk [tilespmem:v21+s26+$0x0], $0xffff;
	v17 =	vmin.f32 v57, $5.000000000e+00;
	v28 =	vadd.f32 v28, v33;
	vm13 =	vge.f32 v12, $0.0e+00  }
0xe1: {  	v52 =	vld.idx.msk [tilespmem:v22+s31+$0x0], $0xffff;
	v12 =	vsub.f32 v12, v14;
	v38 =	vperm.xlane v59, v31;
	vm14 =	vle.f32 v60, v17  }
0xe2: {  	v39 =	vperm.xlane v61, v31;
	v40 =	vperm.xlane v62, v31;
	v31 =	vshll.u32 v31, $0x3  }
0xe3: {  	v32 =	vmul.f32 v34, v32;
	v58 =	vmul.f32 v27, v14;
	v41 =	vsel vm14, $0x8, v63  }
0xe4: {  	v22 =	vld.idx.msk [tilespmem:v22+s30+$0x0], $0xffff;
	v28 =	vmul.f32 v28, v30;
	vm15 =	vle.f32 v38, v18;
	v4 =	vor.u32 $0x4, v41  }
0xe5: {  	v53 =	vld [tilespmem:$0x1FFB0];
	v24 =	vadd.f32 v58, v56;
	v5 =	vsel vm15, v39, v40;
	v7 =	vperm.xlane v6, v4  }
0xe6: {  	v38 =	vld.idx.msk [tilespmem:v21+s25+$0x0], $0xffff;
	v47 =	vsel vm15, $0x4, v46;
	vm4 =	vle.f32 v5, v18;
	v25 =	vmul.f32 v25, v52  }
0xe7: {  	v24 =	vmax.f32 v24, $0.0e+00;
	v49 =	vsel vm4, $0x2, v48;
	vm5 =	vle.f32 v7, v17  }
0xe8: {  	v50 =	vld.idx.msk [tilespmem:v21+s29+$0x0], $0xffff;
	v37 =	vor.u32 v49, v47;
	v35 =	vsel vm5, v4, v41;
	v24 =	vmin.f32 v24, $1.000000000e+00  }
0xe9: {  	v30 =	vld.idx.msk [tilespmem:v21+s23+$0x0], $0xffff;
	v25 =	vadd.f32 v25, v22;
	v51 =	vor.u32 $0x2, v35;
	v42 =	vsub.f32 $1.000000000e+00, v24;
	v36 =	vpop (erf)  }
0xea: {  	v59 =	vld [tilespmem:$0x1FFB0];
	v31 =	vor.u32 v37, v31;
	v44 =	vperm.xlane v53, v51;
	v61 =	vmul.f32 v36, v36  }
0xeb: {  	v27 =	vmul.f32 v38, v27;
	v43 =	vor.u32 $0x1, v31;
	v45 =	vmul.f32 v42, v24  }
0xec: {  	v5 =	vld [tilespmem:$0x1FFE0];
	v32 =	vmul.f32 v36, v32;
	vm6 =	vle.f32 v44, v17;
	v28 =	vmul.f32 v61, v28  }
0xed: {  	v63 =	vadd.f32 v27, v27;
	v55 =	vsel vm6, v51, v35;
	v35 =	vld.idx.msk [tilespmem:v8+s23+$0x0], $0xffff;
	v56 =	vmul.f32 v45, v50  }
0xee: {  	v7 =	vld [tilespmem:$0x1FFD0];
	v53 =	vmul.f32 v42, v30;
	v57 =	vor.u32 $0x1, v55;
	v48 =	vshrl.u32 v28, $0x10  }
0xef: {  	v4 =	vld [tilespmem:$0x1FFC0];
	v13 =	vshra.s32 v28, $0x17;
	v60 =	vperm.xlane v59, v57;
	v37 =	vadd.f32 v56, v27  }
0xf0: {  	v50 =	vmul.f32 v45, v63;
	v58 =	vld.idx.msk [tilespmem:v43+s5+$0x0], $0xffff;
	v52 =	vand.u32 $0x7F, v48;
	v13 =	vcvt.s32.f32 v13  }
0xf1: {  	vm7 =	vle.f32 v60, v17;
	(erf) = vrcp.f32 v37;
	v60 =	vmul.f32 v27, v27  }
0xf2: {  	v56 =	vimm.s32 $0x0;
	v13 =	vmul.f32 $6.931471820e-01, v13;
	v62 =	vmul.f32 v24, v35  }
0xf3: {  	v33 =	vsel vm7, v57, v55;
	v57 =	vmul.f32 v53, v42;
	v42 =	vmul.f32 v24, v27  }
0xf4: {  	v19 =	vld.idx.msk [tilespmem:v19+s22+$0x0], $0xffff;
	v14 =	vsel vm13, v35, v30;
	v39 =	vperm.xlane v4, v33;
	v6 =	vperm.xlane v5, v33  }
0xf5: {  	v8 =	vperm.xlane v7, v33;
	v33 =	vshll.u32 v33, $0x3;
	vm8 =	vle.f32 v58, v18  }
0xf6: {  	v49 =	vmul.f32 v62, v24;
	v22 =	vsel vm8, v43, v31;
	vm9 =	vle.f32 v39, v17  }
0xf7: {  	v62 =	vadd.f32 v20, v9;
	v20 =	vmul.f32 v32, v23;
	v51 =	vsel vm9, v6, v8  }
0xf8: {  	v14 =	vmul.f32 v14, v12;
	v31 =	vadd.f32 v50, v49;
	vm10 =	vle.f32 v51, v17  }
0xf9: {  	v55 =	vsel vm9, $0x4, v54;
	v7 =	vadd.f32 v20, v19;
	v20 =	vld.idx.msk [tilespmem:v52+s31+$0x0], $0xffff;
	v37 =	vsel vm10, $0x2, v56  }
0xfa: {  	v58 =	vmul.f32 $6.931471820e-01, v10;
	v43 =	vand.u32 $0xFFFF, v28;
	v34 =	vor.u32 v37, v55  }
0xfb: {  	v19 =	vsel vm11, v26, v29;
	v31 =	vadd.f32 v31, v57;
	v59 =	vld.idx.msk [tilespmem:v22+s24+$0x0], $0xffff;
	v33 =	vor.u32 v34, v33  }
0xfc: {  	v27 =	vcvt.s32.f32 v43;
	v11 =	vmul.f32 v19, v11;
	v19 =	vld [tilespmem:s11+$0xFFFFFFA0];
	v4 =	vpop (erf);
	v61 =	vor.u32 $0x1, v33  }
0xfd: {  	v26 =	vadd.f32 v53, v42;
	v5 =	vld.idx.msk [tilespmem:v22+s26+$0x0], $0xffff;
	v31 =	vmul.f32 v31, v60;
	v6 =	vmul.f32 v4, v4  }
0xfe: {  	v63 =	vadd.f32 v25, v58;
	v48 =	vadd.s32 $0x1, v22;
	v51 =	vld.idx.msk [tilespmem:v52+s30+$0x0], $0xffff;
	v27 =	vmul.f32 v27, v20  }
0xff: {  	v21 =	vld.idx.msk [tilespmem:v21+s22+$0x0], $0xffff;
	v58 =	vimm.s32 $0x0;
	v20 =	vmul.f32 v26, v24;
	v44 =	vmul.f32 v6, v31  }
0x100: {  	vm9 =	vge.f32 v15, $0.0e+00;
	v15 =	vsub.f32 v15, v18;
	v56 =	vld [tilespmem:$0x1FFF0];
	v45 =	vmul.f32 v59, v18  }
0x101: {  	[tilespmem:$0x1FEC0] =	vst v62;
	v62 =	vadd.f32 v7, v11;
	v20 =	vmul.f32 v4, v20;
	v32 =	vshrl.u32 v44, $0x10;
	v46 =	vld.idx.msk [tilespmem:v61+s5+$0x0], $0xffff  }
0x102: {  	v54 =	vmax.f32 v19, $-5.000000000e+00;
	v31 =	vand.u32 $0x7F, v32;
	v32 =	vld.idx.msk [tilespmem:v22+s25+$0x0], $0xffff;
	v25 =	vadd.f32 v45, v5  }
0x103: {  	[tilespmem:$0x1FED0] =	vst v63;
	v63 =	vld [tilespmem:$0x1FFB0];
	v27 =	vadd.f32 v27, v51;
	v38 =	vmul.f32 v20, v38;
	v20 =	vmin.f32 v54, $5.000000000e+00  }
0x104: {  	v39 =	vld.idx.msk [tilespmem:v22+s23+$0x0], $0xffff;
	v57 =	vshra.s32 v44, $0x17;
	v29 =	vand.u32 $0xFFFF, v44;
	v47 =	vmax.f32 v25, $0.0e+00  }
0x105: {  	v49 =	vld.idx.msk [tilespmem:v22+s29+$0x0], $0xffff;
	vm14 =	vle.f32 v56, v20;
	v29 =	vcvt.s32.f32 v29;
	v37 =	vmin.f32 v47, $1.000000000e+00  }
0x106: {  	v38 =	vadd.f32 v38, v21;
	v50 =	vsub.f32 $1.000000000e+00, v37;
	vm12 =	vle.f32 v46, v17  }
0x107: {  	v21 =	vld [tilespmem:s11+$0xFFFFFFB0];
	v55 =	vmul.f32 v32, v59;
	v59 =	vsel vm14, $0x8, v58;
	v24 =	vsel vm12, v61, v33  }
0x108: {  	v26 =	vcvt.s32.f32 v57;
	v25 =	vld.idx.msk [tilespmem:v48+s23+$0x0], $0xffff;
	v61 =	vor.u32 $0x4, v59;
	v53 =	vmul.f32 v50, v37  }
0x109: {  	v27 =	vadd.f32 v27, v13;
	v52 =	vld.idx.msk [tilespmem:v31+s31+$0x0], $0xffff;
	v3 =	vperm.xlane v63, v61;
	v6 =	vmul.f32 v50, v39  }
0x10a: {  	v33 =	vld [tilespmem:$0x1FFB0];
	v7 =	vmul.f32 v37, v55;
	v8 =	vadd.f32 v55, v55;
	v12 =	vmul.f32 v53, v49  }
0x10b: {  	v31 =	vld.idx.msk [tilespmem:v31+s30+$0x0], $0xffff;
	v46 =	vmul.f32 v55, v55;
	v63 =	vimm.s32 $0x0;
	vm15 =	vle.f32 v3, v20  }
0x10c: {  	v13 =	vmul.f32 v53, v8;
	v45 =	vadd.f32 v6, v7;
	v12 =	vadd.f32 v12, v55;
	v60 =	vld.idx.msk [tilespmem:v24+s24+$0x0], $0xffff  }
0x10d: {  	v23 =	vmul.f32 v6, v50;
	v8 =	vadd.s32 $0x1, v24;
	v36 =	vsel vm15, v61, v59  }
0x10e: {  	v4 =	vmul.f32 v29, v52;
	v5 =	vld.idx.msk [tilespmem:v24+s26+$0x0], $0xffff;
	v11 =	vor.u32 $0x2, v36;
	(erf) = vrcp.f32 v12  }
0x10f: {  	v59 =	vmax.f32 v21, $-5.000000000e+00;
	v30 =	vld.idx.msk [tilespmem:v24+s25+$0x0], $0xffff;
	v42 =	vperm.xlane v33, v11;
	v12 =	vmul.f32 v37, v25  }
0x110: {  	v51 =	vld [tilespmem:$0x1FFB0];
	v33 =	vmul.f32 $6.931471820e-01, v26;
	v26 =	vmul.f32 v45, v37;
	v28 =	vadd.f32 v4, v31  }
0x111: {  	vm4 =	vle.f32 v42, v20;
	v9 =	vmul.f32 v12, v37;
	v10 =	vmul.f32 v60, v17  }
0x112: {  	[tilespmem:$0x1FEE0] =	vst v62;
	v62 =	vld [tilespmem:$0x1FFF0];
	v25 =	vsel vm9, v25, v39;
	v47 =	vsel vm4, v11, v36;
	v11 =	vadd.f32 v38, v14  }
0x113: {  	v54 =	vld [tilespmem:$0x1FFC0];
	v15 =	vmul.f32 v25, v15;
	v13 =	vadd.f32 v13, v9;
	v29 =	vadd.f32 v10, v5  }
0x114: {  	v41 =	vld.idx.msk [tilespmem:v8+s23+$0x0], $0xffff;
	v38 =	vadd.f32 v28, v33;
	v49 =	vor.u32 $0x1, v47;
	v40 =	vmul.f32 v30, v60  }
0x115: {  	v57 =	vld [tilespmem:$0x1FFE0];
	v52 =	vperm.xlane v51, v49;
	v13 =	vadd.f32 v13, v23;
	v29 =	vmax.f32 v29, $0.0e+00  }
0x116: {  	v48 =	vld.idx.msk [tilespmem:v24+s29+$0x0], $0xffff;
	v60 =	vimm.s32 $0x0;
	v5 =	vimm.s32 $0x0;
	v29 =	vmin.f32 v29, $1.000000000e+00  }
0x117: {  	v58 =	vld [tilespmem:$0x1FFD0];
	vm5 =	vle.f32 v52, v20;
	v13 =	vmul.f32 v13, v46;
	v50 =	vpop (erf);
	v37 =	vsub.f32 $1.000000000e+00, v29  }
0x118: {  	v22 =	vld.idx.msk [tilespmem:v22+s22+$0x0], $0xffff;
	v53 =	vmul.f32 v50, v50;
	v36 =	vmul.f32 v50, v26;
	v26 =	vmin.f32 v59, $5.000000000e+00  }
0x119: {  	v9 =	vld [tilespmem:$0x1FFB0];
	v59 =	vmul.f32 v29, v41;
	v42 =	vmul.f32 v37, v29;
	vm8 =	vle.f32 v62, v26  }
0x11a: {  	[tilespmem:$0x1FEF0] =	vst v27;
	v27 =	vmul.f32 v53, v13;
	v13 =	vsel vm5, v49, v47;
	v32 =	vmul.f32 v36, v32  }
0x11b: {  	v6 =	vsel vm8, $0x8, v5;
	v23 =	vmul.f32 v42, v48;
	v55 =	vperm.xlane v54, v13  }
0x11c: {  	v34 =	vperm.xlane v57, v13;
	v35 =	vperm.xlane v58, v13;
	v13 =	vshll.u32 v13, $0x3  }
0x11d: {  	v7 =	vor.u32 $0x4, v6;
	v48 =	vmul.f32 v29, v40;
	v56 =	vshrl.u32 v27, $0x10  }
0x11e: {  	v10 =	vperm.xlane v9, v7;
	v50 =	vand.u32 $0xFFFF, v27;
	v32 =	vadd.f32 v32, v22  }
0x11f: {  	v27 =	vshra.s32 v27, $0x17;
	v31 =	vand.u32 $0x7F, v56;
	vm6 =	vle.f32 v55, v20  }
0x120: {  	v51 =	vld [tilespmem:$0x1FFB0];
	v23 =	vadd.f32 v23, v40;
	v53 =	vcvt.s32.f32 v50;
	v34 =	vsel vm6, v34, v35  }
0x121: {  	v27 =	vcvt.s32.f32 v27;
	v61 =	vsel vm6, $0x4, v60;
	vm7 =	vle.f32 v34, v20  }
0x122: {  	v22 =	vld [tilespmem:s11+$0xFFFFFFC0];
	vm10 =	vle.f32 v10, v26;
	v55 =	vadd.f32 v32, v15;
	v4 =	vsel vm7, $0x2, v63  }
0x123: {  	v35 =	vld.idx.msk [tilespmem:v24+s23+$0x0], $0xffff;
	(erf) = vrcp.f32 v23;
	v34 =	vsel vm10, v7, v6;
	v23 =	vor.u32 v4, v61  }
0x124: {  	v5 =	vld [tilespmem:$0x1FFE0];
	v60 =	vadd.f32 v40, v40;
	v49 =	vor.u32 $0x2, v34;
	v23 =	vor.u32 v23, v13  }
0x125: {  	v57 =	vld [tilespmem:$0x1FFB0];
	v10 =	vimm.s32 $0x0;
	v52 =	vperm.xlane v51, v49;
	v45 =	vor.u32 $0x1, v23  }
0x126: {  	vm6 =	vge.f32 v16, $0.0e+00;
	v16 =	vsub.f32 v16, v17;
	v27 =	vmul.f32 $6.931471820e-01, v27;
	v7 =	vld [tilespmem:$0x1FFD0]  }
0x127: {  	v25 =	vmul.f32 v42, v60;
	v61 =	vmul.f32 v59, v29;
	v46 =	vld.idx.msk [tilespmem:v31+s31+$0x0], $0xffff;
	vm11 =	vle.f32 v52, v26  }
0x128: {  	v63 =	vmax.f32 v22, $-5.000000000e+00;
	v18 =	vld.idx.msk [tilespmem:v31+s30+$0x0], $0xffff;
	v47 =	vmul.f32 v37, v35;
	v31 =	vsel vm11, v49, v34  }
0x129: {  	[tilespmem:$0x1FF10] =	vst v38;
	v4 =	vld [tilespmem:$0x1FFC0];
	v51 =	vimm.s32 $0x0;
	v25 =	vadd.f32 v25, v61;
	v34 =	vor.u32 $0x1, v31  }
0x12a: {  	v59 =	vsel vm6, v41, v35;
	v38 =	vadd.f32 v47, v48;
	v58 =	vperm.xlane v57, v34;
	v54 =	vld.idx.msk [tilespmem:v45+s5+$0x0], $0xffff  }
0x12b: {  	v49 =	vimm.s32 $0x0;
	v16 =	vmul.f32 v59, v16;
	v43 =	vmul.f32 v47, v37  }
0x12c: {  	v38 =	vmul.f32 v38, v29;
	v33 =	vmul.f32 v53, v46;
	vm13 =	vle.f32 v58, v26  }
0x12d: {  	v9 =	vld [tilespmem:$0x1FFF0];
	v59 =	vimm.s32 $0x0;
	v25 =	vadd.f32 v25, v43;
	v39 =	vpop (erf);
	v62 =	vsel vm13, v34, v31  }
0x12e: {  	v56 =	vmul.f32 v39, v38;
	v18 =	vadd.f32 v33, v18;
	v31 =	vperm.xlane v4, v62  }
0x12f: {  	v24 =	vld.idx.msk [tilespmem:v24+s22+$0x0], $0xffff;
	v6 =	vperm.xlane v5, v62;
	v8 =	vperm.xlane v7, v62;
	vm12 =	vle.f32 v54, v20  }
0x130: {  	v46 =	vld [tilespmem:$0x1FFB0];
	v29 =	vshll.u32 v62, $0x3;
	v30 =	vmul.f32 v56, v30;
	v38 =	vsel vm12, v45, v23  }
0x131: {  	v56 =	vmul.f32 v39, v39;
	vm15 =	vle.f32 v31, v26;
	v23 =	vmin.f32 v63, $5.000000000e+00  }
0x132: {  	v7 =	vadd.f32 v18, v27;
	v32 =	vsel vm15, v6, v8;
	vm14 =	vle.f32 v9, v23  }
0x133: {  	[tilespmem:$0x1FF00] =	vst v11;
	v57 =	vld [tilespmem:$0x1FFB0];
	v50 =	vsel vm15, $0x4, v49;
	v45 =	vmul.f32 v40, v40;
	v11 =	vsel vm14, $0x8, v10  }
0x134: {  	v5 =	vld [tilespmem:$0x1FFB0];
	v24 =	vadd.f32 v30, v24;
	vm4 =	vle.f32 v32, v26;
	v44 =	vor.u32 $0x4, v11  }
0x135: {  	v52 =	vsel vm4, $0x2, v51;
	v25 =	vmul.f32 v25, v45;
	v47 =	vperm.xlane v46, v44;
	v34 =	vld.idx.msk [tilespmem:v38+s24+$0x0], $0xffff  }
0x136: {  	v61 =	vadd.s32 $0x1, v38;
	v8 =	vadd.f32 v24, v16;
	v24 =	vld [tilespmem:s11+$0xFFFFFFD0];
	vm4 =	vge.f32 v19, $0.0e+00  }
0x137: {  	v37 =	vor.u32 v52, v50;
	v25 =	vmul.f32 v56, v25;
	v48 =	vld.idx.msk [tilespmem:v38+s26+$0x0], $0xffff;
	vm5 =	vle.f32 v47, v23  }
0x138: {  	v19 =	vsub.f32 v19, v20;
	v29 =	vor.u32 v37, v29;
	v46 =	vld [tilespmem:$0x1FFE0];
	v28 =	vsel vm5, v44, v11  }
0x139: {  	[tilespmem:$0x1FF20] =	vst v55;
	v54 =	vor.u32 $0x1, v29;
	v31 =	vld.idx.msk [tilespmem:v38+s25+$0x0], $0xffff;
	v4 =	vshra.s32 v25, $0x17;
	v55 =	vor.u32 $0x2, v28  }
0x13a: {  	v27 =	vld.idx.msk [tilespmem:v38+s23+$0x0], $0xffff;
	v9 =	vshrl.u32 v25, $0x10;
	v58 =	vperm.xlane v57, v55;
	v53 =	vmul.f32 v34, v20  }
0x13b: {  	v32 =	vld.idx.msk [tilespmem:v61+s23+$0x0], $0xffff;
	v25 =	vand.u32 $0xFFFF, v25;
	v18 =	vcvt.s32.f32 v4;
	v11 =	vand.u32 $0x7F, v9  }
0x13c: {  	v4 =	vmax.f32 v24, $-5.000000000e+00;
	v9 =	vld [tilespmem:$0x1FFF0];
	vm7 =	vle.f32 v58, v23;
	v17 =	vadd.f32 v53, v48  }
0x13d: {  	v44 =	vld [tilespmem:$0x1FFC0];
	v51 =	vcvt.s32.f32 v25;
	v25 =	vmin.f32 v4, $5.000000000e+00;
	v28 =	vsel vm7, v55, v28  }
0x13e: {  	v62 =	vld.idx.msk [tilespmem:v54+s5+$0x0], $0xffff;
	v34 =	vmul.f32 v31, v34;
	v63 =	vor.u32 $0x1, v28;
	v17 =	vmax.f32 v17, $0.0e+00  }
0x13f: {  	v57 =	vimm.s32 $0x0;
	v48 =	vld [tilespmem:$0x1FFD0];
	v6 =	vperm.xlane v5, v63;
	v35 =	vmin.f32 v17, $1.000000000e+00  }
0x140: {  	v18 =	vmul.f32 $6.931471820e-01, v18;
	v61 =	vadd.f32 v34, v34;
	v40 =	vsub.f32 $1.000000000e+00, v35  }
0x141: {  	v60 =	vld.idx.msk [tilespmem:v38+s29+$0x0], $0xffff;
	vm12 =	vle.f32 v9, v25;
	vm8 =	vle.f32 v6, v23;
	v55 =	vmul.f32 v35, v34  }
0x142: {  	v56 =	vmul.f32 v35, v32;
	v37 =	vsel vm8, v63, v28;
	v10 =	vmul.f32 v40, v35  }
0x143: {  	vm9 =	vle.f32 v62, v26;
	v45 =	vperm.xlane v44, v37;
	v47 =	vperm.xlane v46, v37  }
0x144: {  	v28 =	vsel vm9, v54, v29;
	v49 =	vperm.xlane v48, v37;
	v52 =	vmul.f32 v40, v27  }
0x145: {  	[tilespmem:$0x1FF40] =	vst v8;
	v37 =	vshll.u32 v37, $0x3;
	v63 =	vmul.f32 v56, v35;
	v27 =	vsel vm4, v32, v27  }
0x146: {  	v54 =	vld.idx.msk [tilespmem:v11+s31+$0x0], $0xffff;
	v19 =	vmul.f32 v27, v19;
	v43 =	vmul.f32 v10, v60;
	vm10 =	vle.f32 v45, v23  }
0x147: {  	v41 =	vld.idx.msk [tilespmem:v11+s30+$0x0], $0xffff;
	v5 =	vmul.f32 v10, v61;
	v8 =	vadd.f32 v52, v55;
	v11 =	vmul.f32 v52, v40  }
0x148: {  	v53 =	vsel vm10, v47, v49;
	v58 =	vsel vm10, $0x4, v57;
	v49 =	vld [tilespmem:$0x1FFB0];
	v50 =	vadd.f32 v43, v34  }
0x149: {  	vm10 =	vge.f32 v21, $0.0e+00;
	v21 =	vsub.f32 v21, v26;
	vm11 =	vle.f32 v53, v23;
	v62 =	vld.idx.msk [tilespmem:v28+s24+$0x0], $0xffff  }
0x14a: {  	v43 =	vimm.s32 $0x0;
	v60 =	vsel vm11, $0x2, v59;
	(erf) = vrcp.f32 v50  }
0x14b: {  	v6 =	vld.idx.msk [tilespmem:v28+s26+$0x0], $0xffff;
	v29 =	vmul.f32 v51, v54;
	v46 =	vsel vm12, $0x8, v43;
	v36 =	vor.u32 v60, v58  }
0x14c: {  	v10 =	vadd.f32 v5, v63;
	v48 =	vor.u32 $0x4, v46;
	v36 =	vor.u32 v36, v37;
	v37 =	vld.idx.msk [tilespmem:v28+s25+$0x0], $0xffff  }
0x14d: {  	[tilespmem:$0x1FF30] =	vst v7;
	v30 =	vmul.f32 v8, v35;
	v59 =	vld [tilespmem:$0x1FFB0];
	v7 =	vor.u32 $0x1, v36;
	v50 =	vperm.xlane v49, v48  }
0x14e: {  	v34 =	vmul.f32 v34, v34;
	v29 =	vadd.f32 v29, v41;
	v47 =	vmul.f32 v62, v26  }
0x14f: {  	v54 =	vadd.s32 $0x1, v28;
	v33 =	vadd.f32 v10, v11;
	vm13 =	vle.f32 v50, v25  }
0x150: {  	v55 =	vld.idx.msk [tilespmem:v28+s29+$0x0], $0xffff;
	v57 =	vadd.f32 v29, v18;
	v35 =	vadd.f32 v47, v6;
	v40 =	vsel vm13, v48, v46  }
0x151: {  	v63 =	vld [tilespmem:$0x1FFB0];
	v33 =	vmul.f32 v33, v34;
	v56 =	vor.u32 $0x2, v40;
	v39 =	vmul.f32 v37, v62  }
0x152: {  	[tilespmem:$0x1FF50] =	vst v57;
	v57 =	vimm.s32 $0x0;
	v52 =	vld.idx.msk [tilespmem:v7+s5+$0x0], $0xffff;
	v35 =	vmax.f32 v35, $0.0e+00;
	v46 =	vperm.xlane v59, v56  }
0x153: {  	v32 =	vld.idx.msk [tilespmem:v28+s23+$0x0], $0xffff;
	v59 =	vimm.s32 $0x0;
	v35 =	vmin.f32 v35, $1.000000000e+00;
	v8 =	vadd.f32 v39, v39;
	v51 =	vpop (erf)  }
0x154: {  	v58 =	vld.idx.msk [tilespmem:v38+s22+$0x0], $0xffff;
	v38 =	vsub.f32 $1.000000000e+00, v35;
	vm15 =	vle.f32 v46, v25;
	v30 =	vmul.f32 v51, v30  }
0x155: {  	v47 =	vmul.f32 v35, v39;
	v53 =	vmul.f32 v51, v51;
	v20 =	vsel vm15, v56, v40  }
0x156: {  	v60 =	vmul.f32 v38, v35;
	v62 =	vor.u32 $0x1, v20;
	v30 =	vmul.f32 v30, v31  }
0x157: {  	v10 =	vld [tilespmem:$0x1FFC0];
	v33 =	vmul.f32 v53, v33;
	vm14 =	vle.f32 v52, v23;
	v3 =	vperm.xlane v63, v62  }
0x158: {  	v50 =	vld [tilespmem:$0x1FFD0];
	v52 =	vmul.f32 v38, v32;
	v31 =	vsel vm14, v7, v36;
	v61 =	vmul.f32 v60, v55  }
0x159: {  	v48 =	vld [tilespmem:$0x1FFE0];
	v34 =	vmul.f32 v60, v8;
	v4 =	vshrl.u32 v33, $0x10;
	v5 =	vand.u32 $0xFFFF, v33  }
0x15a: {  	v36 =	vld.idx.msk [tilespmem:v54+s23+$0x0], $0xffff;
	vm5 =	vle.f32 v3, v25;
	v33 =	vshra.s32 v33, $0x17;
	v38 =	vmul.f32 v52, v38  }
0x15b: {  	v40 =	vadd.f32 v61, v39;
	v27 =	vand.u32 $0x7F, v4;
	v6 =	vcvt.s32.f32 v5  }
0x15c: {  	v20 =	vsel vm5, v62, v20;
	v39 =	vmul.f32 v39, v39;
	v33 =	vcvt.s32.f32 v33  }
0x15d: {  	v29 =	vadd.f32 v30, v58;
	v11 =	vperm.xlane v10, v20;
	(erf) = vrcp.f32 v40  }
0x15e: {  	v41 =	vadd.f32 v52, v47;
	v49 =	vperm.xlane v48, v20;
	v51 =	vperm.xlane v50, v20;
	v43 =	vld.idx.msk [tilespmem:v31+s24+$0x0], $0xffff  }
0x15f: {  	v20 =	vshll.u32 v20, $0x3;
	v7 =	vmul.f32 v35, v36;
	v9 =	vld.idx.msk [tilespmem:v31+s26+$0x0], $0xffff;
	vm6 =	vle.f32 v11, v25  }
0x160: {  	v10 =	vimm.s32 $0x0;
	v50 =	vadd.s32 $0x1, v31;
	v45 =	vsel vm6, v49, v51;
	v54 =	vld.idx.msk [tilespmem:v27+s31+$0x0], $0xffff  }
0x161: {  	v29 =	vadd.f32 v29, v19;
	v40 =	vmul.f32 v7, v35;
	vm7 =	vle.f32 v45, v25;
	v45 =	vld.idx.msk [tilespmem:v31+s25+$0x0], $0xffff  }
0x162: {  	v33 =	vmul.f32 $6.931471820e-01, v33;
	v58 =	vsel vm6, $0x4, v57;
	v35 =	vmul.f32 v41, v35  }
0x163: {  	v55 =	vld.idx.msk [tilespmem:v27+s30+$0x0], $0xffff;
	v60 =	vsel vm7, $0x2, v59;
	v34 =	vadd.f32 v34, v40;
	v53 =	vmul.f32 v43, v23  }
0x164: {  	vm7 =	vge.f32 v22, $0.0e+00;
	v22 =	vsub.f32 v22, v23;
	v42 =	vor.u32 v60, v58  }
0x165: {  	v27 =	vld [tilespmem:s11+$0xFFFFFFE0];
	v42 =	vor.u32 v42, v20;
	v20 =	vadd.f32 v34, v38;
	v56 =	vadd.f32 v53, v9  }
0x166: {  	v63 =	vor.u32 $0x1, v42;
	v30 =	vmul.f32 v6, v54;
	v41 =	vmul.f32 v45, v43;
	v4 =	vpop (erf)  }
0x167: {  	v9 =	vld [tilespmem:$0x1FFF0];
	v20 =	vmul.f32 v20, v39;
	v61 =	vmax.f32 v56, $0.0e+00;
	v5 =	vmul.f32 v4, v4  }
0x168: {  	v49 =	vld.idx.msk [tilespmem:v31+s23+$0x0], $0xffff;
	v30 =	vadd.f32 v30, v55;
	v56 =	vsel vm10, v36, v32;
	v38 =	vmin.f32 v61, $1.000000000e+00  }
0x169: {  	v52 =	vld [tilespmem:$0x1FFB0];
	v21 =	vmul.f32 v56, v21;
	v56 =	vimm.s32 $0x0;
	v48 =	vsub.f32 $1.000000000e+00, v38  }
0x16a: {  	v62 =	vld.idx.msk [tilespmem:v31+s29+$0x0], $0xffff;
	v39 =	vmul.f32 v5, v20;
	v20 =	vmax.f32 v27, $-5.000000000e+00;
	v54 =	vadd.f32 v30, v33  }
0x16b: {  	v6 =	vld.idx.msk [tilespmem:v28+s22+$0x0], $0xffff;
	v59 =	vmul.f32 v38, v41;
	v28 =	vmin.f32 v20, $5.000000000e+00;
	v20 =	vmul.f32 v4, v35  }
0x16c: {  	v7 =	vld.idx.msk [tilespmem:v63+s5+$0x0], $0xffff;
	v40 =	vmul.f32 v48, v38;
	v8 =	vshrl.u32 v39, $0x10;
	vm8 =	vle.f32 v9, v28  }
0x16d: {  	v36 =	vmul.f32 v48, v49;
	v61 =	vand.u32 $0xFFFF, v39;
	v39 =	vshra.s32 v39, $0x17  }
0x16e: {  	v35 =	vand.u32 $0x7F, v8;
	v11 =	vsel vm8, $0x8, v10;
	v37 =	vmul.f32 v20, v37  }
0x16f: {  	[tilespmem:$0x1FF60] =	vst v29;
	v29 =	vld [tilespmem:s11+$0xFFFFFFF0];
	v4 =	vcvt.s32.f32 v61;
	v39 =	vcvt.s32.f32 v39;
	v51 =	vor.u32 $0x4, v11  }
0x170: {  	v8 =	vadd.f32 v41, v41;
	v34 =	vmul.f32 v40, v62;
	v62 =	vld [tilespmem:$0x1FFB0];
	v53 =	vperm.xlane v52, v51  }
0x171: {  	[tilespmem:$0x1FF70] =	vst v54;
	v54 =	vld [tilespmem:$0x1FFC0];
	v55 =	vadd.f32 v37, v6;
	vm9 =	vle.f32 v7, v25;
	v37 =	vadd.f32 v36, v59  }
0x172: {  	v40 =	vmul.f32 v40, v8;
	v52 =	vld [tilespmem:$0x1FFF0];
	v34 =	vadd.f32 v34, v41;
	vm11 =	vle.f32 v53, v28  }
0x173: {  	v36 =	vmul.f32 v36, v48;
	v33 =	vsel vm9, v63, v42;
	v57 =	vld.idx.msk [tilespmem:v35+s31+$0x0], $0xffff;
	v58 =	vsel vm11, v51, v11  }
0x174: {  	v39 =	vmul.f32 $6.931471820e-01, v39;
	(erf) = vrcp.f32 v34;
	v34 =	vld.idx.msk [tilespmem:v50+s23+$0x0], $0xffff;
	v60 =	vor.u32 $0x2, v58  }
0x175: {  	v5 =	vadd.f32 v55, v21;
	v35 =	vld.idx.msk [tilespmem:v35+s30+$0x0], $0xffff;
	v50 =	vmax.f32 v29, $-5.000000000e+00;
	v63 =	vperm.xlane v62, v60  }
0x176: {  	v41 =	vmul.f32 v41, v41;
	v6 =	vmul.f32 v37, v38;
	v11 =	vld [tilespmem:$0x1FFB0];
	v30 =	vmin.f32 v50, $5.000000000e+00  }
0x177: {  	[tilespmem:$0x1FF80] =	vst v5;
	v5 =	vimm.s32 $0x0;
	v50 =	vimm.s32 $0x0;
	v62 =	vld [tilespmem:$0x1FFB0];
	vm12 =	vle.f32 v63, v28  }
0x178: {  	vm14 =	vle.f32 v52, v30;
	v46 =	vld.idx.msk [tilespmem:v33+s24+$0x0], $0xffff;
	v26 =	vmul.f32 v4, v57;
	v32 =	vsel vm12, v60, v58  }
0x179: {  	v9 =	vld.idx.msk [tilespmem:v33+s26+$0x0], $0xffff;
	v7 =	vmul.f32 v38, v34;
	v57 =	vsel vm14, $0x8, v56;
	v34 =	vsel vm7, v34, v49  }
0x17a: {  	v58 =	vld [tilespmem:$0x1FFE0];
	v4 =	vadd.s32 $0x1, v33;
	v10 =	vor.u32 $0x1, v32;
	v22 =	vmul.f32 v34, v22  }
0x17b: {  	v60 =	vld [tilespmem:$0x1FFD0];
	v61 =	vor.u32 $0x4, v57;
	v21 =	vperm.xlane v11, v10;
	v38 =	vmul.f32 v7, v38  }
0x17c: {  	v26 =	vadd.f32 v26, v35;
	v63 =	vperm.xlane v62, v61;
	v7 =	vimm.s32 $0x0  }
0x17d: {  	v11 =	vld [tilespmem:$0x1FFB0];
	v51 =	vmul.f32 v46, v25;
	v37 =	vpop (erf);
	vm13 =	vle.f32 v21, v28;
	v38 =	vadd.f32 v40, v38  }
0x17e: {  	vm5 =	vle.f32 v63, v30;
	v35 =	vmul.f32 v37, v6;
	v32 =	vsel vm13, v10, v32  }
0x17f: {  	v53 =	vadd.f32 v51, v9;
	v37 =	vmul.f32 v37, v37;
	v55 =	vperm.xlane v54, v32  }
0x180: {  	v31 =	vld.idx.msk [tilespmem:v31+s22+$0x0], $0xffff;
	v43 =	vsel vm5, v61, v57;
	v59 =	vperm.xlane v58, v32;
	v47 =	vperm.xlane v60, v32  }
0x181: {  	v32 =	vshll.u32 v32, $0x3;
	v10 =	vor.u32 $0x2, v43;
	v36 =	vadd.f32 v38, v36  }
0x182: {  	v40 =	vmax.f32 v53, $0.0e+00;
	v21 =	vperm.xlane v11, v10;
	v35 =	vmul.f32 v35, v45  }
0x183: {  	v56 =	vld [tilespmem:$0x1FFB0];
	vm15 =	vle.f32 v55, v28;
	v40 =	vmin.f32 v40, $1.000000000e+00;
	v36 =	vmul.f32 v36, v41  }
0x184: {  	v42 =	vld.idx.msk [tilespmem:v33+s25+$0x0], $0xffff;
	v44 =	vsel vm15, v59, v47;
	v6 =	vsel vm15, $0x4, v5;
	v51 =	vsub.f32 $1.000000000e+00, v40  }
0x185: {  	v9 =	vld.idx.msk [tilespmem:v33+s29+$0x0], $0xffff;
	vm6 =	vle.f32 v21, v30;
	v48 =	vadd.f32 v35, v31;
	vm15 =	vge.f32 v24, $0.0e+00  }
0x186: {  	v31 =	vld [tilespmem:s11+$0x0];
	v24 =	vsub.f32 v24, v25;
	vm4 =	vle.f32 v44, v28;
	v54 =	vsel vm6, v10, v43  }
0x187: {  	v62 =	vld [tilespmem:$0x1FFC0];
	v36 =	vmul.f32 v37, v36;
	v8 =	vsel vm4, $0x2, v7;
	v47 =	vor.u32 $0x1, v54  }
0x188: {  	v43 =	vld.idx.msk [tilespmem:v4+s23+$0x0], $0xffff;
	v53 =	vmul.f32 v51, v40;
	v44 =	vor.u32 v8, v6;
	v57 =	vperm.xlane v56, v47  }
0x189: {  	v5 =	vld [tilespmem:$0x1FFE0];
	v60 =	vshrl.u32 v36, $0x10;
	v56 =	vadd.f32 v26, v39;
	v32 =	vor.u32 v44, v32  }
0x18a: {  	v7 =	vld [tilespmem:$0x1FFD0];
	v44 =	vmul.f32 v42, v46;
	v55 =	vmul.f32 v53, v9;
	v52 =	vor.u32 $0x1, v32  }
0x18b: {  	vm8 =	vle.f32 v57, v30;
	v57 =	vadd.f32 v48, v22;
	v3 =	vmax.f32 v31, $-5.000000000e+00  }
0x18c: {  	v46 =	vld.idx.msk [tilespmem:v33+s23+$0x0], $0xffff;
	v58 =	vadd.f32 v55, v44;
	v41 =	vsel vm8, v47, v54;
	v47 =	vand.u32 $0x7F, v60  }
0x18d: {  	v61 =	vmul.f32 v40, v43;
	v4 =	vadd.f32 v44, v44;
	v63 =	vperm.xlane v62, v41  }
0x18e: {  	v60 =	vshra.s32 v36, $0x17;
	v6 =	vperm.xlane v5, v41;
	(erf) = vrcp.f32 v58  }
0x18f: {  	v36 =	vand.u32 $0xFFFF, v36;
	v8 =	vperm.xlane v7, v41;
	v45 =	vcvt.s32.f32 v60;
	v59 =	vld.idx.msk [tilespmem:v52+s5+$0x0], $0xffff  }
0x190: {  	v41 =	vshll.u32 v41, $0x3;
	v36 =	vcvt.s32.f32 v36;
	v23 =	vmul.f32 v61, v40  }
0x191: {  	v9 =	vmul.f32 v53, v4;
	vm10 =	vle.f32 v63, v30;
	v11 =	vmul.f32 v51, v46  }
0x192: {  	v7 =	vimm.s32 $0x0;
	v53 =	vimm.s32 $0x0;
	v10 =	vsel vm10, v6, v8;
	v58 =	vld.idx.msk [tilespmem:v47+s31+$0x0], $0xffff  }
0x193: {  	v49 =	vadd.f32 v9, v23;
	vm11 =	vle.f32 v10, v30;
	v55 =	vmul.f32 v11, v51  }
0x194: {  	v4 =	vld [tilespmem:$0x1FFF0];
	v54 =	vsel vm11, $0x2, v53;
	vm9 =	vle.f32 v59, v28;
	v59 =	vmul.f32 v44, v44  }
0x195: {  	v44 =	vmul.f32 v40, v44;
	v35 =	vsel vm9, v52, v32;
	v52 =	vsel vm10, $0x4, v50  }
0x196: {  	v45 =	vmul.f32 $6.931471820e-01, v45;
	v32 =	vadd.f32 v49, v55;
	v37 =	vor.u32 v54, v52  }
0x197: {  	v26 =	vmul.f32 v36, v58;
	v61 =	vpop (erf);
	v34 =	vadd.f32 v11, v44;
	v11 =	vld [tilespmem:$0x1FFB0];
	v37 =	vor.u32 v37, v41  }
0x198: {  	v33 =	vld.idx.msk [tilespmem:v33+s22+$0x0], $0xffff;
	v39 =	vmul.f32 v32, v59;
	v62 =	vmul.f32 v61, v61;
	v32 =	vmin.f32 v3, $5.000000000e+00  }
0x199: {  	[tilespmem:$0x1FFA0] =	vst v57;
	v57 =	vld [tilespmem:$0x1FFB0];
	vm9 =	vge.f32 v27, $0.0e+00;
	v41 =	vor.u32 $0x1, v37;
	vm12 =	vle.f32 v4, v32  }
0x19a: {  	v47 =	vld.idx.msk [tilespmem:v47+s30+$0x0], $0xffff;
	v34 =	vmul.f32 v34, v40;
	v39 =	vmul.f32 v62, v39;
	v8 =	vsel vm12, $0x8, v7  }
0x19b: {  	v27 =	vsub.f32 v27, v28;
	v22 =	vadd.s32 $0x1, v35;
	v38 =	vld.idx.msk [tilespmem:v35+s24+$0x0], $0xffff;
	v10 =	vor.u32 $0x4, v8  }
0x19c: {  	v34 =	vmul.f32 v61, v34;
	v48 =	vld.idx.msk [tilespmem:v35+s25+$0x0], $0xffff;
	v9 =	vshrl.u32 v39, $0x10;
	v21 =	vperm.xlane v11, v10  }
0x19d: {  	v59 =	vsel vm15, v43, v46;
	v63 =	vld.idx.msk [tilespmem:v35+s26+$0x0], $0xffff;
	v61 =	vand.u32 $0xFFFF, v39;
	v40 =	vand.u32 $0x7F, v9  }
0x19e: {  	v39 =	vshra.s32 v39, $0x17;
	v34 =	vmul.f32 v34, v42;
	v6 =	vld.idx.msk [tilespmem:v41+s5+$0x0], $0xffff;
	vm13 =	vle.f32 v21, v32  }
0x19f: {  	v4 =	vld [tilespmem:$0x1FFB0];
	v42 =	vmul.f32 v59, v24;
	v24 =	vcvt.s32.f32 v61;
	v54 =	vsel vm13, v10, v8  }
0x1a0: {  	v53 =	vld.idx.msk [tilespmem:v35+s23+$0x0], $0xffff;
	v39 =	vcvt.s32.f32 v39;
	v5 =	vmul.f32 v38, v28;
	v55 =	vor.u32 $0x2, v54  }
0x1a1: {  	v26 =	vadd.f32 v26, v47;
	v43 =	vld.idx.msk [tilespmem:v22+s23+$0x0], $0xffff;
	v38 =	vmul.f32 v48, v38;
	v58 =	vperm.xlane v57, v55  }
0x1a2: {  	[tilespmem:$0x1FF90] =	vst v56;
	v39 =	vmul.f32 $6.931471820e-01, v39;
	v34 =	vadd.f32 v34, v33;
	v36 =	vadd.f32 v5, v63;
	v56 =	vld.idx.msk [tilespmem:v40+s31+$0x0], $0xffff  }
0x1a3: {  	v23 =	vld.idx.msk [tilespmem:v35+s29+$0x0], $0xffff;
	v7 =	vadd.f32 v38, v38;
	vm14 =	vle.f32 v6, v30;
	vm4 =	vle.f32 v58, v32  }
0x1a4: {  	v11 =	vld [tilespmem:$0x1FFC0];
	v36 =	vmax.f32 v36, $0.0e+00;
	v37 =	vsel vm14, v41, v37;
	v41 =	vsel vm4, v55, v54  }
0x1a5: {  	v22 =	vld [tilespmem:$0x1FFE0];
	v36 =	vmin.f32 v36, $1.000000000e+00;
	v63 =	vor.u32 $0x1, v41;
	v61 =	vadd.s32 $0x1, v37  }
0x1a6: {  	v40 =	vld.idx.msk [tilespmem:v40+s30+$0x0], $0xffff;
	v49 =	vsub.f32 $1.000000000e+00, v36;
	v5 =	vperm.xlane v4, v63;
	v6 =	vmul.f32 v36, v43  }
0x1a7: {  	v57 =	vld [tilespmem:$0x1FFD0];
	v54 =	vmul.f32 v36, v38;
	v43 =	vsel vm9, v43, v53;
	v52 =	vmul.f32 v24, v56  }
0x1a8: {  	v24 =	vadd.f32 v26, v45;
	v60 =	vmul.f32 v49, v36;
	vm5 =	vle.f32 v5, v32  }
0x1a9: {  	v9 =	vmul.f32 v6, v36;
	v59 =	vmul.f32 v49, v53;
	v5 =	vimm.s32 $0x0  }
0x1aa: {  	v44 =	vld.idx.msk [tilespmem:v37+s24+$0x0], $0xffff;
	v41 =	vsel vm5, v63, v41;
	v63 =	vimm.s32 $0x0;
	v62 =	vmul.f32 v60, v23  }
0x1ab: {  	v40 =	vadd.f32 v52, v40;
	vm5 =	vge.f32 v29, $0.0e+00;
	v21 =	vperm.xlane v11, v41  }
0x1ac: {  	v8 =	vld.idx.msk [tilespmem:v37+s26+$0x0], $0xffff;
	v23 =	vperm.xlane v22, v41;
	v58 =	vperm.xlane v57, v41;
	v47 =	vadd.f32 v62, v38  }
0x1ad: {  	v29 =	vsub.f32 v29, v30;
	v25 =	vmul.f32 v60, v7;
	vm6 =	vle.f32 v21, v32  }
0x1ae: {  	v60 =	vmul.f32 v59, v49;
	v33 =	vsel vm6, v23, v58;
	(erf) = vrcp.f32 v47  }
0x1af: {  	v46 =	vld.idx.msk [tilespmem:v37+s25+$0x0], $0xffff;
	v7 =	vshll.u32 v41, $0x3;
	v10 =	vmul.f32 v44, v30;
	vm7 =	vle.f32 v33, v32  }
0x1b0: {  	v50 =	vadd.f32 v59, v54;
	v4 =	vsel vm6, $0x4, v63;
	v33 =	vld [tilespmem:s11+$0x10];
	v6 =	vsel vm7, $0x2, v5  }
0x1b1: {  	v25 =	vadd.f32 v25, v9;
	v47 =	vld.idx.msk [tilespmem:v61+s23+$0x0], $0xffff;
	v26 =	vadd.f32 v10, v8;
	v8 =	vor.u32 v6, v4  }
0x1b2: {  	v9 =	vmul.f32 v38, v38;
	v21 =	vmul.f32 v50, v36;
	v61 =	vld [tilespmem:$0x1FFF0];
	v41 =	vor.u32 v8, v7  }
0x1b3: {  	v52 =	vld.idx.msk [tilespmem:v37+s23+$0x0], $0xffff;
	v63 =	vimm.s32 $0x0;
	v26 =	vmax.f32 v26, $0.0e+00;
	v11 =	vor.u32 $0x1, v41  }
0x1b4: {  	v62 =	vld.idx.msk [tilespmem:v37+s29+$0x0], $0xffff;
	v44 =	vmul.f32 v46, v44;
	v10 =	vadd.f32 v25, v60;
	v55 =	vmin.f32 v26, $1.000000000e+00  }
0x1b5: {  	v25 =	vadd.f32 v34, v42;
	v7 =	vld [tilespmem:$0x1FFB0];
	v58 =	vmax.f32 v33, $-5.000000000e+00;
	v51 =	vsub.f32 $1.000000000e+00, v55  }
0x1b6: {  	v56 =	vadd.f32 v44, v44;
	v26 =	vmul.f32 v10, v9;
	v34 =	vmin.f32 v58, $5.000000000e+00  }
0x1b7: {  	v6 =	vmul.f32 v55, v47;
	vm8 =	vle.f32 v61, v34;
	v23 =	vmul.f32 v51, v55;
	v22 =	vpop (erf)  }
0x1b8: {  	v4 =	vsel vm8, $0x8, v63;
	v9 =	vmul.f32 v51, v52;
	v60 =	vld.idx.msk [tilespmem:v11+s5+$0x0], $0xffff;
	v57 =	vmul.f32 v22, v22  }
0x1b9: {  	v5 =	vor.u32 $0x4, v4;
	v49 =	vmul.f32 v23, v62;
	v36 =	vmul.f32 v22, v21  }
0x1ba: {  	v47 =	vsel vm5, v47, v52;
	v8 =	vperm.xlane v7, v5;
	v38 =	vmul.f32 v57, v26  }
0x1bb: {  	v10 =	vmul.f32 v23, v56;
	v56 =	vld [tilespmem:$0x1FFB0];
	v26 =	vadd.f32 v40, v39;
	v59 =	vadd.f32 v49, v44  }
0x1bc: {  	v35 =	vld.idx.msk [tilespmem:v35+s22+$0x0], $0xffff;
	v36 =	vmul.f32 v36, v48;
	vm11 =	vle.f32 v8, v34;
	v62 =	vshrl.u32 v38, $0x10  }
0x1bd: {  	(erf) = vrcp.f32 v59;
	vm10 =	vle.f32 v60, v32;
	v48 =	vand.u32 $0x7F, v62  }
0x1be: {  	v57 =	vmul.f32 v6, v55;
	v39 =	vsel vm10, v11, v41;
	v11 =	vsel vm11, v5, v4  }
0x1bf: {  	v27 =	vmul.f32 v43, v27;
	v29 =	vmul.f32 v47, v29;
	v23 =	vor.u32 $0x2, v11  }
0x1c0: {  	v54 =	vmul.f32 v9, v51;
	v40 =	vadd.f32 v10, v57;
	v4 =	vld [tilespmem:$0x1FFB0];
	v57 =	vperm.xlane v56, v23  }
0x1c1: {  	v21 =	vand.u32 $0xFFFF, v38;
	v35 =	vadd.f32 v36, v35;
	v59 =	vmul.f32 v44, v44;
	v10 =	vld [tilespmem:$0x1FFE0]  }
0x1c2: {  	v38 =	vshra.s32 v38, $0x17;
	v44 =	vmul.f32 v55, v44;
	vm12 =	vle.f32 v57, v34;
	v22 =	vld.idx.msk [tilespmem:v48+s31+$0x0], $0xffff  }
0x1c3: {  	v28 =	vcvt.s32.f32 v21;
	v38 =	vcvt.s32.f32 v38;
	v58 =	vld.idx.msk [tilespmem:v48+s30+$0x0], $0xffff;
	v41 =	vsel vm12, v23, v11  }
0x1c4: {  	v40 =	vadd.f32 v40, v54;
	v44 =	vadd.f32 v9, v44;
	v48 =	vld.idx.msk [tilespmem:v39+s24+$0x0], $0xffff;
	v61 =	vor.u32 $0x1, v41  }
0x1c5: {  	v27 =	vadd.f32 v35, v27;
	v9 =	vld [tilespmem:$0x1FFC0];
	v38 =	vmul.f32 $6.931471820e-01, v38;
	v5 =	vperm.xlane v4, v61  }
0x1c6: {  	v21 =	vld [tilespmem:$0x1FFD0];
	v40 =	vmul.f32 v40, v59;
	v6 =	vmul.f32 v44, v55;
	v59 =	vimm.s32 $0x0;
	v60 =	vpop (erf)  }
0x1c7: {  	v35 =	vld [tilespmem:s11+$0x20];
	v23 =	vadd.s32 $0x1, v39;
	v62 =	vmul.f32 v60, v60;
	vm13 =	vle.f32 v5, v34  }
0x1c8: {  	v63 =	vld.idx.msk [tilespmem:v39+s26+$0x0], $0xffff;
	v42 =	vmul.f32 v60, v6;
	v5 =	vimm.s32 $0x0;
	v28 =	vmul.f32 v28, v22  }
0x1c9: {  	v37 =	vld.idx.msk [tilespmem:v37+s22+$0x0], $0xffff;
	v7 =	vmul.f32 v48, v32;
	v41 =	vsel vm13, v61, v41;
	v61 =	vimm.s32 $0x0  }
0x1ca: {  	vm13 =	vge.f32 v31, $0.0e+00;
	v40 =	vmul.f32 v62, v40;
	v43 =	vperm.xlane v9, v41  }
0x1cb: {  	v31 =	vsub.f32 v31, v32;
	v11 =	vperm.xlane v10, v41;
	v22 =	vperm.xlane v21, v41  }
0x1cc: {  	v41 =	vshll.u32 v41, $0x3;
	v42 =	vmul.f32 v42, v46;
	v28 =	vadd.f32 v28, v58  }
0x1cd: {  	v44 =	vadd.f32 v7, v63;
	v58 =	vmax.f32 v35, $-5.000000000e+00;
	v63 =	vld [tilespmem:$0x1FFF0];
	v8 =	vshrl.u32 v40, $0x10  }
0x1ce: {  	vm14 =	vle.f32 v43, v34;
	v36 =	vmin.f32 v58, $5.000000000e+00;
	v37 =	vadd.f32 v42, v37  }
0x1cf: {  	v52 =	vld.idx.msk [tilespmem:v39+s23+$0x0], $0xffff;
	v21 =	vand.u32 $0xFFFF, v40;
	v58 =	vshra.s32 v40, $0x17;
	v50 =	vand.u32 $0x7F, v8  }
0x1d0: {  	v57 =	vmax.f32 v44, $0.0e+00;
	v43 =	vsel vm14, v11, v22;
	v60 =	vsel vm14, $0x4, v59;
	v8 =	vld [tilespmem:$0x1FFB0]  }
0x1d1: {  	v4 =	vld.idx.msk [tilespmem:v39+s29+$0x0], $0xffff;
	v28 =	vadd.f32 v28, v38;
	v59 =	vcvt.s32.f32 v21;
	vm15 =	vle.f32 v43, v34  }
0x1d2: {  	v45 =	vmin.f32 v57, $1.000000000e+00;
	v43 =	vld.idx.msk [tilespmem:v39+s25+$0x0], $0xffff;
	v62 =	vsel vm15, $0x2, v61;
	vm4 =	vle.f32 v63, v36  }
0x1d3: {  	v42 =	vld.idx.msk [tilespmem:v23+s23+$0x0], $0xffff;
	v54 =	vsub.f32 $1.000000000e+00, v45;
	v44 =	vor.u32 v62, v60;
	v6 =	vsel vm4, $0x8, v5  }
0x1d4: {  	v61 =	vcvt.s32.f32 v58;
	v41 =	vor.u32 v44, v41;
	v7 =	vor.u32 $0x4, v6  }
0x1d5: {  	v56 =	vld [tilespmem:$0x1FFB0];
	v46 =	vmul.f32 v54, v45;
	v38 =	vor.u32 $0x1, v41;
	v9 =	vperm.xlane v8, v7  }
0x1d6: {  	v29 =	vadd.f32 v37, v29;
	v37 =	vld [tilespmem:s11+$0x30];
	v62 =	vmul.f32 v54, v52;
	v21 =	vmul.f32 $6.931471820e-01, v61  }
0x1d7: {  	v10 =	vld.idx.msk [tilespmem:v50+s31+$0x0], $0xffff;
	v48 =	vmul.f32 v43, v48;
	v53 =	vmul.f32 v46, v4;
	vm6 =	vle.f32 v9, v36  }
0x1d8: {  	v60 =	vld.idx.msk [tilespmem:v50+s30+$0x0], $0xffff;
	v4 =	vmul.f32 v45, v42;
	v40 =	vmul.f32 v62, v54;
	v44 =	vsel vm6, v7, v6  }
0x1d9: {  	v42 =	vsel vm13, v42, v52;
	v22 =	vadd.f32 v53, v48;
	v7 =	vld [tilespmem:$0x1FFB0];
	v11 =	vor.u32 $0x2, v44  }
0x1da: {  	v31 =	vmul.f32 v42, v31;
	v23 =	vld.idx.msk [tilespmem:v38+s5+$0x0], $0xffff;
	v57 =	vperm.xlane v56, v11  }
0x1db: {  	v63 =	vmul.f32 v45, v48;
	v6 =	vadd.f32 v48, v48;
	(erf) = vrcp.f32 v22  }
0x1dc: {  	v48 =	vmul.f32 v48, v48;
	v30 =	vmul.f32 v59, v10;
	vm7 =	vle.f32 v57, v36  }
0x1dd: {  	v51 =	vld [tilespmem:$0x1FFE0];
	v9 =	vadd.f32 v62, v63;
	v10 =	vmul.f32 v4, v45;
	v44 =	vsel vm7, v11, v44  }
0x1de: {  	v22 =	vld [tilespmem:$0x1FFC0];
	v62 =	vmax.f32 v37, $-5.000000000e+00;
	v11 =	vmul.f32 v46, v6;
	v5 =	vor.u32 $0x1, v44  }
0x1df: {  	v54 =	vld [tilespmem:$0x1FFD0];
	v30 =	vadd.f32 v30, v60;
	vm8 =	vle.f32 v23, v34;
	v8 =	vperm.xlane v7, v5  }
0x1e0: {  	v45 =	vmul.f32 v9, v45;
	v9 =	vld [tilespmem:$0x1FFF0];
	v56 =	vsel vm8, v38, v41;
	v38 =	vadd.f32 v11, v10  }
0x1e1: {  	v30 =	vadd.f32 v30, v21;
	v7 =	vimm.s32 $0x0;
	vm9 =	vle.f32 v8, v36  }
0x1e2: {  	v10 =	vimm.s32 $0x0;
	v38 =	vadd.f32 v38, v40;
	v44 =	vsel vm9, v5, v44  }
0x1e3: {  	v5 =	vimm.s32 $0x0;
	v23 =	vperm.xlane v22, v44;
	v53 =	vperm.xlane v51, v44  }
0x1e4: {  	v59 =	vld [tilespmem:$0x1FFB0];
	v57 =	vpop (erf);
	v55 =	vperm.xlane v54, v44;
	v63 =	vmul.f32 v38, v48;
	v38 =	vmin.f32 v62, $5.000000000e+00  }
0x1e5: {  	v58 =	vmul.f32 v57, v45;
	v49 =	vmul.f32 v57, v57;
	v40 =	vld.idx.msk [tilespmem:v56+s24+$0x0], $0xffff;
	vm12 =	vle.f32 v9, v38  }
0x1e6: {  	v39 =	vld.idx.msk [tilespmem:v39+s22+$0x0], $0xffff;
	v44 =	vshll.u32 v44, $0x3;
	vm10 =	vle.f32 v23, v36;
	v11 =	vsel vm12, $0x8, v10  }
0x1e7: {  	v4 =	vld.idx.msk [tilespmem:v56+s26+$0x0], $0xffff;
	v41 =	vmul.f32 v58, v43;
	v47 =	vmul.f32 v49, v63;
	v61 =	vsel vm10, v53, v55  }
0x1e8: {  	vm12 =	vge.f32 v33, $0.0e+00;
	v6 =	vsel vm10, $0x4, v5;
	vm11 =	vle.f32 v61, v36  }
0x1e9: {  	v49 =	vld.idx.msk [tilespmem:v56+s25+$0x0], $0xffff;
	v22 =	vor.u32 $0x4, v11;
	v61 =	vadd.s32 $0x1, v56;
	v8 =	vsel vm11, $0x2, v7  }
0x1ea: {  	v60 =	vperm.xlane v59, v22;
	v45 =	vor.u32 v8, v6;
	v21 =	vmul.f32 v40, v34;
	v6 =	vld [tilespmem:$0x1FFB0]  }
0x1eb: {  	v33 =	vsub.f32 v33, v34;
	v41 =	vadd.f32 v41, v39;
	v44 =	vor.u32 v45, v44  }
0x1ec: {  	v50 =	vld.idx.msk [tilespmem:v56+s23+$0x0], $0xffff;
	vm14 =	vle.f32 v60, v38;
	v23 =	vor.u32 $0x1, v44;
	v48 =	vadd.f32 v21, v4  }
0x1ed: {  	v62 =	vld.idx.msk [tilespmem:v56+s29+$0x0], $0xffff;
	v8 =	vand.u32 $0xFFFF, v47;
	v31 =	vadd.f32 v41, v31;
	v45 =	vsel vm14, v22, v11  }
0x1ee: {  	v40 =	vmul.f32 v49, v40;
	v63 =	vor.u32 $0x2, v45;
	v52 =	vld.idx.msk [tilespmem:v61+s23+$0x0], $0xffff;
	v48 =	vmax.f32 v48, $0.0e+00  }
0x1ef: {  	v10 =	vld [tilespmem:$0x1FFB0];
	v4 =	vshra.s32 v47, $0x17;
	v46 =	vmin.f32 v48, $1.000000000e+00;
	v7 =	vperm.xlane v6, v63  }
0x1f0: {  	v39 =	vld [tilespmem:s11+$0x40];
	v55 =	vcvt.s32.f32 v8;
	v42 =	vcvt.s32.f32 v4;
	v53 =	vsub.f32 $1.000000000e+00, v46  }
0x1f1: {  	v8 =	vimm.s32 $0x0;
	v22 =	vadd.f32 v40, v40;
	v5 =	vld.idx.msk [tilespmem:v23+s5+$0x0], $0xffff;
	vm15 =	vle.f32 v7, v38  }
0x1f2: {  	v60 =	vld [tilespmem:$0x1FFC0];
	v42 =	vmul.f32 $6.931471820e-01, v42;
	v9 =	vmul.f32 v53, v46;
	v45 =	vsel vm15, v63, v45  }
0x1f3: {  	v4 =	vld [tilespmem:$0x1FFD0];
	v58 =	vmul.f32 v53, v50;
	v21 =	vmul.f32 v46, v52;
	v48 =	vor.u32 $0x1, v45  }
0x1f4: {  	v47 =	vshrl.u32 v47, $0x10;
	v32 =	vmul.f32 v9, v62;
	v11 =	vperm.xlane v10, v48;
	v62 =	vld [tilespmem:$0x1FFE0]  }
0x1f5: {  	v47 =	vand.u32 $0x7F, v47;
	v59 =	vmul.f32 v9, v22;
	v6 =	vmul.f32 v58, v53  }
0x1f6: {  	vm4 =	vle.f32 v5, v36;
	v32 =	vadd.f32 v32, v40;
	vm5 =	vle.f32 v11, v38  }
0x1f7: {  	v43 =	vsel vm4, v23, v44;
	v23 =	vmul.f32 v21, v46;
	v45 =	vsel vm5, v48, v45  }
0x1f8: {  	v7 =	vmax.f32 v39, $-5.000000000e+00;
	v21 =	vld [tilespmem:$0x1FFF0];
	(erf) = vrcp.f32 v32;
	v61 =	vperm.xlane v60, v45  }
0x1f9: {  	v5 =	vperm.xlane v4, v45;
	v63 =	vperm.xlane v62, v45;
	v32 =	vadd.f32 v59, v23  }
0x1fa: {  	v51 =	vld.idx.msk [tilespmem:v47+s31+$0x0], $0xffff;
	v10 =	vimm.s32 $0x0;
	v44 =	vmul.f32 v46, v40;
	vm6 =	vle.f32 v61, v38  }
0x1fb: {  	v22 =	vimm.s32 $0x0;
	v41 =	vsel vm6, v63, v5;
	v32 =	vadd.f32 v32, v6;
	v6 =	vld [tilespmem:$0x1FFB0]  }
0x1fc: {  	v47 =	vld.idx.msk [tilespmem:v47+s30+$0x0], $0xffff;
	v44 =	vadd.f32 v58, v44;
	vm7 =	vle.f32 v41, v38;
	v41 =	vmin.f32 v7, $5.000000000e+00  }
0x1fd: {  	v40 =	vmul.f32 v40, v40;
	v9 =	vsel vm6, $0x4, v8;
	v53 =	vld.idx.msk [tilespmem:v43+s24+$0x0], $0xffff;
	vm8 =	vle.f32 v21, v41  }
0x1fe: {  	v44 =	vmul.f32 v44, v46;
	v46 =	vld.idx.msk [tilespmem:v43+s25+$0x0], $0xffff;
	v11 =	vsel vm7, $0x2, v10;
	v23 =	vsel vm8, $0x8, v22  }
0x1ff: {  	v45 =	vshll.u32 v45, $0x3;
	v48 =	vld.idx.msk [tilespmem:v43+s26+$0x0], $0xffff;
	v54 =	vor.u32 v11, v9;
	v4 =	vor.u32 $0x4, v23  }
0x200: {  	v51 =	vmul.f32 v55, v51;
	v63 =	vld [tilespmem:$0x1FFB0];
	v45 =	vor.u32 v54, v45;
	v61 =	vperm.xlane v6, v4  }
0x201: {  	vm4 =	vge.f32 v35, $0.0e+00;
	v32 =	vmul.f32 v32, v40;
	v60 =	vor.u32 $0x1, v45  }
0x202: {  	v10 =	vadd.s32 $0x1, v43;
	v59 =	vmul.f32 v53, v36;
	vm9 =	vle.f32 v61, v41  }
0x203: {  	v22 =	vadd.f32 v51, v47;
	v5 =	vpop (erf);
	v53 =	vmul.f32 v46, v53;
	v9 =	vsel vm9, v4, v23  }
0x204: {  	v55 =	vld.idx.msk [tilespmem:v56+s22+$0x0], $0xffff;
	v7 =	vmul.f32 v5, v5;
	v48 =	vadd.f32 v59, v48;
	v21 =	vor.u32 $0x2, v9  }
0x205: {  	v35 =	vsub.f32 v35, v36;
	v11 =	vld.idx.msk [tilespmem:v43+s29+$0x0], $0xffff;
	v44 =	vmul.f32 v5, v44;
	v4 =	vperm.xlane v63, v21  }
0x206: {  	v40 =	vmul.f32 v7, v32;
	v32 =	vadd.f32 v22, v42;
	v8 =	vmax.f32 v48, $0.0e+00;
	v23 =	vld.idx.msk [tilespmem:v60+s5+$0x0], $0xffff  }
0x207: {  	v6 =	vmul.f32 v44, v49;
	v49 =	vld.idx.msk [tilespmem:v10+s23+$0x0], $0xffff;
	v57 =	vmin.f32 v8, $1.000000000e+00;
	vm10 =	vle.f32 v4, v41  }
0x208: {  	v5 =	vshrl.u32 v40, $0x10;
	v22 =	vshra.s32 v40, $0x17;
	v48 =	vsel vm10, v21, v9;
	v9 =	vld [tilespmem:$0x1FFB0]  }
0x209: {  	v51 =	vld.idx.msk [tilespmem:v43+s23+$0x0], $0xffff;
	v40 =	vand.u32 $0xFFFF, v40;
	v47 =	vsub.f32 $1.000000000e+00, v57;
	v58 =	vand.u32 $0x7F, v5  }
0x20a: {  	v59 =	vimm.s32 $0x0;
	v42 =	vadd.f32 v6, v55;
	v40 =	vcvt.s32.f32 v40  }
0x20b: {  	v61 =	vmul.f32 v57, v53;
	v62 =	vmul.f32 v47, v57;
	vm11 =	vle.f32 v23, v38  }
0x20c: {  	v8 =	vor.u32 $0x1, v48;
	v23 =	vmul.f32 v57, v49;
	v44 =	vsel vm11, v60, v45  }
0x20d: {  	v4 =	vld [tilespmem:$0x1FFC0];
	v5 =	vadd.f32 v53, v53;
	v7 =	vmul.f32 v62, v11;
	v10 =	vperm.xlane v9, v8  }
0x20e: {  	v49 =	vsel vm4, v49, v51;
	v45 =	vsel vm12, v52, v50;
	v50 =	vcvt.s32.f32 v22;
	v21 =	vld.idx.msk [tilespmem:v58+s31+$0x0], $0xffff  }
0x20f: {  	v6 =	vld [tilespmem:$0x1FFE0];
	v55 =	vmul.f32 v62, v5;
	v11 =	vadd.f32 v7, v53;
	vm13 =	vle.f32 v10, v41  }
0x210: {  	v52 =	vmul.f32 v23, v57;
	v33 =	vmul.f32 v45, v33;
	v48 =	vsel vm13, v8, v48;
	v8 =	vld [tilespmem:$0x1FFD0]  }
0x211: {  	v22 =	vimm.s32 $0x0;
	v53 =	vmul.f32 v53, v53;
	(erf) = vrcp.f32 v11;
	v60 =	vld.idx.msk [tilespmem:v44+s24+$0x0], $0xffff  }
0x212: {  	v3 =	vadd.s32 $0x1, v44;
	v50 =	vmul.f32 $6.931471820e-01, v50;
	v10 =	vld.idx.msk [tilespmem:v58+s30+$0x0], $0xffff;
	v11 =	vmul.f32 v47, v51  }
0x213: {  	v52 =	vadd.f32 v55, v52;
	v54 =	vperm.xlane v4, v48;
	v34 =	vmul.f32 v40, v21;
	v21 =	vld.idx.msk [tilespmem:v44+s26+$0x0], $0xffff  }
0x214: {  	v33 =	vadd.f32 v42, v33;
	v47 =	vmul.f32 v11, v47;
	v0 =	vadd.f32 v11, v61  }
0x215: {  	v7 =	vperm.xlane v6, v48;
	v40 =	vld [tilespmem:s11+$0x50];
	vm14 =	vle.f32 v54, v41;
	v9 =	vperm.xlane v8, v48  }
0x216: {  	v47 =	vadd.f32 v52, v47;
	v4 =	vmul.f32 v0, v57;
	v62 =	vmul.f32 v60, v38  }
0x217: {  	v23 =	vsel vm14, $0x4, v22;
	v34 =	vadd.f32 v34, v10;
	v56 =	vsel vm14, v7, v9  }
0x218: {  	v22 =	vimm.s32 $0x0;
	v63 =	vadd.f32 v62, v21;
	v21 =	vld [tilespmem:$0x1FFF0];
	vm15 =	vle.f32 v56, v41  }
0x219: {  	v48 =	vshll.u32 v48, $0x3;
	v47 =	vmul.f32 v47, v53;
	v56 =	vsel vm15, $0x2, v59  }
0x21a: {  	v5 =	vld.idx.msk [tilespmem:v44+s29+$0x0], $0xffff;
	v34 =	vadd.f32 v34, v50;
	v8 =	vmax.f32 v40, $-5.000000000e+00;
	v1 =	vpop (erf);
	v55 =	vor.u32 v56, v23  }
0x21b: {  	v2 =	vmul.f32 v1, v1;
	v45 =	vmax.f32 v63, $0.0e+00;
	v63 =	vld [tilespmem:$0x1FFB0];
	v48 =	vor.u32 v55, v48  }
0x21c: {  	v42 =	vmin.f32 v8, $5.000000000e+00;
	v56 =	vld.idx.msk [tilespmem:v44+s25+$0x0], $0xffff;
	v57 =	vmin.f32 v45, $1.000000000e+00;
	v52 =	vor.u32 $0x1, v48  }
0x21d: {  	v47 =	vmul.f32 v2, v47;
	v50 =	vsub.f32 $1.000000000e+00, v57;
	vm5 =	vle.f32 v21, v42  }
0x21e: {  	v43 =	vld.idx.msk [tilespmem:v43+s22+$0x0], $0xffff;
	v35 =	vmul.f32 v49, v35;
	v7 =	vmul.f32 v1, v4;
	v23 =	vsel vm5, $0x8, v22  }
0x21f: {  	v55 =	vld.idx.msk [tilespmem:v3+s23+$0x0], $0xffff;
	v9 =	vshrl.u32 v47, $0x10;
	v10 =	vmul.f32 v50, v57;
	v62 =	vor.u32 $0x4, v23  }
0x220: {  	v46 =	vmul.f32 v7, v46;
	v7 =	vld [tilespmem:$0x1FFB0];
	v11 =	vand.u32 $0x7F, v9;
	v1 =	vperm.xlane v63, v62  }
0x221: {  	v58 =	vmul.f32 v56, v60;
	v54 =	vmul.f32 v10, v5;
	v6 =	vld.idx.msk [tilespmem:v52+s5+$0x0], $0xffff  }
0x222: {  	v61 =	vld.idx.msk [tilespmem:v44+s23+$0x0], $0xffff;
	v2 =	vshra.s32 v47, $0x17;
	v47 =	vand.u32 $0xFFFF, v47;
	vm7 =	vle.f32 v1, v42  }
0x223: {  	v9 =	vcvt.s32.f32 v47;
	v54 =	vadd.f32 v54, v58;
	v36 =	vsel vm7, v62, v23  }
0x224: {  	v63 =	vld [tilespmem:$0x1FFB0];
	v3 =	vmul.f32 v57, v55;
	v5 =	vadd.f32 v58, v58;
	v60 =	vor.u32 $0x2, v36  }
0x225: {  	v43 =	vadd.f32 v46, v43;
	(erf) = vrcp.f32 v54;
	v4 =	vld.idx.msk [tilespmem:v11+s31+$0x0], $0xffff;
	v8 =	vperm.xlane v7, v60  }
0x226: {  	v53 =	vmul.f32 v10, v5;
	v10 =	vld.idx.msk [tilespmem:v11+s30+$0x0], $0xffff;
	v11 =	vmul.f32 v57, v58;
	vm6 =	vle.f32 v6, v41  }
0x227: {  	v6 =	vmul.f32 v50, v61;
	vm8 =	vle.f32 v8, v42;
	v45 =	vsel vm6, v52, v48  }
0x228: {  	v7 =	vld [tilespmem:$0x1FFE0];
	v48 =	vcvt.s32.f32 v2;
	v52 =	vmul.f32 v3, v57;
	v36 =	vsel vm8, v60, v36  }
0x229: {  	v50 =	vmul.f32 v6, v50;
	v22 =	vadd.f32 v6, v11;
	v60 =	vor.u32 $0x1, v36;
	v6 =	vld [tilespmem:$0x1FFC0]  }
0x22a: {  	v46 =	vmul.f32 v9, v4;
	v9 =	vld [tilespmem:$0x1FFD0];
	v2 =	vperm.xlane v63, v60  }
0x22b: {  	v35 =	vadd.f32 v43, v35  }
0x22c: {  	v23 =	vmul.f32 v58, v58;
	v52 =	vadd.f32 v53, v52;
	vm9 =	vle.f32 v2, v42;
	v59 =	vld.idx.msk [tilespmem:v45+s24+$0x0], $0xffff  }
0x22d: {  	v46 =	vadd.f32 v46, v10;
	v3 =	vmul.f32 v22, v57;
	v36 =	vsel vm9, v60, v36  }
0x22e: {  	v57 =	vadd.s32 $0x1, v45;
	v50 =	vadd.f32 v52, v50;
	v21 =	vld.idx.msk [tilespmem:v45+s26+$0x0], $0xffff;
	v52 =	vperm.xlane v6, v36  }
0x22f: {  	v22 =	vimm.s32 $0x0;
	v4 =	vpop (erf);
	v8 =	vperm.xlane v7, v36;
	v10 =	vperm.xlane v9, v36  }
0x230: {  	v49 =	vld [tilespmem:s11+$0x60];
	v50 =	vmul.f32 v50, v23;
	v5 =	vmul.f32 v4, v4;
	vm10 =	vle.f32 v52, v42  }
0x231: {  	v47 =	vmul.f32 v4, v3;
	v53 =	vsel vm10, v8, v10;
	v62 =	vmul.f32 v59, v41  }
0x232: {  	v4 =	vimm.s32 $0x0;
	v6 =	vld [tilespmem:$0x1FFF0];
	v50 =	vmul.f32 v5, v50;
	vm11 =	vle.f32 v53, v42  }
0x233: {  	v44 =	vld.idx.msk [tilespmem:v44+s22+$0x0], $0xffff;
	v23 =	vsel vm10, $0x4, v22;
	v5 =	vsel vm11, $0x2, v4;
	v43 =	vadd.f32 v62, v21  }
0x234: {  	v51 =	vld.idx.msk [tilespmem:v45+s25+$0x0], $0xffff;
	v36 =	vshll.u32 v36, $0x3;
	v7 =	vimm.s32 $0x0;
	v54 =	vor.u32 v5, v23  }
0x235: {  	v1 =	vld [tilespmem:$0x1FFB0];
	v21 =	vmax.f32 v49, $-5.000000000e+00;
	v54 =	vor.u32 v54, v36;
	v43 =	vmax.f32 v43, $0.0e+00  }
0x236: {  	v11 =	vld.idx.msk [tilespmem:v45+s29+$0x0], $0xffff;
	v53 =	vmin.f32 v21, $5.000000000e+00;
	v3 =	vor.u32 $0x1, v54;
	v43 =	vmin.f32 v43, $1.000000000e+00  }
0x237: {  	v9 =	vshrl.u32 v50, $0x10;
	vm12 =	vle.f32 v6, v53;
	v60 =	vsub.f32 $1.000000000e+00, v43  }
0x238: {  	v47 =	vmul.f32 v47, v56;
	v0 =	vand.u32 $0x7F, v9;
	v8 =	vsel vm12, $0x8, v7  }
0x239: {  	v56 =	vld.idx.msk [tilespmem:v57+s23+$0x0], $0xffff;
	v52 =	vmul.f32 v51, v59;
	v63 =	vor.u32 $0x4, v8;
	v59 =	vmul.f32 v60, v43  }
0x23a: {  	vm13 =	vge.f32 v37, $0.0e+00;
	v48 =	vmul.f32 $6.931471820e-01, v48;
	v5 =	vld [tilespmem:$0x1FFB0];
	v4 =	vperm.xlane v1, v63  }
0x23b: {  	v58 =	vmul.f32 v59, v11;
	v11 =	vsub.f32 v37, v38;
	v38 =	vadd.f32 v47, v44;
	v47 =	vld.idx.msk [tilespmem:v3+s5+$0x0], $0xffff  }
0x23c: {  	vm9 =	vge.f32 v39, $0.0e+00;
	v39 =	vsub.f32 v39, v41;
	v36 =	vadd.f32 v46, v48;
	v48 =	vld.idx.msk [tilespmem:v45+s23+$0x0], $0xffff  }
0x23d: {  	v22 =	vsel vm13, v55, v61;
	v7 =	vld.idx.msk [tilespmem:v0+s31+$0x0], $0xffff;
	v9 =	vmul.f32 v43, v52;
	vm14 =	vle.f32 v4, v53  }
0x23e: {  	v21 =	vsel vm14, v63, v8;
	v63 =	vshra.s32 v50, $0x17;
	v50 =	vand.u32 $0xFFFF, v50  }
0x23f: {  	v46 =	vld [tilespmem:s11+$0x70];
	v23 =	vor.u32 $0x2, v21;
	v50 =	vcvt.s32.f32 v50;
	v10 =	vadd.f32 v58, v52  }
0x240: {  	v4 =	vmul.f32 v22, v11;
	v6 =	vperm.xlane v5, v23;
	vm4 =	vle.f32 v47, v42;
	v47 =	vld [tilespmem:$0x1FFB0]  }
0x241: {  	v11 =	vadd.f32 v52, v52;
	(erf) = vrcp.f32 v10;
	v10 =	vmul.f32 v43, v56  }
0x242: {  	v0 =	vld.idx.msk [tilespmem:v0+s30+$0x0], $0xffff;
	v8 =	vmul.f32 v60, v48;
	v50 =	vmul.f32 v50, v7;
	vm15 =	vle.f32 v6, v53  }
0x243: {  	v7 =	vld [tilespmem:$0x1FFC0];
	v55 =	vmul.f32 v59, v11;
	v37 =	vsel vm15, v23, v21;
	v22 =	vmul.f32 v10, v43  }
0x244: {  	v62 =	vmax.f32 v46, $-5.000000000e+00;
	v2 =	vmul.f32 v8, v60;
	v11 =	vld [tilespmem:$0x1FFD0];
	v23 =	vor.u32 $0x1, v37  }
0x245: {  	v21 =	vadd.f32 v8, v9;
	v9 =	vld [tilespmem:$0x1FFE0];
	v1 =	vadd.f32 v55, v22;
	v59 =	vperm.xlane v47, v23  }
0x246: {  	v44 =	vcvt.s32.f32 v63;
	v5 =	vmul.f32 v52, v52;
	v3 =	vsel vm4, v3, v54  }
0x247: {  	v60 =	vimm.s32 $0x0;
	v6 =	vadd.f32 v1, v2;
	vm5 =	vle.f32 v59, v53  }
0x248: {  	v44 =	vmul.f32 $6.931471820e-01, v44;
	v43 =	vmul.f32 v21, v43;
	v47 =	vsel vm5, v23, v37  }
0x249: {  	v0 =	vadd.f32 v50, v0;
	v52 =	vmul.f32 v6, v5;
	v8 =	vperm.xlane v7, v47  }
0x24a: {  	v59 =	vimm.s32 $0x0;
	v5 =	vld [tilespmem:$0x1FFF0];
	v63 =	vpop (erf);
	v10 =	vperm.xlane v9, v47;
	v21 =	vperm.xlane v11, v47  }
0x24b: {  	v58 =	vld.idx.msk [tilespmem:v3+s24+$0x0], $0xffff;
	v37 =	vadd.f32 v0, v44;
	v43 =	vmul.f32 v63, v43;
	vm6 =	vle.f32 v8, v53  }
0x24c: {  	v54 =	vmul.f32 v63, v63;
	v47 =	vshll.u32 v47, $0x3;
	v22 =	vsel vm6, v10, v21  }
0x24d: {  	v7 =	vimm.s32 $0x0;
	v23 =	vmul.f32 v43, v51;
	v10 =	vld [tilespmem:$0x1FFB0];
	vm7 =	vle.f32 v22, v53  }
0x24e: {  	v57 =	vld.idx.msk [tilespmem:v3+s26+$0x0], $0xffff;
	v51 =	vmin.f32 v62, $5.000000000e+00;
	v0 =	vsel vm6, $0x4, v59;
	v61 =	vsel vm7, $0x2, v60  }
0x24f: {  	v45 =	vld.idx.msk [tilespmem:v45+s22+$0x0], $0xffff;
	v43 =	vmul.f32 v54, v52;
	vm8 =	vle.f32 v5, v51;
	v0 =	vor.u32 v61, v0  }
0x250: {  	v63 =	vmul.f32 v58, v42;
	v8 =	vsel vm8, $0x8, v7;
	v0 =	vor.u32 v0, v47  }
0x251: {  	v55 =	vld.idx.msk [tilespmem:v3+s25+$0x0], $0xffff;
	v6 =	vshrl.u32 v43, $0x10;
	v9 =	vor.u32 $0x4, v8;
	v52 =	vor.u32 $0x1, v0  }
0x252: {  	v38 =	vadd.f32 v38, v4;
	v47 =	vand.u32 $0x7F, v6;
	v11 =	vperm.xlane v10, v9;
	v10 =	vld [tilespmem:$0x1FFB0]  }
0x253: {  	v41 =	vld.idx.msk [tilespmem:v3+s29+$0x0], $0xffff;
	v21 =	vsel vm9, v56, v48;
	v44 =	vadd.f32 v63, v57;
	v57 =	vadd.s32 $0x1, v3  }
0x254: {  	v48 =	vld.idx.msk [tilespmem:v3+s23+$0x0], $0xffff;
	v4 =	vadd.f32 v23, v45;
	v22 =	vshra.s32 v43, $0x17;
	vm10 =	vle.f32 v11, v51  }
0x255: {  	v39 =	vmul.f32 v21, v39;
	v7 =	vld [tilespmem:$0x1FFB0];
	v44 =	vmax.f32 v44, $0.0e+00;
	v54 =	vsel vm10, v9, v8  }
0x256: {  	v43 =	vand.u32 $0xFFFF, v43;
	v44 =	vmin.f32 v44, $1.000000000e+00;
	v9 =	vor.u32 $0x2, v54;
	v23 =	vld.idx.msk [tilespmem:v52+s5+$0x0], $0xffff  }
0x257: {  	v56 =	vcvt.s32.f32 v22;
	v59 =	vsub.f32 $1.000000000e+00, v44;
	v8 =	vld.idx.msk [tilespmem:v47+s31+$0x0], $0xffff;
	v11 =	vperm.xlane v10, v9  }
0x258: {  	v50 =	vld [tilespmem:s11+$0x80];
	v21 =	vcvt.s32.f32 v43;
	v43 =	vmul.f32 v55, v58  }
0x259: {  	v39 =	vadd.f32 v4, v39;
	v62 =	vmul.f32 v59, v44;
	vm11 =	vle.f32 v11, v51  }
0x25a: {  	v22 =	vmul.f32 v44, v43;
	v57 =	vld.idx.msk [tilespmem:v57+s23+$0x0], $0xffff;
	v58 =	vmul.f32 v59, v48;
	v54 =	vsel vm11, v9, v54  }
0x25b: {  	v41 =	vmul.f32 v62, v41;
	vm12 =	vle.f32 v23, v53;
	v23 =	vor.u32 $0x1, v54  }
0x25c: {  	v60 =	vadd.f32 v58, v22;
	v22 =	vld [tilespmem:$0x1FFC0];
	v4 =	vmul.f32 v21, v8;
	v8 =	vperm.xlane v7, v23  }
0x25d: {  	v10 =	vmax.f32 v50, $-5.000000000e+00;
	v41 =	vadd.f32 v41, v43;
	v11 =	vadd.f32 v43, v43;
	v21 =	vld [tilespmem:$0x1FFF0]  }
0x25e: {  	v45 =	vsel vm12, v52, v0;
	v52 =	vmin.f32 v10, $5.000000000e+00;
	v10 =	vld [tilespmem:$0x1FFE0];
	vm13 =	vle.f32 v8, v51  }
0x25f: {  	v9 =	vmul.f32 v44, v57;
	v0 =	vsel vm13, v23, v54;
	v54 =	vmul.f32 v62, v11;
	v11 =	vld [tilespmem:$0x1FFD0]  }
0x260: {  	v2 =	vld [tilespmem:$0x1FFB0]  }
0x261: {  	(erf) = vrcp.f32 v41;
	v41 =	vmul.f32 v9, v44  }
0x262: {  	v9 =	vimm.s32 $0x0;
	vm14 =	vle.f32 v21, v52;
	v23 =	vperm.xlane v22, v0  }
0x263: {  	v63 =	vsel vm14, $0x8, v9;
	v22 =	vimm.s32 $0x0;
	v5 =	vperm.xlane v10, v0  }
0x264: {  	v61 =	vld.idx.msk [tilespmem:v45+s24+$0x0], $0xffff;
	v1 =	vor.u32 $0x4, v63;
	vm15 =	vle.f32 v23, v51;
	v6 =	vperm.xlane v11, v0  }
0x265: {  	v43 =	vmul.f32 v43, v43;
	v21 =	vperm.xlane v2, v1;
	v23 =	vsel vm15, $0x4, v22;
	v22 =	vld [tilespmem:$0x1FFB0]  }
0x266: {  	v41 =	vadd.f32 v54, v41;
	v54 =	vmul.f32 v58, v59;
	v58 =	vld.idx.msk [tilespmem:v45+s26+$0x0], $0xffff;
	v5 =	vsel vm15, v5, v6  }
0x267: {  	v10 =	vimm.s32 $0x0;
	vm5 =	vle.f32 v21, v52;
	vm4 =	vle.f32 v5, v51  }
0x268: {  	v0 =	vshll.u32 v0, $0x3;
	v1 =	vsel vm5, v1, v63;
	v11 =	vsel vm4, $0x2, v10  }
0x269: {  	v9 =	vmul.f32 v61, v53;
	v21 =	vor.u32 $0x2, v1;
	v5 =	vor.u32 v11, v23  }
0x26a: {  	v41 =	vadd.f32 v41, v54;
	v23 =	vperm.xlane v22, v21;
	v11 =	vld [tilespmem:$0x1FFB0];
	v0 =	vor.u32 v5, v0  }
0x26b: {  	v3 =	vld.idx.msk [tilespmem:v3+s22+$0x0], $0xffff;
	v44 =	vmul.f32 v60, v44;
	v60 =	vpop (erf);
	v6 =	vadd.f32 v9, v58;
	v58 =	vor.u32 $0x1, v0  }
0x26c: {  	v47 =	vld.idx.msk [tilespmem:v47+s30+$0x0], $0xffff;
	v62 =	vmul.f32 v60, v60;
	v41 =	vmul.f32 v41, v43;
	vm6 =	vle.f32 v23, v52  }
0x26d: {  	v8 =	vld [tilespmem:$0x1FFC0];
	v1 =	vsel vm6, v21, v1  }
0x26e: {  	v54 =	vld.idx.msk [tilespmem:v45+s25+$0x0], $0xffff;
	v41 =	vmul.f32 v62, v41;
	v10 =	vor.u32 $0x1, v1  }
0x26f: {  	vm8 =	vge.f32 v40, $0.0e+00;
	v40 =	vsub.f32 v40, v42;
	v9 =	vld.idx.msk [tilespmem:v45+s29+$0x0], $0xffff;
	v21 =	vperm.xlane v11, v10  }
0x270: {  	v63 =	vmul.f32 v60, v44;
	v22 =	vshrl.u32 v41, $0x10;
	v6 =	vmax.f32 v6, $0.0e+00;
	v23 =	vld.idx.msk [tilespmem:v58+s5+$0x0], $0xffff  }
0x271: {  	v62 =	vand.u32 $0x7F, v22;
	v6 =	vmin.f32 v6, $1.000000000e+00;
	vm7 =	vle.f32 v21, v52;
	v21 =	vld [tilespmem:$0x1FFD0]  }
0x272: {  	v4 =	vadd.f32 v4, v47;
	v47 =	vsub.f32 $1.000000000e+00, v6;
	v1 =	vsel vm7, v10, v1;
	v10 =	vld [tilespmem:$0x1FFE0]  }
0x273: {  	v48 =	vsel vm8, v57, v48;
	v7 =	vadd.s32 $0x1, v45;
	v5 =	vmul.f32 v63, v55  }
0x274: {  	v40 =	vmul.f32 v48, v40;
	v59 =	vand.u32 $0xFFFF, v41;
	v63 =	vmul.f32 v47, v6  }
0x275: {  	v60 =	vld.idx.msk [tilespmem:v45+s23+$0x0], $0xffff;
	v41 =	vshra.s32 v41, $0x17;
	v3 =	vadd.f32 v5, v3;
	v5 =	vmul.f32 v54, v61  }
0x276: {  	v43 =	vmul.f32 v63, v9;
	v9 =	vperm.xlane v8, v1;
	vm9 =	vle.f32 v23, v51;
	v23 =	vld.idx.msk [tilespmem:v62+s31+$0x0], $0xffff  }
0x277: {  	v22 =	vperm.xlane v21, v1;
	v11 =	vperm.xlane v10, v1;
	v55 =	vsel vm9, v58, v0  }
0x278: {  	v7 =	vld.idx.msk [tilespmem:v7+s23+$0x0], $0xffff;
	v42 =	vcvt.s32.f32 v59;
	v61 =	vimm.s32 $0x0;
	vm10 =	vle.f32 v9, v52  }
0x279: {  	v43 =	vadd.f32 v43, v5;
	v9 =	vimm.s32 $0x0;
	v58 =	vsel vm10, v11, v22  }
0x27a: {  	v8 =	vsel vm10, $0x4, v61;
	v22 =	vmul.f32 v47, v60;
	vm11 =	vle.f32 v58, v52  }
0x27b: {  	v11 =	vld.idx.msk [tilespmem:v62+s30+$0x0], $0xffff;
	v10 =	vsel vm11, $0x2, v9;
	v42 =	vmul.f32 v42, v23;
	v23 =	vmul.f32 v6, v5  }
0x27c: {  	(erf) = vrcp.f32 v43;
	v1 =	vshll.u32 v1, $0x3;
	v43 =	vor.u32 v10, v8;
	v62 =	vld.idx.msk [tilespmem:v55+s24+$0x0], $0xffff  }
0x27d: {  	v61 =	vmul.f32 v6, v7;
	v1 =	vor.u32 v43, v1;
	v43 =	vld [tilespmem:s11+$0x90];
	v9 =	vadd.f32 v22, v23  }
0x27e: {  	v40 =	vadd.f32 v3, v40;
	v21 =	vcvt.s32.f32 v41;
	v57 =	vld.idx.msk [tilespmem:v55+s26+$0x0], $0xffff  }
0x27f: {  	v3 =	vmul.f32 v61, v6;
	v59 =	vor.u32 $0x1, v1;
	v6 =	vmul.f32 v9, v6;
	v9 =	vld [tilespmem:$0x1FFF0]  }
0x280: {  	v44 =	vmul.f32 $6.931471820e-01, v21;
	v58 =	vadd.f32 v42, v11  }
0x281: {  	v56 =	vmul.f32 $6.931471820e-01, v56;
	v8 =	vadd.f32 v5, v5  }
0x282: {  	v44 =	vadd.f32 v58, v44;
	v58 =	vld [tilespmem:$0x1FFB0];
	v11 =	vmul.f32 v62, v51;
	v10 =	vmax.f32 v43, $-5.000000000e+00  }
0x283: {  	v41 =	vadd.f32 v4, v56;
	v56 =	vmul.f32 v63, v8;
	v48 =	vmin.f32 v10, $5.000000000e+00  }
0x284: {  	v63 =	vld.idx.msk [tilespmem:v59+s5+$0x0], $0xffff;
	v10 =	vadd.f32 v11, v57;
	v11 =	vimm.s32 $0x0;
	vm12 =	vle.f32 v9, v48  }
0x285: {  	v4 =	vmul.f32 v22, v47;
	v56 =	vadd.f32 v56, v3;
	v22 =	vsel vm12, $0x8, v11  }
0x286: {  	v21 =	vld [tilespmem:s11+$0xA0];
	v5 =	vmul.f32 v5, v5;
	v23 =	vor.u32 $0x4, v22  }
0x287: {  	v42 =	vpop (erf);
	v4 =	vadd.f32 v56, v4;
	v47 =	vmax.f32 v10, $0.0e+00;
	v10 =	vld [tilespmem:$0x1FFB0];
	v2 =	vperm.xlane v58, v23  }
0x288: {  	v45 =	vld.idx.msk [tilespmem:v45+s22+$0x0], $0xffff;
	v6 =	vmul.f32 v42, v6;
	v42 =	vmul.f32 v42, v42  }
0x289: {  	v5 =	vmul.f32 v4, v5;
	v9 =	vld [tilespmem:$0x1FFF0];
	vm13 =	vle.f32 v63, v52;
	vm14 =	vle.f32 v2, v48  }
0x28a: {  	v61 =	vld [tilespmem:$0x1FFB0];
	v6 =	vmul.f32 v6, v54;
	v54 =	vsel vm13, v59, v1;
	v1 =	vsel vm14, v23, v22  }
0x28b: {  	v15 =	vmul.f32 v42, v5;
	v5 =	vld [tilespmem:$0x1FFB0];
	v8 =	vor.u32 $0x2, v1  }
0x28c: {  	v4 =	vmax.f32 v21, $-5.000000000e+00;
	v57 =	vmin.f32 v47, $1.000000000e+00;
	v58 =	vld.idx.msk [tilespmem:v55+s29+$0x0], $0xffff;
	v11 =	vperm.xlane v10, v8  }
0x28d: {  	vm5 =	vge.f32 v49, $0.0e+00;
	v18 =	vld.idx.msk [tilespmem:v55+s25+$0x0], $0xffff;
	v47 =	vmin.f32 v4, $5.000000000e+00;
	v56 =	vsub.f32 $1.000000000e+00, v57  }
0x28e: {  	v19 =	vadd.f32 v6, v45;
	vm15 =	vle.f32 v9, v47;
	vm4 =	vle.f32 v11, v48  }
0x28f: {  	v45 =	vmul.f32 v56, v57;
	v22 =	vimm.s32 $0x0;
	v63 =	vsel vm4, v8, v1  }
0x290: {  	v17 =	vsel vm5, v7, v60;
	v7 =	vld [tilespmem:$0x1FFB0];
	v23 =	vsel vm15, $0x8, v22;
	v1 =	vor.u32 $0x1, v63  }
0x291: {  	v22 =	vld [tilespmem:$0x1FFE0];
	v0 =	vor.u32 $0x4, v23;
	v58 =	vmul.f32 v45, v58;
	v6 =	vperm.xlane v5, v1  }
0x292: {  	v10 =	vld [tilespmem:$0x1FFC0];
	v4 =	vperm.xlane v61, v0;
	v61 =	vmul.f32 v18, v62  }
0x293: {  	vm7 =	vle.f32 v6, v48;
	v6 =	vld [tilespmem:$0x1FFD0]  }
0x294: {  	vm6 =	vle.f32 v4, v47;
	v58 =	vadd.f32 v58, v61  }
0x295: {  	v42 =	vld [tilespmem:s11+$0xB0];
	v0 =	vsel vm6, v0, v23  }
0x296: {  	v62 =	vld.idx.msk [tilespmem:v54+s24+$0x0], $0xffff;
	v60 =	vor.u32 $0x2, v0;
	(erf) = vrcp.f32 v58;
	v1 =	vsel vm7, v1, v63  }
0x297: {  	v8 =	vperm.xlane v7, v60;
	v7 =	vld [tilespmem:$0x1FFF0];
	v2 =	vperm.xlane v10, v1  }
0x298: {  	v58 =	vld.idx.msk [tilespmem:v54+s26+$0x0], $0xffff;
	v23 =	vperm.xlane v22, v1;
	v3 =	vperm.xlane v6, v1  }
0x299: {  	vm9 =	vle.f32 v2, v48  }
0x29a: {  	v53 =	vsub.f32 v49, v53;
	v11 =	vmax.f32 v42, $-5.000000000e+00;
	v3 =	vsel vm9, v23, v3;
	v23 =	vld [tilespmem:$0x1FFB0]  }
0x29b: {  	v59 =	vadd.s32 $0x1, v55;
	v49 =	vmin.f32 v11, $5.000000000e+00;
	v9 =	vmul.f32 v62, v52  }
0x29c: {  	vm8 =	vle.f32 v8, v47;
	v8 =	vimm.s32 $0x0;
	vm10 =	vle.f32 v7, v49  }
0x29d: {  	v6 =	vadd.f32 v9, v58;
	v4 =	vsel vm10, $0x8, v8;
	v9 =	vimm.s32 $0x0  }
0x29e: {  	v11 =	vimm.s32 $0x0;
	v10 =	vsel vm9, $0x4, v9;
	v58 =	vor.u32 $0x4, v4;
	v9 =	vld [tilespmem:$0x1FFB0]  }
0x29f: {  	v5 =	vsel vm8, v60, v0;
	vm11 =	vle.f32 v3, v48;
	v7 =	vperm.xlane v23, v58  }
0x2a0: {  	v63 =	vor.u32 $0x1, v5;
	v1 =	vshll.u32 v1, $0x3;
	v22 =	vsel vm11, $0x2, v11  }
0x2a1: {  	v3 =	vor.u32 v22, v10;
	v10 =	vmax.f32 v6, $0.0e+00;
	vm12 =	vle.f32 v7, v49  }
0x2a2: {  	v11 =	vor.u32 v3, v1;
	v8 =	vmin.f32 v10, $1.000000000e+00;
	v1 =	vsel vm12, v58, v4;
	v4 =	vld.idx.msk [tilespmem:v54+s29+$0x0], $0xffff  }
0x2a3: {  	v59 =	vld.idx.msk [tilespmem:v59+s23+$0x0], $0xffff;
	v6 =	vadd.f32 v61, v61;
	v0 =	vperm.xlane v9, v63;
	v58 =	vsub.f32 $1.000000000e+00, v8  }
0x2a4: {  	v22 =	vld [tilespmem:$0x1FFB0]  }
0x2a5: {  	v20 =	vld.idx.msk [tilespmem:v54+s25+$0x0], $0xffff;
	v6 =	vmul.f32 v45, v6;
	vm13 =	vle.f32 v0, v47;
	v45 =	vmul.f32 v58, v8  }
0x2a6: {  	v5 =	vsel vm13, v63, v5;
	v63 =	vld [tilespmem:$0x1FFC0]  }
0x2a7: {  	v7 =	vmul.f32 v45, v4;
	v4 =	vld [tilespmem:$0x1FFE0]  }
0x2a8: {  	v23 =	vmul.f32 v57, v59;
	v0 =	vor.u32 $0x2, v1  }
0x2a9: {  	v2 =	vperm.xlane v22, v0;
	v22 =	vld [tilespmem:$0x1FFD0]  }
0x2aa: {  	v23 =	vmul.f32 v23, v57  }
0x2ab: {  	v10 =	vmul.f32 v20, v62;
	v9 =	vor.u32 $0x1, v11  }
0x2ac: {  	v62 =	vperm.xlane v63, v5;
	v63 =	vperm.xlane v4, v5;
	v4 =	vadd.f32 v6, v23;
	v23 =	vld [tilespmem:$0x1FFB0]  }
0x2ad: {  	v60 =	vld.idx.msk [tilespmem:v55+s23+$0x0], $0xffff  }
0x2ae: {  	vm14 =	vle.f32 v2, v49;
	v2 =	vperm.xlane v22, v5  }
0x2af: {  	v1 =	vsel vm14, v0, v1;
	vm15 =	vle.f32 v62, v47  }
0x2b0: {  	v17 =	vmul.f32 v17, v53;
	v0 =	vor.u32 $0x1, v1;
	v2 =	vsel vm15, v63, v2  }
0x2b1: {  	v22 =	vimm.s32 $0x0;
	v6 =	vld.idx.msk [tilespmem:v9+s5+$0x0], $0xffff;
	vm5 =	vle.f32 v2, v47;
	v3 =	vperm.xlane v23, v0  }
0x2b2: {  	v12 =	vmul.f32 v56, v60;
	v62 =	vadd.s32 $0x1, v54;
	v2 =	vsel vm5, $0x2, v22;
	v22 =	vld [tilespmem:$0x1FFD0]  }
0x2b3: {  	v63 =	vadd.f32 v7, v10;
	v7 =	vimm.s32 $0x0;
	v23 =	vld [tilespmem:$0x1FFC0];
	vm4 =	vle.f32 v3, v49  }
0x2b4: {  	v56 =	vmul.f32 v12, v56;
	v0 =	vsel vm4, v0, v1;
	v1 =	vsel vm15, $0x4, v7;
	v7 =	vld [tilespmem:$0x1FFE0]  }
0x2b5: {  	v53 =	vadd.f32 v19, v17;
	v17 =	vmul.f32 v10, v10;
	v5 =	vshll.u32 v5, $0x3  }
0x2b6: {  	v4 =	vadd.f32 v4, v56;
	v56 =	vshrl.u32 v15, $0x10;
	(erf) = vrcp.f32 v63  }
0x2b7: {  	v63 =	vimm.s32 $0x0;
	vm6 =	vle.f32 v6, v48;
	v1 =	vor.u32 v2, v1  }
0x2b8: {  	v14 =	vld.idx.msk [tilespmem:v62+s23+$0x0], $0xffff;
	v2 =	vperm.xlane v23, v0;
	v23 =	vperm.xlane v22, v0;
	v3 =	vor.u32 v1, v5  }
0x2b9: {  	v5 =	vmul.f32 v61, v61;
	v22 =	vimm.s32 $0x0;
	v7 =	vperm.xlane v7, v0  }
0x2ba: {  	vm7 =	vle.f32 v2, v49;
	v2 =	vand.u32 $0x7F, v56;
	v56 =	vsel vm6, v9, v11  }
0x2bb: {  	v13 =	vld.idx.msk [tilespmem:v54+s23+$0x0], $0xffff;
	v9 =	vor.u32 $0x1, v3;
	v4 =	vmul.f32 v4, v5;
	v11 =	vsel vm7, v7, v23  }
0x2bc: {  	v0 =	vshll.u32 v0, $0x3;
	v7 =	vadd.f32 v10, v10;
	vm8 =	vle.f32 v11, v49  }
0x2bd: {  	v23 =	vsel vm7, $0x4, v22;
	v22 =	vmul.f32 v8, v14;
	v6 =	vsel vm8, $0x2, v63  }
0x2be: {  	v10 =	vmul.f32 v8, v10;
	v5 =	vmul.f32 v45, v7;
	v11 =	vor.u32 v6, v23  }
0x2bf: {  	v62 =	vpop (erf);
	v7 =	vld.idx.msk [tilespmem:v2+s31+$0x0], $0xffff;
	v45 =	vmul.f32 v22, v8;
	v6 =	vor.u32 v11, v0;
	v11 =	vmul.f32 v57, v61  }
0x2c0: {  	v2 =	vld.idx.msk [tilespmem:v2+s30+$0x0], $0xffff;
	v22 =	vmul.f32 v62, v62;
	v23 =	vand.u32 $0xFFFF, v15;
	v0 =	vmul.f32 v58, v13  }
0x2c1: {  	v1 =	vor.u32 $0x1, v6;
	v11 =	vadd.f32 v12, v11;
	v12 =	vcvt.s32.f32 v23;
	v23 =	vld.idx.msk [tilespmem:v9+s5+$0x0], $0xffff  }
0x2c2: {  	vm10 =	vge.f32 v46, $0.0e+00;
	v4 =	vmul.f32 v22, v4;
	v63 =	vmul.f32 v0, v58;
	v58 =	vld.idx.msk [tilespmem:v56+s24+$0x0], $0xffff  }
0x2c3: {  	v5 =	vadd.f32 v5, v45;
	v45 =	vadd.s32 $0x1, v56;
	v0 =	vadd.f32 v0, v10  }
0x2c4: {  	v19 =	vld.idx.msk [tilespmem:v56+s26+$0x0], $0xffff;
	v7 =	vmul.f32 v12, v7;
	v11 =	vmul.f32 v11, v57;
	v12 =	vshrl.u32 v4, $0x10  }
0x2c5: {  	v5 =	vadd.f32 v5, v63;
	v63 =	vld [tilespmem:$0x1FEA0];
	v8 =	vmul.f32 v0, v8;
	v12 =	vand.u32 $0x7F, v12  }
0x2c6: {  	v2 =	vadd.f32 v7, v2;
	v7 =	vmul.f32 v62, v11;
	v22 =	vld.idx.msk [tilespmem:v1+s5+$0x0], $0xffff;
	v62 =	vand.u32 $0xFFFF, v4  }
0x2c7: {  	vm9 =	vle.f32 v23, v47;
	v23 =	vmul.f32 v58, v48;
	v10 =	vcvt.s32.f32 v62;
	v62 =	vld [tilespmem:$0x1FEE0]  }
0x2c8: {  	v57 =	vsel vm9, v9, v3;
	v9 =	vsel vm10, v59, v60;
	v59 =	vsub.f32 v46, v51;
	v51 =	vld.idx.msk [tilespmem:v56+s25+$0x0], $0xffff  }
0x2c9: {  	v5 =	vmul.f32 v5, v17;
	v11 =	vpop (erf);
	v3 =	vadd.f32 v23, v19;
	v23 =	vld [tilespmem:$0x1FEC0]  }
0x2ca: {  	v17 =	vmul.f32 v11, v11;
	v8 =	vmul.f32 v11, v8;
	v11 =	vld.idx.msk [tilespmem:v45+s23+$0x0], $0xffff  }
0x2cb: {  	v19 =	vld.idx.msk [tilespmem:v12+s31+$0x0], $0xffff  }
0x2cc: {  	v15 =	vshra.s32 v15, $0x17;
	v5 =	vmul.f32 v17, v5;
	v17 =	vld.idx.msk [tilespmem:v55+s22+$0x0], $0xffff  }
0x2cd: {  	v15 =	vcvt.s32.f32 v15;
	vm11 =	vle.f32 v22, v49;
	v22 =	vld [tilespmem:$0x1FEB0]  }
0x2ce: {  	v3 =	vmax.f32 v3, $0.0e+00;
	v55 =	vld.idx.msk [tilespmem:v56+s29+$0x0], $0xffff  }
0x2cf: {  	v46 =	vsel vm11, v1, v6;
	v6 =	vmul.f32 $6.931471820e-01, v15;
	v3 =	vmin.f32 v3, $1.000000000e+00;
	v15 =	vld.idx.msk [tilespmem:v57+s24+$0x0], $0xffff  }
0x2d0: {  	v7 =	vmul.f32 v7, v18;
	[tilespmem:s10+$0xFFFFFF40] =	vst v63;
	v61 =	vshrl.u32 v5, $0x10;
	v18 =	vsub.f32 $1.000000000e+00, v3;
	v60 =	vld.idx.msk [tilespmem:v57+s26+$0x0], $0xffff  }
0x2d1: {  	[tilespmem:s10+$0xFFFFFF60] =	vst v62;
	v16 =	vand.u32 $0x7F, v61;
	v61 =	vld [tilespmem:$0x1FED0]  }
0x2d2: {  	v62 =	vld [tilespmem:$0x1FF00];
	[tilespmem:s17+$0xFFFFFF40] =	vst v22;
	v22 =	vadd.f32 v2, v6;
	v6 =	vmul.f32 v10, v19;
	v10 =	vmul.f32 v18, v3  }
0x2d3: {  	v45 =	vmul.f32 v51, v58;
	v2 =	vmul.f32 v9, v59;
	v59 =	vld [tilespmem:$0x1FEF0]  }
0x2d4: {  	v7 =	vadd.f32 v7, v17;
	v17 =	vsub.f32 v50, v52;
	v52 =	vld.idx.msk [tilespmem:v57+s29+$0x0], $0xffff;
	v63 =	vmul.f32 v10, v55  }
0x2d5: {  	vm12 =	vge.f32 v50, $0.0e+00;
	[tilespmem:s10+$0xFFFFFF50] =	vst v23;
	v50 =	vld.idx.msk [tilespmem:v46+s24+$0x0], $0xffff  }
0x2d6: {  	[tilespmem:s17+$0xFFFFFF50] =	vst v61;
	v61 =	vadd.f32 v63, v45;
	v63 =	vld [tilespmem:$0x1FF10]  }
0x2d7: {  	[tilespmem:s10+$0xFFFFFF70] =	vst v62;
	v62 =	vld [tilespmem:$0x1FF20]  }
0x2d8: {  	v9 =	vld.idx.msk [tilespmem:v16+s31+$0x0], $0xffff  }
0x2d9: {  	v13 =	vsel vm12, v14, v13;
	v19 =	vmul.f32 v15, v47;
	v55 =	vld.idx.msk [tilespmem:v46+s26+$0x0], $0xffff  }
0x2da: {  	v20 =	vmul.f32 v8, v20;
	v58 =	vand.u32 $0xFFFF, v5;
	v13 =	vmul.f32 v13, v17;
	v17 =	vld.idx.msk [tilespmem:v56+s23+$0x0], $0xffff  }
0x2db: {  	v8 =	vadd.f32 v7, v2;
	v14 =	vadd.f32 v19, v60;
	v19 =	vcvt.s32.f32 v58;
	[tilespmem:s17+$0xFFFFFF70] =	vst v63;
	v63 =	vld [tilespmem:$0x1FF30]  }
0x2dc: {  	v2 =	vld.idx.msk [tilespmem:v12+s30+$0x0], $0xffff;
	v58 =	vadd.f32 v45, v45;
	(erf) = vrcp.f32 v61;
	v23 =	vmul.f32 v50, v49  }
0x2dd: {  	v14 =	vmax.f32 v14, $0.0e+00;
	v61 =	vmul.f32 v3, v11;
	v19 =	vmul.f32 v19, v9;
	v9 =	vld.idx.msk [tilespmem:v57+s25+$0x0], $0xffff  }
0x2de: {  	[tilespmem:s17+$0xFFFFFF60] =	vst v59;
	v14 =	vmin.f32 v14, $1.000000000e+00;
	v55 =	vadd.f32 v23, v55;
	v23 =	vmul.f32 v10, v58;
	v58 =	vld [tilespmem:$0x1FF40]  }
0x2df: {  	[tilespmem:s10+$0xFFFFFF80] =	vst v62;
	v62 =	vld [tilespmem:$0x1FF50];
	v60 =	vsub.f32 $1.000000000e+00, v14;
	v61 =	vmul.f32 v61, v3  }
0x2e0: {  	v59 =	vadd.s32 $0x1, v57;
	[tilespmem:s17+$0xFFFFFF80] =	vst v63;
	v63 =	vld [tilespmem:$0x1FF60]  }
0x2e1: {  	v4 =	vshra.s32 v4, $0x17;
	v12 =	vmul.f32 v60, v14;
	v7 =	vadd.f32 v23, v61;
	v23 =	vld [tilespmem:$0x1FF70]  }
0x2e2: {  	vm13 =	vge.f32 v43, $0.0e+00;
	v4 =	vcvt.s32.f32 v4;
	v1 =	vld.idx.msk [tilespmem:v57+s23+$0x0], $0xffff  }
0x2e3: {  	v10 =	vld.idx.msk [tilespmem:v46+s25+$0x0], $0xffff;
	v55 =	vmax.f32 v55, $0.0e+00;
	v52 =	vmul.f32 v12, v52;
	[tilespmem:s10+$0xFFFFFF90] =	vst v58;
	v15 =	vmul.f32 v9, v15  }
0x2e4: {  	v4 =	vmul.f32 $6.931471820e-01, v4;
	v55 =	vmin.f32 v55, $1.000000000e+00;
	v58 =	vmul.f32 v18, v17;
	[tilespmem:s17+$0xFFFFFF90] =	vst v62;
	v62 =	vld.idx.msk [tilespmem:v46+s29+$0x0], $0xffff  }
0x2e5: {  	v5 =	vshra.s32 v5, $0x17;
	v59 =	vld.idx.msk [tilespmem:v59+s23+$0x0], $0xffff;
	v52 =	vadd.f32 v52, v15;
	[tilespmem:s10+$0xFFFFFFA0] =	vst v63;
	v63 =	vsub.f32 $1.000000000e+00, v55  }
0x2e6: {  	v2 =	vadd.f32 v6, v2;
	v6 =	vmul.f32 v3, v45;
	v18 =	vmul.f32 v58, v18;
	[tilespmem:s17+$0xFFFFFFA0] =	vst v23;
	v23 =	vld [tilespmem:$0x1FF80]  }
0x2e7: {  	v61 =	vadd.s32 $0x1, v46;
	(erf) = vrcp.f32 v52;
	v52 =	vld [tilespmem:$0x1FF90];
	v0 =	vmul.f32 v63, v55  }
0x2e8: {  	v11 =	vsel vm13, v11, v17;
	v7 =	vadd.f32 v7, v18;
	v18 =	vmul.f32 v45, v45  }
0x2e9: {  	v17 =	vsub.f32 v43, v48;
	v45 =	vmul.f32 v10, v50;
	v50 =	vmul.f32 v0, v62;
	v62 =	vld [tilespmem:$0x1FFA0]  }
0x2ea: {  	[tilespmem:s10+$0xFFFFFFF0] =	vst v29;
	v5 =	vcvt.s32.f32 v5;
	v6 =	vadd.f32 v58, v6;
	v58 =	vmul.f32 v60, v1  }
0x2eb: {  	v2 =	vadd.f32 v2, v4;
	v11 =	vmul.f32 v11, v17;
	v7 =	vmul.f32 v7, v18;
	[tilespmem:s10+$0xFFFFFFB0] =	vst v23  }
0x2ec: {  	v29 =	vmul.f32 $6.931471820e-01, v5;
	v4 =	vpop (erf);
	v18 =	vmul.f32 v14, v59;
	v23 =	vadd.f32 v15, v15;
	[tilespmem:s17+$0xFFFFFFB0] =	vst v52;
	v52 =	vld.idx.msk [tilespmem:v61+s23+$0x0], $0xffff  }
0x2ed: {  	v3 =	vmul.f32 v6, v3;
	v50 =	vadd.f32 v50, v45;
	v61 =	vmul.f32 v4, v4  }
0x2ee: {  	v18 =	vmul.f32 v18, v14;
	v12 =	vmul.f32 v12, v23;
	v23 =	vld.idx.msk [tilespmem:v46+s23+$0x0], $0xffff;
	[tilespmem:s10+$0xFFFFFFC0] =	vst v62  }
0x2ef: {  	v16 =	vld.idx.msk [tilespmem:v16+s30+$0x0], $0xffff;
	(erf) = vrcp.f32 v50;
	v7 =	vmul.f32 v61, v7;
	[tilespmem:s17+$0xFFFFFFC0] =	vst v24  }
0x2f0: {  	v24 =	vld.idx.msk [tilespmem:v54+s22+$0x0], $0xffff;
	v62 =	vadd.f32 v12, v18;
	v12 =	vmul.f32 v58, v60;
	v54 =	vadd.f32 v45, v45  }
0x2f1: {  	v3 =	vmul.f32 v4, v3;
	v50 =	vmul.f32 v55, v52  }
0x2f2: {  	[tilespmem:s10+$0xFFFFFFD0] =	vst v25;
	v18 =	vshrl.u32 v7, $0x10;
	v6 =	vadd.f32 v62, v12;
	v0 =	vmul.f32 v0, v54  }
0x2f3: {  	[tilespmem:s10+$0xFFFFFFE0] =	vst v27;
	v18 =	vand.u32 $0x7F, v18;
	v12 =	vmul.f32 v63, v23;
	v25 =	vmul.f32 v50, v55  }
0x2f4: {  	[tilespmem:s10+$0x0] =	vst v31;
	v16 =	vadd.f32 v19, v16;
	v31 =	vmul.f32 v45, v45;
	v60 =	vmul.f32 v15, v15  }
0x2f5: {  	[tilespmem:s17+$0xFFFFFFE0] =	vst v28;
	v48 =	vmul.f32 v55, v45;
	v61 =	vpop (erf);
	v28 =	vmul.f32 v12, v63;
	v0 =	vadd.f32 v0, v25  }
0x2f6: {  	[tilespmem:s17+$0xFFFFFFF0] =	vst v30;
	vm14 =	vge.f32 v21, $0.0e+00;
	v62 =	vmul.f32 v61, v61;
	v6 =	vmul.f32 v6, v60  }
0x2f7: {  	[tilespmem:s10+$0x10] =	vst v33;
	v3 =	vmul.f32 v3, v51;
	v4 =	vadd.f32 v16, v29;
	v0 =	vadd.f32 v0, v28  }
0x2f8: {  	[tilespmem:s17+$0x10] =	vst v34;
	v15 =	vmul.f32 v14, v15;
	v34 =	vand.u32 $0xFFFF, v7;
	v30 =	vmul.f32 v62, v6;
	v16 =	vld.idx.msk [tilespmem:v18+s31+$0x0], $0xffff;
	v19 =	vpop (erf)  }
0x2f9: {  	[tilespmem:s17+$0x0] =	vst v32;
	v20 =	vadd.f32 v20, v24;
	v32 =	vmul.f32 v19, v19;
	v0 =	vmul.f32 v0, v31  }
0x2fa: {  	[tilespmem:s10+$0x20] =	vst v35;
	v33 =	vld.idx.msk [tilespmem:v56+s22+$0x0], $0xffff;
	v7 =	vshra.s32 v7, $0x17;
	v35 =	vcvt.s32.f32 v34;
	v15 =	vadd.f32 v58, v15  }
0x2fb: {  	[tilespmem:s17+$0xFFFFFFD0] =	vst v26;
	v13 =	vadd.f32 v20, v13;
	v20 =	vshrl.u32 v30, $0x10;
	v0 =	vmul.f32 v32, v0  }
0x2fc: {  	[tilespmem:s17+$0x20] =	vst v36;
	v14 =	vmul.f32 v15, v14;
	v50 =	vadd.f32 v12, v48;
	v20 =	vand.u32 $0x7F, v20  }
0x2fd: {  	[tilespmem:s10+$0x30] =	vst v38;
	v18 =	vld.idx.msk [tilespmem:v18+s30+$0x0], $0xffff;
	v12 =	vand.u32 $0xFFFF, v30;
	v6 =	vmul.f32 v35, v16;
	v16 =	vshrl.u32 v0, $0x10  }
0x2fe: {  	[tilespmem:s17+$0x30] =	vst v37;
	v54 =	vcvt.s32.f32 v12;
	v12 =	vsub.f32 v21, v47;
	v16 =	vand.u32 $0x7F, v16  }
0x2ff: {  	[tilespmem:s10+$0x40] =	vst v39;
	v1 =	vsel vm14, v59, v1;
	v3 =	vadd.f32 v3, v33;
	v7 =	vcvt.s32.f32 v7;
	v15 =	vld.idx.msk [tilespmem:v57+s22+$0x0], $0xffff  }
0x300: {  	[tilespmem:s17+$0x40] =	vst v41;
	v14 =	vmul.f32 v61, v14;
	v1 =	vmul.f32 v1, v12;
	v12 =	vld.idx.msk [tilespmem:v46+s22+$0x0], $0xffff  }
0x301: {  	[tilespmem:s10+$0x50] =	vst v40;
	v3 =	vadd.f32 v3, v11;
	v11 =	vmul.f32 v50, v55;
	v17 =	vld.idx.msk [tilespmem:v20+s31+$0x0], $0xffff  }
0x302: {  	[tilespmem:s17+$0x50] =	vst v44;
	v7 =	vmul.f32 $6.931471820e-01, v7;
	v51 =	vmul.f32 v14, v9;
	v6 =	vadd.f32 v6, v18;
	v18 =	vld.idx.msk [tilespmem:v20+s30+$0x0], $0xffff  }
0x303: {  	vm15 =	vge.f32 v42, $0.0e+00;
	[tilespmem:s10+$0x60] =	vst v53;
	v58 =	vsub.f32 v42, v49;
	v11 =	vmul.f32 v19, v11;
	v14 =	vld.idx.msk [tilespmem:v16+s31+$0x0], $0xffff  }
0x304: {  	[tilespmem:s17+$0x60] =	vst v22;
	v6 =	vadd.f32 v6, v7;
	v7 =	vadd.f32 v51, v15;
	v15 =	vand.u32 $0xFFFF, v0  }
0x305: {  	[tilespmem:s10+$0x70] =	vst v8;
	v59 =	vsel vm15, v52, v23;
	v57 =	vmul.f32 v11, v10;
	v56 =	vcvt.s32.f32 v15;
	v15 =	vld.idx.msk [tilespmem:v16+s30+$0x0], $0xffff  }
0x306: {  	[tilespmem:s17+$0x70] =	vst v2;
	v60 =	vmul.f32 v59, v58;
	v5 =	vshra.s32 v30, $0x17;
	v9 =	vmul.f32 v54, v17  }
0x307: {  	[tilespmem:s10+$0x90] =	vst v3;
	v5 =	vcvt.s32.f32 v5;
	v0 =	vshra.s32 v0, $0x17;
	v2 =	vadd.f32 v57, v12  }
0x308: {  	s20 =	sadd.s32 $0x180, s20;
	[tilespmem:s10+$0x80] =	vst v13;
	v0 =	vcvt.s32.f32 v0;
	v55 =	vadd.f32 v9, v18;
	v9 =	vmul.f32 v56, v14  }
0x309: {  	p0 =	slt.u32 s20, $0x3D80;
	[tilespmem:s17+$0x80] =	vst v4;
	v5 =	vmul.f32 $6.931471820e-01, v5;
	v1 =	vadd.f32 v7, v1  }
.Ltmp2:
0x30a: {  	[tilespmem:s17+$0x90] =	vst v6;
	v63 =	vadd.f32 v2, v60;
	v17 =	vld [tilespmem:$0x1FFE0];
	v0 =	vmul.f32 $6.931471820e-01, v0;
	v62 =	vadd.f32 v9, v15;
	(pc) =	sbr.rel @p0 .LBB2_3-.Ltmp2, $4  }
0x30b: {  	v16 =	vld [tilespmem:$0x1FFD0];
	[tilespmem:s10+$0xA0] =	vst v1;
	v61 =	vadd.f32 v55, v5  }
0x30c: {  	s15 =	simm.s32 $0x3EF0;
	[tilespmem:s10+$0xB0] =	vst v63;
	v18 =	vld [tilespmem:$0x1FFF0];
	v0 =	vadd.f32 v62, v0  }
0x30d: {  	s21 =	simm.s32 $0x14780;
	s7 =	simm.s32 $0xC780;
	s0 =	simm.s32 $0x4780;
	v14 =	vld [tilespmem:$0x1FFB0];
	[tilespmem:s17+$0xA0] =	vst v61  }
0x30e: {  	s11 =	sadd.s32 $0x180, s11;
	v13 =	vimm.s32 $0x0;
	s10 =	sadd.s32 $0x180, s10;
	v15 =	vld [tilespmem:$0x1FFC0];
	[tilespmem:s17+$0xB0] =	vst v0;
	s17 =	sadd.s32 $0x180, s17  }
.LBB2_4:
0x30f: {  	v0 =	vld [tilespmem:s0+$0x0];
	_ =	sdelay $0x4  }
0x310: {  	v1 =	vmax.f32 v0, $-5.000000000e+00  }
0x311: {  	v1 =	vmin.f32 v1, $5.000000000e+00  }
0x312: {  	vm0 =	vle.f32 v18, v1  }
0x313: {  	v2 =	vsel vm0, $0x8, v13  }
0x314: {  	v3 =	vor.u32 $0x4, v2  }
0x315: {  	v4 =	vperm.xlane v14, v3;
	_ =	sdelay $0x1  }
0x316: {  	vm10 =	vle.f32 v4, v1  }
0x317: {  	v2 =	vsel vm10, v3, v2  }
0x318: {  	v3 =	vor.u32 $0x2, v2  }
0x319: {  	v45 =	vperm.xlane v14, v3;
	_ =	sdelay $0x1  }
0x31a: {  	vm11 =	vle.f32 v45, v1  }
0x31b: {  	v2 =	vsel vm11, v3, v2  }
0x31c: {  	v3 =	vor.u32 $0x1, v2  }
0x31d: {  	v46 =	vperm.xlane v14, v3;
	_ =	sdelay $0x1  }
0x31e: {  	vm12 =	vle.f32 v46, v1  }
0x31f: {  	v2 =	vsel vm12, v3, v2  }
0x320: {  	v3 =	vperm.xlane v15, v2  }
0x321: {  	v47 =	vperm.xlane v17, v2;
	v5 =	vperm.xlane v16, v2  }
0x322: {  	vm13 =	vle.f32 v3, v1  }
0x323: {  	v3 =	vsel vm13, v47, v5  }
0x324: {  	vm1 =	vle.f32 v3, v1  }
0x325: {  	v48 =	vsel vm13, $0x4, v13;
	v49 =	vsel vm1, $0x2, v13  }
0x326: {  	v2 =	vshll.u32 v2, $0x3;
	v3 =	vor.u32 v49, v48  }
0x327: {  	v2 =	vor.u32 v2, v3  }
0x328: {  	v3 =	vor.u32 $0x1, v2;
	_ =	sdelay $0x4  }
0x329: {  	v50 =	vld.idx.msk [tilespmem:v3+s5+$0x0], $0xffff;
	_ =	sdelay $0x4  }
0x32a: {  	vm14 =	vle.f32 v50, v1  }
0x32b: {  	v2 =	vsel vm14, v3, v2;
	_ =	sdelay $0x4  }
0x32c: {  	v3 =	vld.idx.msk [tilespmem:v2+s24+$0x0], $0xffff;
	_ =	sdelay $0x1  }
0x32d: {  	v51 =	vld.idx.msk [tilespmem:v2+s26+$0x0], $0xffff;
	_ =	sdelay $0x2  }
0x32e: {  	v52 =	vmul.f32 v3, v1;
	_ =	sdelay $0x1  }
0x32f: {  	v4 =	vadd.f32 v52, v51;
	_ =	sdelay $0x1  }
0x330: {  	v53 =	vld.idx.msk [tilespmem:v2+s25+$0x0], $0xffff;
	v4 =	vmax.f32 v4, $0.0e+00  }
0x331: {  	v6 =	vld.idx.msk [tilespmem:v2+s29+$0x0], $0xffff;
	v4 =	vmin.f32 v4, $1.000000000e+00  }
0x332: {  	v7 =	vadd.s32 $0x1, v2;
	v8 =	vsub.f32 $1.000000000e+00, v4;
	_ =	sdelay $0x1  }
0x333: {  	v9 =	vmul.f32 v8, v4;
	_ =	sdelay $0x1  }
0x334: {  	v3 =	vmul.f32 v53, v3;
	v6 =	vmul.f32 v9, v6  }
0x335: {  	v7 =	vld.idx.msk [tilespmem:v7+s23+$0x0], $0xffff  }
0x336: {  	v10 =	vld.idx.msk [tilespmem:v2+s23+$0x0], $0xffff;
	v6 =	vadd.f32 v6, v3;
	_ =	sdelay $0x1  }
0x337: {  	(erf) = vrcp.f32 v6;
	_ =	sdelay $0x1  }
0x338: {  	v11 =	vadd.f32 v3, v3;
	v54 =	vmul.f32 v4, v7  }
0x339: {  	v12 =	vmul.f32 v8, v10  }
0x33a: {  	v9 =	vmul.f32 v9, v11;
	v6 =	vmul.f32 v54, v4;
	_ =	sdelay $0x1  }
0x33b: {  	v8 =	vmul.f32 v12, v8;
	v6 =	vadd.f32 v9, v6;
	_ =	sdelay $0x1  }
0x33c: {  	v55 =	vmul.f32 v3, v3;
	v6 =	vadd.f32 v6, v8  }
0x33d: {  	v56 =	vpop (erf)  }
0x33e: {  	v6 =	vmul.f32 v6, v55;
	v57 =	vmul.f32 v56, v56;
	_ =	sdelay $0x1  }
0x33f: {  	v6 =	vmul.f32 v57, v6;
	_ =	sdelay $0x1  }
0x340: {  	v9 =	vshrl.u32 v6, $0x10  }
0x341: {  	v9 =	vand.u32 $0x7F, v9  }
0x342: {  	v3 =	vmul.f32 v4, v3;
	_ =	sdelay $0x1  }
0x343: {  	v3 =	vadd.f32 v12, v3;
	_ =	sdelay $0x1  }
0x344: {  	v3 =	vmul.f32 v3, v4;
	v58 =	vld.idx.msk [tilespmem:v9+s31+$0x0], $0xffff  }
0x345: {  	v2 =	vld.idx.msk [tilespmem:v2+s22+$0x0], $0xffff  }
0x346: {  	v3 =	vmul.f32 v56, v3;
	v59 =	vand.u32 $0xFFFF, v6;
	v9 =	vld.idx.msk [tilespmem:v9+s30+$0x0], $0xffff  }
0x347: {  	vm15 =	vge.f32 v0, $0.0e+00;
	v60 =	vcvt.s32.f32 v59  }
0x348: {  	v0 =	vsub.f32 v0, v1;
	v3 =	vmul.f32 v3, v53;
	v61 =	vshra.s32 v6, $0x17  }
0x349: {  	s15 =	sadd.s32 $0x10, s15;
	v62 =	vsel vm15, v7, v10;
	v1 =	vcvt.s32.f32 v61;
	v4 =	vmul.f32 v60, v58  }
0x34a: {  	p0 =	slt.u32 s15, $0x3FF0;
	v0 =	vmul.f32 v62, v0;
	v2 =	vadd.f32 v3, v2  }
.Ltmp3:
0x34b: {  	v1 =	vmul.f32 $6.931471820e-01, v1;
	v63 =	vadd.f32 v4, v9;
	(pc) =	sbr.rel @p0 .LBB2_4-.Ltmp3, $4  }
0x34c: {  	v0 =	vadd.f32 v2, v0  }
0x34d: {  	v1 =	vadd.f32 v63, v1  }
0x34e: {  	[tilespmem:s7+$0x0] =	vst v0  }
0x34f: {  	s0 =	sadd.s32 $0x10, s0;
	s7 =	sadd.s32 $0x10, s7;
	[tilespmem:s21+$0x0] =	vst v1;
	s21 =	sadd.s32 $0x10, s21  }
0x350: {  	s0 =	sshrl.u32 s18, $0x3;
	p0 =	seq.s32 s16, $0x7  }
0x351: {  	s10 =	simm.s32 $0x8880;
	s7 =	sadd.s32 s3, s0;
	p1 =	seq.s32 @!p0 s16, $0x0  }
0x352: {  	[hbm4b:s7+s5] =	stream.linear.scatter [tilespmem:s10], [sflag:$0x3], $0x4000, $0x38;
	[tilespmem:$0x18880] =	vst v63  }
0x353: {  	s0 =	sadd.s32 s4, s0;
	p1 =	por p0, !p1  }
0x354: {  	[hbm4b:s0+s5] =	stream.linear.scatter [tilespmem:s2], [sflag:$0x5], $0x4000, $0x38;
	[tilespmem:$0x18880] =	vst v63  }
.Ltmp4:
0x355: {  	_ = 	snop;
	(pc) =	sbr.rel @!p1 .LBB2_7-.Ltmp4, $4  }
0x356: {  	s0 =	sshrl.u32 @!p0 s18, $0x3  }
0x357: {  	s7 =	simm.s32 @!p0 $0x0;
	s0 =	sadd.s32 @!p0 s1, s0  }
0x358: {  	s10 =	simm.s32 @!p0 $0x880;
	s18 =	sor.u32 @!p0 $0x4000, s18;
	s0 =	sadd.s32 @!p0 $0x1000, s0  }
0x359: {  	[tilespmem:s10], [sflag:$0x1] =	stream.linear.gather @!p0 [hbm4b:s0+s7], $0x4000, $0x38;
	[tilespmem:$0x18880] =	vst v63  }
0x35a: {  	_ =	swait.ge [sflag:s12], $0x4000  }
0x35b: {  	[sflag:s12] =	ssyncset.done $0x0  }
0x35c: {  	[sflag:s12] =	ssyncadd.s32 $0xFFFFC000  }
0x35d: {  	_ =	swait.ge [sflag:s13], $0x4000  }
0x35e: {  	[sflag:s13] =	ssyncset.done $0x0  }
0x35f: {  	s18 =	smov.u32 @p0 s19;
	[sflag:s13] =	ssyncadd.s32 $0xFFFFC000  }
.LBB2_7:
0x360: {  	_ =	swait.ge [sflag:s6], $0x4000  }
0x361: {  	s20 =	simm.s32 $0xFFFFFE80;
	s17 =	simm.s32 $0x14940;
	[sflag:s6] =	ssyncset.done $0x0  }
0x362: {  	s10 =	simm.s32 $0xC940;
	s11 =	simm.s32 $0x4940;
	[sflag:s6] =	ssyncadd.s32 $0xFFFFC000  }
.LBB2_8:
0x363: {  	v7 =	vld [tilespmem:s11+$0xFFFFFF40];
	_ =	sdelay $0x4  }
0x364: {  	v0 =	vmax.f32 v7, $-5.000000000e+00  }
0x365: {  	v8 =	vmin.f32 v0, $5.000000000e+00  }
0x366: {  	vm0 =	vle.f32 v18, v8  }
0x367: {  	v28 =	vsel vm0, $0x8, v13  }
0x368: {  	v1 =	vor.u32 $0x4, v28  }
0x369: {  	v2 =	vperm.xlane v14, v1;
	_ =	sdelay $0x1  }
0x36a: {  	vm6 =	vle.f32 v2, v8  }
0x36b: {  	v0 =	vsel vm6, v1, v28  }
0x36c: {  	v1 =	vor.u32 $0x2, v0  }
0x36d: {  	v29 =	vperm.xlane v14, v1;
	_ =	sdelay $0x1  }
0x36e: {  	vm7 =	vle.f32 v29, v8  }
0x36f: {  	v0 =	vsel vm7, v1, v0  }
0x370: {  	v1 =	vor.u32 $0x1, v0  }
0x371: {  	v30 =	vperm.xlane v14, v1;
	_ =	sdelay $0x1  }
0x372: {  	vm8 =	vle.f32 v30, v8  }
0x373: {  	v0 =	vsel vm8, v1, v0  }
0x374: {  	v1 =	vperm.xlane v15, v0  }
0x375: {  	v31 =	vperm.xlane v17, v0;
	v3 =	vperm.xlane v16, v0  }
0x376: {  	vm9 =	vle.f32 v1, v8  }
0x377: {  	v1 =	vsel vm9, v31, v3  }
0x378: {  	vm1 =	vle.f32 v1, v8  }
0x379: {  	v32 =	vsel vm9, $0x4, v13;
	v33 =	vsel vm1, $0x2, v13  }
0x37a: {  	v9 =	vld [tilespmem:s11+$0xFFFFFF50];
	v0 =	vshll.u32 v0, $0x3;
	v1 =	vor.u32 v33, v32  }
0x37b: {  	v0 =	vor.u32 v0, v1  }
0x37c: {  	v1 =	vor.u32 $0x1, v0;
	_ =	sdelay $0x2  }
0x37d: {  	v34 =	vmax.f32 v9, $-5.000000000e+00  }
0x37e: {  	v10 =	vmin.f32 v34, $5.000000000e+00  }
0x37f: {  	vm10 =	vle.f32 v18, v10;
	v35 =	vld.idx.msk [tilespmem:v1+s5+$0x0], $0xffff  }
0x380: {  	v36 =	vsel vm10, $0x8, v13  }
0x381: {  	v4 =	vor.u32 $0x4, v36  }
0x382: {  	v5 =	vperm.xlane v14, v4;
	_ =	sdelay $0x1  }
0x383: {  	vm11 =	vle.f32 v5, v10;
	vm12 =	vle.f32 v35, v8  }
0x384: {  	v37 =	vsel vm11, v4, v36;
	v0 =	vsel vm12, v1, v0  }
0x385: {  	v38 =	vor.u32 $0x2, v37  }
0x386: {  	v39 =	vperm.xlane v14, v38;
	_ =	sdelay $0x1  }
0x387: {  	vm13 =	vle.f32 v39, v10  }
0x388: {  	v1 =	vsel vm13, v38, v37;
	v40 =	vld.idx.msk [tilespmem:v0+s24+$0x0], $0xffff  }
0x389: {  	v41 =	vor.u32 $0x1, v1  }
0x38a: {  	v42 =	vperm.xlane v14, v41;
	v43 =	vld.idx.msk [tilespmem:v0+s26+$0x0], $0xffff;
	_ =	sdelay $0x1  }
0x38b: {  	vm14 =	vle.f32 v42, v10  }
0x38c: {  	v1 =	vsel vm14, v41, v1;
	v44 =	vmul.f32 v40, v8  }
0x38d: {  	v45 =	vperm.xlane v15, v1  }
0x38e: {  	v6 =	vperm.xlane v17, v1;
	v11 =	vperm.xlane v16, v1;
	v3 =	vadd.f32 v44, v43  }
0x38f: {  	v46 =	vld.idx.msk [tilespmem:v0+s25+$0x0], $0xffff;
	vm15 =	vle.f32 v45, v10  }
0x390: {  	v4 =	vsel vm15, v6, v11;
	v11 =	vld [tilespmem:s11+$0xFFFFFF60];
	v3 =	vmax.f32 v3, $0.0e+00  }
0x391: {  	v12 =	vld.idx.msk [tilespmem:v0+s29+$0x0], $0xffff;
	v3 =	vmin.f32 v3, $1.000000000e+00  }
0x392: {  	vm4 =	vle.f32 v4, v10;
	v49 =	vsub.f32 $1.000000000e+00, v3  }
0x393: {  	v47 =	vsel vm15, $0x4, v13;
	v48 =	vsel vm4, $0x2, v13  }
0x394: {  	v1 =	vshll.u32 v1, $0x3;
	v5 =	vor.u32 v48, v47;
	v14 =	vmul.f32 v49, v3  }
0x395: {  	v19 =	vld [tilespmem:$0x1FFB0];
	v2 =	vmul.f32 v46, v40;
	v1 =	vor.u32 v5, v1;
	v13 =	vmax.f32 v11, $-5.000000000e+00  }
0x396: {  	v5 =	vor.u32 $0x1, v1;
	v13 =	vmin.f32 v13, $5.000000000e+00;
	v12 =	vmul.f32 v14, v12  }
0x397: {  	v15 =	vimm.s32 $0x0;
	vm5 =	vle.f32 v18, v13  }
0x398: {  	v15 =	vsel vm5, $0x8, v15;
	v12 =	vadd.f32 v12, v2  }
0x399: {  	v20 =	vld.idx.msk [tilespmem:v0+s23+$0x0], $0xffff;
	v16 =	vadd.s32 $0x1, v0;
	v17 =	vor.u32 $0x4, v15  }
0x39a: {  	v19 =	vperm.xlane v19, v17;
	(erf) = vrcp.f32 v12;
	v12 =	vld [tilespmem:$0x1FFB0]  }
0x39b: {  	v18 =	vld.idx.msk [tilespmem:v5+s5+$0x0], $0xffff  }
0x39c: {  	vm6 =	vle.f32 v19, v13  }
0x39d: {  	v15 =	vsel vm6, v17, v15  }
0x39e: {  	v16 =	vld.idx.msk [tilespmem:v16+s23+$0x0], $0xffff;
	v17 =	vor.u32 $0x2, v15  }
0x39f: {  	v12 =	vperm.xlane v12, v17  }
0x3a0: {  	v19 =	vmul.f32 v3, v2;
	vm7 =	vle.f32 v18, v10;
	v18 =	vmul.f32 v49, v20  }
0x3a1: {  	vm8 =	vle.f32 v12, v13;
	v12 =	vld [tilespmem:s11+$0xFFFFFF70]  }
0x3a2: {  	v1 =	vsel vm7, v5, v1;
	v50 =	vadd.f32 v18, v19  }
0x3a3: {  	v19 =	vadd.f32 v2, v2;
	v15 =	vsel vm8, v17, v15;
	v17 =	vmul.f32 v3, v16  }
0x3a4: {  	v5 =	vmul.f32 v50, v3  }
0x3a5: {  	v14 =	vmul.f32 v14, v19;
	v3 =	vmul.f32 v17, v3  }
0x3a6: {  	v22 =	vld [tilespmem:$0x1FFB0];
	v19 =	vmax.f32 v12, $-5.000000000e+00  }
0x3a7: {  	v3 =	vadd.f32 v14, v3;
	v14 =	vmin.f32 v19, $5.000000000e+00;
	v19 =	vld [tilespmem:$0x1FFF0]  }
0x3a8: {  	v17 =	vld.idx.msk [tilespmem:v1+s24+$0x0], $0xffff  }
0x3a9: {  	v6 =	vmul.f32 v18, v49;
	v18 =	vld [tilespmem:$0x1FFC0]  }
0x3aa: {  	v51 =	vld.idx.msk [tilespmem:v1+s26+$0x0], $0xffff;
	v21 =	vor.u32 $0x1, v15  }
0x3ab: {  	v52 =	vld [tilespmem:$0x1FFD0];
	v24 =	vimm.s32 $0x0;
	v22 =	vperm.xlane v22, v21  }
0x3ac: {  	v2 =	vmul.f32 v2, v2;
	v3 =	vadd.f32 v3, v6;
	vm10 =	vle.f32 v19, v14;
	v19 =	vld [tilespmem:$0x1FFE0]  }
0x3ad: {  	v55 =	vimm.s32 $0x0;
	v23 =	vpop (erf);
	vm9 =	vle.f32 v22, v13;
	v25 =	vmul.f32 v17, v10  }
0x3ae: {  	v53 =	vld [tilespmem:$0x1FFB0];
	v60 =	vmul.f32 v23, v23;
	v15 =	vsel vm9, v21, v15;
	v2 =	vmul.f32 v3, v2  }
0x3af: {  	vm15 =	vge.f32 v7, $0.0e+00;
	v18 =	vperm.xlane v18, v15;
	v54 =	vadd.f32 v25, v51  }
0x3b0: {  	v7 =	vsub.f32 v7, v8;
	v21 =	vperm.xlane v52, v15;
	v2 =	vmul.f32 v60, v2  }
0x3b1: {  	v24 =	vsel vm10, $0x8, v24;
	v6 =	vmax.f32 v54, $0.0e+00;
	v19 =	vperm.xlane v19, v15  }
0x3b2: {  	vm11 =	vle.f32 v18, v13;
	v18 =	vor.u32 $0x4, v24;
	v6 =	vmin.f32 v6, $1.000000000e+00  }
0x3b3: {  	v59 =	vld [tilespmem:$0x1FFB0];
	v29 =	vshrl.u32 v2, $0x10;
	v19 =	vsel vm11, v19, v21;
	v21 =	vperm.xlane v53, v18  }
0x3b4: {  	v8 =	vand.u32 $0x7F, v29;
	vm12 =	vle.f32 v19, v13;
	v19 =	vimm.s32 $0x0  }
0x3b5: {  	v56 =	vld.idx.msk [tilespmem:v1+s25+$0x0], $0xffff;
	v19 =	vsel vm11, $0x4, v19;
	v22 =	vsel vm12, $0x2, v55;
	vm13 =	vle.f32 v21, v14  }
0x3b6: {  	v57 =	vld.idx.msk [tilespmem:v1+s29+$0x0], $0xffff;
	v15 =	vshll.u32 v15, $0x3;
	v19 =	vor.u32 v22, v19;
	v18 =	vsel vm13, v18, v24  }
0x3b7: {  	v28 =	vld [tilespmem:$0x1FFB0];
	v61 =	vsub.f32 $1.000000000e+00, v6;
	v15 =	vor.u32 v19, v15;
	v19 =	vor.u32 $0x2, v18  }
0x3b8: {  	v31 =	vld [tilespmem:$0x1FFC0];
	v30 =	vadd.s32 $0x1, v1;
	v25 =	vperm.xlane v59, v19  }
0x3b9: {  	v0 =	vld.idx.msk [tilespmem:v0+s22+$0x0], $0xffff;
	v16 =	vsel vm15, v16, v20;
	v62 =	vmul.f32 v61, v6;
	v58 =	vor.u32 $0x1, v15  }
0x3ba: {  	v7 =	vmul.f32 v16, v7;
	v16 =	vld.idx.msk [tilespmem:v1+s23+$0x0], $0xffff;
	v5 =	vmul.f32 v23, v5;
	vm14 =	vle.f32 v25, v14  }
0x3bb: {  	v17 =	vmul.f32 v56, v17;
	v34 =	vld.idx.msk [tilespmem:v8+s31+$0x0], $0xffff;
	v63 =	vsel vm14, v19, v18;
	v19 =	vmul.f32 v62, v57  }
0x3bc: {  	v4 =	vmul.f32 v5, v46;
	v8 =	vld.idx.msk [tilespmem:v8+s30+$0x0], $0xffff;
	v18 =	vor.u32 $0x1, v63  }
0x3bd: {  	v25 =	vld.idx.msk [tilespmem:v30+s23+$0x0], $0xffff;
	v22 =	vperm.xlane v28, v18;
	v19 =	vadd.f32 v19, v17  }
0x3be: {  	v0 =	vadd.f32 v4, v0;
	v32 =	vshra.s32 v2, $0x17;
	v2 =	vand.u32 $0xFFFF, v2;
	v20 =	vld.idx.msk [tilespmem:v58+s5+$0x0], $0xffff  }
0x3bf: {  	v2 =	vcvt.s32.f32 v2;
	vm4 =	vle.f32 v22, v14;
	(erf) = vrcp.f32 v19;
	v19 =	vld [tilespmem:$0x1FFD0]  }
0x3c0: {  	v27 =	vadd.f32 v17, v17;
	v5 =	vsel vm4, v18, v63;
	v18 =	vld [tilespmem:$0x1FFE0]  }
0x3c1: {  	v47 =	vimm.s32 $0x0;
	v0 =	vadd.f32 v0, v7;
	v2 =	vmul.f32 v2, v34  }
0x3c2: {  	v33 =	vcvt.s32.f32 v32;
	v3 =	vmul.f32 v62, v27;
	vm11 =	vge.f32 v9, $0.0e+00  }
0x3c3: {  	v9 =	vsub.f32 v9, v10;
	v2 =	vadd.f32 v2, v8;
	v36 =	vmul.f32 v6, v25  }
0x3c4: {  	v59 =	vsel vm11, v25, v16;
	vm11 =	vge.f32 v11, $0.0e+00;
	v4 =	vperm.xlane v31, v5  }
0x3c5: {  	vm5 =	vle.f32 v20, v13;
	v20 =	vperm.xlane v19, v5;
	v18 =	vperm.xlane v18, v5  }
0x3c6: {  	v11 =	vsub.f32 v11, v13;
	vm6 =	vle.f32 v4, v14;
	v19 =	vsel vm5, v58, v15  }
0x3c7: {  	v9 =	vmul.f32 v59, v9;
	v38 =	vmul.f32 v36, v6;
	v15 =	vsel vm6, v18, v20  }
0x3c8: {  	v45 =	vld [tilespmem:$0x1FFF0];
	v20 =	vmul.f32 v61, v16;
	vm7 =	vle.f32 v15, v14;
	v15 =	vimm.s32 $0x0  }
0x3c9: {  	v1 =	vld.idx.msk [tilespmem:v1+s22+$0x0], $0xffff;
	v18 =	vmul.f32 v6, v17;
	v35 =	vsel vm6, $0x4, v15;
	v15 =	vimm.s32 $0x0  }
0x3ca: {  	v4 =	vmul.f32 $6.931471820e-01, v33;
	v51 =	vadd.s32 $0x1, v19;
	v26 =	vsel vm7, $0x2, v15;
	v15 =	vld [tilespmem:s11+$0xFFFFFF80]  }
0x3cb: {  	[tilespmem:$0x1FD90] =	vst v0;
	v5 =	vshll.u32 v5, $0x3;
	v18 =	vadd.f32 v20, v18;
	v28 =	vld.idx.msk [tilespmem:v19+s24+$0x0], $0xffff;
	v24 =	vor.u32 v26, v35  }
0x3cc: {  	v0 =	vadd.f32 v3, v38;
	v43 =	vmul.f32 v20, v61;
	v23 =	vld.idx.msk [tilespmem:v19+s25+$0x0], $0xffff;
	v5 =	vor.u32 v24, v5  }
0x3cd: {  	v2 =	vadd.f32 v2, v4;
	v40 =	vpop (erf);
	v39 =	vld.idx.msk [tilespmem:v19+s26+$0x0], $0xffff;
	v18 =	vmul.f32 v18, v6;
	v37 =	vor.u32 $0x1, v5  }
0x3ce: {  	v52 =	vld [tilespmem:$0x1FFB0];
	v17 =	vmul.f32 v17, v17;
	v54 =	vmul.f32 v40, v40;
	v0 =	vadd.f32 v0, v43  }
0x3cf: {  	[tilespmem:$0x1FDA0] =	vst v2;
	v2 =	vld.idx.msk [tilespmem:v51+s23+$0x0], $0xffff;
	v51 =	vimm.s32 $0x0;
	v42 =	vmul.f32 v40, v18;
	v41 =	vmax.f32 v15, $-5.000000000e+00  }
0x3d0: {  	v0 =	vmul.f32 v0, v17;
	v44 =	vmul.f32 v28, v13;
	v18 =	vmin.f32 v41, $5.000000000e+00  }
0x3d1: {  	v61 =	vmul.f32 v23, v28;
	v20 =	vmul.f32 v42, v56;
	vm8 =	vle.f32 v45, v18  }
0x3d2: {  	v0 =	vmul.f32 v54, v0;
	v49 =	vadd.f32 v44, v39;
	v46 =	vld.idx.msk [tilespmem:v37+s5+$0x0], $0xffff;
	v48 =	vsel vm8, $0x8, v47  }
0x3d3: {  	v39 =	vadd.f32 v61, v61;
	v26 =	vmul.f32 v61, v61;
	v50 =	vor.u32 $0x4, v48  }
0x3d4: {  	v57 =	vld [tilespmem:$0x1FFB0];
	v20 =	vadd.f32 v20, v1;
	v60 =	vshra.s32 v0, $0x17;
	v4 =	vperm.xlane v52, v50  }
0x3d5: {  	v17 =	vld.idx.msk [tilespmem:v19+s29+$0x0], $0xffff;
	v62 =	vshrl.u32 v0, $0x10;
	v0 =	vand.u32 $0xFFFF, v0;
	v53 =	vmax.f32 v49, $0.0e+00  }
0x3d6: {  	v25 =	vld.idx.msk [tilespmem:v19+s23+$0x0], $0xffff;
	v10 =	vcvt.s32.f32 v60;
	v1 =	vmin.f32 v53, $1.000000000e+00;
	vm9 =	vle.f32 v4, v18  }
0x3d7: {  	v16 =	vld [tilespmem:s11+$0xFFFFFF90];
	v4 =	vsub.f32 $1.000000000e+00, v1;
	vm10 =	vle.f32 v46, v14;
	v6 =	vsel vm9, v50, v48  }
0x3d8: {  	v41 =	vld [tilespmem:$0x1FFC0];
	v36 =	vmul.f32 v1, v2;
	v21 =	vsel vm10, v37, v5;
	v55 =	vor.u32 $0x2, v6  }
0x3d9: {  	v45 =	vimm.s32 $0x0;
	v56 =	vmul.f32 v4, v1;
	v37 =	vld [tilespmem:$0x1FFB0];
	v58 =	vperm.xlane v57, v55  }
0x3da: {  	v42 =	vld [tilespmem:$0x1FFF0];
	v0 =	vcvt.s32.f32 v0;
	v53 =	vimm.s32 $0x0;
	v59 =	vmul.f32 v1, v61  }
0x3db: {  	v43 =	vld [tilespmem:$0x1FFE0];
	v27 =	vmul.f32 v36, v1;
	v17 =	vmul.f32 v56, v17;
	vm12 =	vle.f32 v58, v18  }
0x3dc: {  	v44 =	vld [tilespmem:$0x1FFD0];
	v2 =	vsel vm11, v2, v25;
	v29 =	vmul.f32 v4, v25;
	v3 =	vsel vm12, v55, v6  }
0x3dd: {  	v17 =	vadd.f32 v17, v61;
	v6 =	vand.u32 $0x7F, v62;
	v63 =	vld.idx.msk [tilespmem:v21+s24+$0x0], $0xffff;
	v35 =	vor.u32 $0x1, v3  }
0x3de: {  	v48 =	vld [tilespmem:$0x1FFB0];
	v50 =	vadd.s32 $0x1, v21;
	v5 =	vmul.f32 v56, v39;
	v38 =	vperm.xlane v37, v35  }
0x3df: {  	v4 =	vmul.f32 v29, v4;
	v30 =	vld.idx.msk [tilespmem:v21+s26+$0x0], $0xffff;
	(erf) = vrcp.f32 v17;
	v17 =	vmax.f32 v16, $-5.000000000e+00  }
0x3e0: {  	v5 =	vadd.f32 v5, v27;
	v17 =	vmin.f32 v17, $5.000000000e+00;
	vm13 =	vle.f32 v38, v18  }
0x3e1: {  	v27 =	vadd.f32 v29, v59;
	vm14 =	vle.f32 v42, v17;
	v3 =	vsel vm13, v35, v3  }
0x3e2: {  	v34 =	vsel vm14, $0x8, v45;
	v57 =	vld.idx.msk [tilespmem:v6+s31+$0x0], $0xffff;
	v40 =	vmul.f32 v63, v14;
	v31 =	vperm.xlane v41, v3  }
0x3e3: {  	v32 =	vperm.xlane v43, v3;
	v33 =	vperm.xlane v44, v3;
	v46 =	vor.u32 $0x4, v34  }
0x3e4: {  	v58 =	vld [tilespmem:$0x1FFB0];
	v49 =	vperm.xlane v48, v46;
	v24 =	vadd.f32 v40, v30;
	vm15 =	vle.f32 v31, v18  }
0x3e5: {  	v4 =	vadd.f32 v5, v4;
	v6 =	vld.idx.msk [tilespmem:v6+s30+$0x0], $0xffff;
	v3 =	vshll.u32 v3, $0x3;
	v47 =	vsel vm15, v32, v33  }
0x3e6: {  	v52 =	vsel vm15, $0x4, v51;
	vm5 =	vle.f32 v49, v17;
	v24 =	vmax.f32 v24, $0.0e+00  }
0x3e7: {  	v31 =	vld.idx.msk [tilespmem:v21+s25+$0x0], $0xffff;
	vm4 =	vle.f32 v47, v18;
	v30 =	vsel vm5, v46, v34;
	v0 =	vmul.f32 v0, v57  }
0x3e8: {  	v55 =	vld.idx.msk [tilespmem:v21+s29+$0x0], $0xffff;
	v54 =	vsel vm4, $0x2, v53;
	v24 =	vmin.f32 v24, $1.000000000e+00;
	v56 =	vor.u32 $0x2, v30  }
0x3e9: {  	v40 =	vld [tilespmem:$0x1FFB0];
	v28 =	vor.u32 v54, v52;
	v35 =	vsub.f32 $1.000000000e+00, v24;
	v37 =	vperm.xlane v58, v56  }
0x3ea: {  	v1 =	vmul.f32 v27, v1;
	v0 =	vadd.f32 v0, v6;
	v6 =	vld.idx.msk [tilespmem:v21+s23+$0x0], $0xffff;
	v3 =	vor.u32 v28, v3  }
0x3eb: {  	v28 =	vld.idx.msk [tilespmem:v50+s23+$0x0], $0xffff;
	v36 =	vor.u32 $0x1, v3;
	v38 =	vmul.f32 v35, v24;
	vm6 =	vle.f32 v37, v17  }
0x3ec: {  	v4 =	vmul.f32 v4, v26;
	v60 =	vsel vm6, v56, v30;
	v30 =	vmul.f32 v31, v63;
	v63 =	vpop (erf)  }
0x3ed: {  	v45 =	vld [tilespmem:$0x1FFC0];
	v61 =	vmul.f32 v38, v55;
	v62 =	vor.u32 $0x1, v60;
	v42 =	vmul.f32 v63, v63  }
0x3ee: {  	v48 =	vld [tilespmem:$0x1FFD0];
	v1 =	vmul.f32 v63, v1;
	v41 =	vperm.xlane v40, v62;
	v44 =	vadd.f32 v30, v30  }
0x3ef: {  	v46 =	vld [tilespmem:$0x1FFE0];
	v55 =	vmul.f32 v35, v6;
	v22 =	vadd.f32 v61, v30;
	v4 =	vmul.f32 v42, v4  }
0x3f0: {  	v58 =	vimm.s32 $0x0;
	v43 =	vmul.f32 v24, v28;
	v39 =	vld.idx.msk [tilespmem:v36+s5+$0x0], $0xffff;
	v52 =	vmul.f32 v38, v44  }
0x3f1: {  	vm7 =	vle.f32 v41, v17;
	v59 =	vmul.f32 v55, v35;
	(erf) = vrcp.f32 v22  }
0x3f2: {  	v5 =	vsel vm7, v62, v60;
	v51 =	vmul.f32 v43, v24;
	v60 =	vmul.f32 $6.931471820e-01, v10  }
0x3f3: {  	v56 =	vimm.s32 $0x0;
	v62 =	vmul.f32 v30, v30;
	v32 =	vperm.xlane v45, v5  }
0x3f4: {  	v50 =	vshrl.u32 v4, $0x10;
	v47 =	vperm.xlane v46, v5;
	v49 =	vperm.xlane v48, v5  }
0x3f5: {  	v40 =	vand.u32 $0xFFFF, v4;
	vm9 =	vle.f32 v32, v17;
	vm8 =	vle.f32 v39, v18  }
0x3f6: {  	v19 =	vld.idx.msk [tilespmem:v19+s22+$0x0], $0xffff;
	v4 =	vshra.s32 v4, $0x17;
	v53 =	vsel vm9, v47, v49;
	v22 =	vsel vm8, v36, v3  }
0x3f7: {  	v54 =	vand.u32 $0x7F, v50;
	v5 =	vshll.u32 v5, $0x3;
	vm10 =	vle.f32 v53, v17  }
0x3f8: {  	v57 =	vsel vm9, $0x4, v56;
	v3 =	vadd.f32 v52, v51;
	v27 =	vsel vm10, $0x2, v58  }
0x3f9: {  	v0 =	vadd.f32 v0, v60;
	v36 =	vmul.f32 v1, v23;
	v26 =	vor.u32 v27, v57  }
0x3fa: {  	v4 =	vcvt.s32.f32 v4;
	v3 =	vadd.f32 v3, v59;
	v5 =	vor.u32 v26, v5  }
0x3fb: {  	[tilespmem:$0x1FDC0] =	vst v0;
	v0 =	vadd.f32 v36, v19;
	v19 =	vmul.f32 v24, v30;
	v63 =	vor.u32 $0x1, v5;
	v37 =	vpop (erf);
	v61 =	vld.idx.msk [tilespmem:v22+s24+$0x0], $0xffff  }
0x3fc: {  	v35 =	vadd.f32 v20, v9;
	v3 =	vmul.f32 v3, v62;
	v20 =	vld.idx.msk [tilespmem:v22+s26+$0x0], $0xffff;
	v38 =	vmul.f32 v37, v37  }
0x3fd: {  	v2 =	vmul.f32 v2, v11;
	v13 =	vcvt.s32.f32 v40;
	v43 =	vadd.f32 v55, v19;
	v25 =	vld.idx.msk [tilespmem:v22+s25+$0x0], $0xffff  }
0x3fe: {  	vm13 =	vge.f32 v12, $0.0e+00;
	v21 =	vld.idx.msk [tilespmem:v21+s22+$0x0], $0xffff;
	v4 =	vmul.f32 $6.931471820e-01, v4;
	v3 =	vmul.f32 v38, v3  }
0x3ff: {  	v56 =	vimm.s32 $0x0;
	v39 =	vld.idx.msk [tilespmem:v54+s31+$0x0], $0xffff;
	v46 =	vadd.s32 $0x1, v22;
	v45 =	vmul.f32 v43, v24  }
0x400: {  	vm9 =	vge.f32 v15, $0.0e+00;
	v42 =	vld.idx.msk [tilespmem:v63+s5+$0x0], $0xffff;
	v19 =	vshrl.u32 v3, $0x10;
	v41 =	vmul.f32 v61, v18  }
0x401: {  	v15 =	vsub.f32 v15, v18;
	v1 =	vmul.f32 v37, v45;
	v44 =	vand.u32 $0x7F, v19;
	v19 =	vld [tilespmem:s11+$0xFFFFFFA0]  }
0x402: {  	v51 =	vsub.f32 v12, v14;
	v50 =	vld.idx.msk [tilespmem:v54+s30+$0x0], $0xffff;
	v29 =	vmul.f32 v25, v61;
	v20 =	vadd.f32 v41, v20  }
0x403: {  	v52 =	vsel vm13, v28, v6;
	v55 =	vld [tilespmem:$0x1FFF0];
	v0 =	vadd.f32 v0, v2;
	v1 =	vmul.f32 v1, v31  }
0x404: {  	v13 =	vmul.f32 v13, v39;
	v27 =	vld.idx.msk [tilespmem:v46+s23+$0x0], $0xffff;
	v10 =	vadd.f32 v29, v29;
	v20 =	vmax.f32 v20, $0.0e+00  }
0x405: {  	v47 =	vld.idx.msk [tilespmem:v22+s29+$0x0], $0xffff;
	v1 =	vadd.f32 v1, v21;
	vm12 =	vle.f32 v42, v17;
	v48 =	vmin.f32 v20, $1.000000000e+00  }
0x406: {  	v62 =	vld [tilespmem:$0x1FFB0];
	v24 =	vsel vm12, v63, v5;
	v12 =	vmax.f32 v19, $-5.000000000e+00;
	v49 =	vsub.f32 $1.000000000e+00, v48  }
0x407: {  	v28 =	vld.idx.msk [tilespmem:v22+s23+$0x0], $0xffff;
	v5 =	vmul.f32 v52, v51;
	v20 =	vmin.f32 v12, $5.000000000e+00;
	v12 =	vshra.s32 v3, $0x17  }
0x408: {  	v3 =	vand.u32 $0xFFFF, v3;
	vm14 =	vle.f32 v55, v20;
	v14 =	vmul.f32 v49, v48  }
0x409: {  	v42 =	vld [tilespmem:$0x1FFB0];
	v8 =	vmul.f32 v48, v27;
	v9 =	vmul.f32 v48, v29;
	v57 =	vsel vm14, $0x8, v56  }
0x40a: {  	v53 =	vld.idx.msk [tilespmem:v44+s31+$0x0], $0xffff;
	v3 =	vcvt.s32.f32 v3;
	v60 =	vor.u32 $0x4, v57;
	v54 =	vmul.f32 v14, v47  }
0x40b: {  	v61 =	vcvt.s32.f32 v12;
	v12 =	vadd.f32 v13, v50;
	v59 =	vld.idx.msk [tilespmem:v24+s24+$0x0], $0xffff;
	v2 =	vperm.xlane v62, v60  }
0x40c: {  	v21 =	vld [tilespmem:s11+$0xFFFFFFB0];
	v55 =	vimm.s32 $0x0;
	v13 =	vmul.f32 v49, v28;
	v58 =	vadd.f32 v54, v29  }
0x40d: {  	v26 =	vmul.f32 v8, v48;
	v4 =	vadd.f32 v12, v4;
	v63 =	vld.idx.msk [tilespmem:v24+s26+$0x0], $0xffff;
	vm15 =	vle.f32 v2, v20  }
0x40e: {  	[tilespmem:$0x1FDD0] =	vst v0;
	v23 =	vld.idx.msk [tilespmem:v44+s30+$0x0], $0xffff;
	v0 =	vmul.f32 $6.931471820e-01, v61;
	v30 =	vsel vm15, v60, v57;
	(erf) = vrcp.f32 v58  }
0x40f: {  	v3 =	vmul.f32 v3, v53;
	v41 =	vmul.f32 v14, v10;
	v40 =	vor.u32 $0x2, v30  }
0x410: {  	v45 =	vld [tilespmem:$0x1FFB0];
	v62 =	vadd.s32 $0x1, v24;
	v11 =	vmul.f32 v59, v17;
	v14 =	vperm.xlane v42, v40  }
0x411: {  	[tilespmem:$0x1FDE0] =	vst v4;
	v2 =	vadd.f32 v13, v9;
	v4 =	vadd.f32 v41, v26;
	v13 =	vmul.f32 v13, v49;
	v57 =	vld [tilespmem:$0x1FFF0]  }
0x412: {  	v6 =	vadd.f32 v11, v63;
	vm4 =	vle.f32 v14, v20;
	v14 =	vmul.f32 v29, v29;
	v29 =	vld.idx.msk [tilespmem:v24+s25+$0x0], $0xffff  }
0x413: {  	v3 =	vadd.f32 v3, v23;
	v54 =	vmax.f32 v21, $-5.000000000e+00;
	v43 =	vsel vm4, v40, v30  }
0x414: {  	v51 =	vld [tilespmem:$0x1FFD0];
	v26 =	vmin.f32 v54, $5.000000000e+00;
	v6 =	vmax.f32 v6, $0.0e+00;
	v30 =	vor.u32 $0x1, v43  }
0x415: {  	v4 =	vadd.f32 v4, v13;
	v13 =	vld.idx.msk [tilespmem:v24+s29+$0x0], $0xffff;
	v6 =	vmin.f32 v6, $1.000000000e+00;
	v46 =	vperm.xlane v45, v30  }
0x416: {  	v9 =	vld [tilespmem:$0x1FFB0];
	v2 =	vmul.f32 v2, v48;
	vm8 =	vle.f32 v57, v26;
	v33 =	vsub.f32 $1.000000000e+00, v6  }
0x417: {  	v47 =	vld [tilespmem:$0x1FFC0];
	v4 =	vmul.f32 v4, v14;
	vm5 =	vle.f32 v46, v20;
	v32 =	vmul.f32 v29, v59;
	v44 =	vpop (erf)  }
0x418: {  	v50 =	vld [tilespmem:$0x1FFE0];
	v59 =	vimm.s32 $0x0;
	v31 =	vmul.f32 v33, v6;
	v14 =	vmul.f32 v44, v44  }
0x419: {  	v60 =	vsel vm8, $0x8, v59;
	v2 =	vmul.f32 v44, v2;
	v42 =	vmul.f32 v6, v32  }
0x41a: {  	v61 =	vor.u32 $0x4, v60;
	v36 =	vmul.f32 v32, v32;
	v13 =	vmul.f32 v31, v13  }
0x41b: {  	v10 =	vperm.xlane v9, v61;
	v4 =	vmul.f32 v14, v4;
	v14 =	vsel vm5, v30, v43  }
0x41c: {  	v58 =	vimm.s32 $0x0;
	v2 =	vmul.f32 v2, v25;
	v48 =	vperm.xlane v47, v14  }
0x41d: {  	v0 =	vadd.f32 v3, v0;
	v30 =	vperm.xlane v50, v14;
	v52 =	vperm.xlane v51, v14  }
0x41e: {  	v34 =	vld.idx.msk [tilespmem:v62+s23+$0x0], $0xffff;
	v43 =	vsel vm9, v27, v28;
	v49 =	vshrl.u32 v4, $0x10;
	vm6 =	vle.f32 v48, v20  }
0x41f: {  	v11 =	vld.idx.msk [tilespmem:v22+s22+$0x0], $0xffff;
	v13 =	vadd.f32 v13, v32;
	v53 =	vand.u32 $0x7F, v49;
	v30 =	vsel vm6, v30, v52  }
0x420: {  	v46 =	vld [tilespmem:$0x1FFB0];
	v14 =	vshll.u32 v14, $0x3;
	vm10 =	vle.f32 v10, v26;
	vm7 =	vle.f32 v30, v20  }
0x421: {  	(erf) = vrcp.f32 v13;
	v56 =	vsel vm6, $0x4, v55;
	v30 =	vld.idx.msk [tilespmem:v24+s23+$0x0], $0xffff;
	v13 =	vsel vm7, $0x2, v58  }
0x422: {  	v23 =	vsel vm10, v61, v60;
	v45 =	vand.u32 $0xFFFF, v4;
	v13 =	vor.u32 v13, v56  }
0x423: {  	v4 =	vshra.s32 v4, $0x17;
	v44 =	vor.u32 $0x2, v23;
	v63 =	vor.u32 v13, v14  }
0x424: {  	v48 =	vmul.f32 v43, v15;
	v15 =	vcvt.s32.f32 v45;
	v40 =	vld.idx.msk [tilespmem:v53+s31+$0x0], $0xffff;
	v39 =	vor.u32 $0x1, v63  }
0x425: {  	v54 =	vld [tilespmem:$0x1FFB0];
	[tilespmem:$0x1FE00] =	vst v0;
	v0 =	vadd.f32 v2, v11;
	v4 =	vcvt.s32.f32 v4;
	v47 =	vperm.xlane v46, v44  }
0x426: {  	v1 =	vadd.f32 v1, v5;
	v55 =	vmul.f32 v6, v34;
	v18 =	vld.idx.msk [tilespmem:v53+s30+$0x0], $0xffff;
	v41 =	vmul.f32 v33, v30  }
0x427: {  	vm6 =	vge.f32 v16, $0.0e+00;
	v16 =	vsub.f32 v16, v17;
	v0 =	vadd.f32 v0, v48  }
0x428: {  	v57 =	vld [tilespmem:$0x1FFC0];
	vm11 =	vle.f32 v47, v26;
	v56 =	vadd.f32 v32, v32;
	v22 =	vadd.f32 v41, v42  }
0x429: {  	v4 =	vmul.f32 $6.931471820e-01, v4;
	v23 =	vsel vm11, v44, v23;
	v3 =	vmul.f32 v15, v40;
	v49 =	vld.idx.msk [tilespmem:v39+s5+$0x0], $0xffff  }
0x42a: {  	v53 =	vor.u32 $0x1, v23;
	v25 =	vmul.f32 v31, v56;
	v50 =	vmul.f32 v22, v6;
	v22 =	vld [tilespmem:s11+$0xFFFFFFC0]  }
0x42b: {  	v60 =	vld [tilespmem:$0x1FFD0];
	v51 =	vpop (erf);
	v6 =	vmul.f32 v55, v6;
	v3 =	vadd.f32 v3, v18;
	v18 =	vperm.xlane v54, v53  }
0x42c: {  	v59 =	vld [tilespmem:$0x1FFE0];
	v5 =	vmul.f32 v41, v33;
	v41 =	vimm.s32 $0x0;
	v52 =	vmul.f32 v51, v50  }
0x42d: {  	v62 =	vld [tilespmem:$0x1FFF0];
	v46 =	vmul.f32 v51, v51;
	v6 =	vadd.f32 v25, v6;
	vm13 =	vle.f32 v18, v26  }
0x42e: {  	[tilespmem:$0x1FE10] =	vst v0;
	v3 =	vadd.f32 v3, v4;
	v0 =	vmul.f32 v52, v29;
	v2 =	vsel vm13, v53, v23  }
0x42f: {  	v5 =	vadd.f32 v6, v5;
	vm12 =	vle.f32 v49, v20;
	v18 =	vmax.f32 v22, $-5.000000000e+00  }
0x430: {  	v37 =	vld [tilespmem:$0x1FFB0];
	[tilespmem:$0x1FDF0] =	vst v1;
	v58 =	vperm.xlane v57, v2;
	v61 =	vperm.xlane v60, v2;
	v1 =	vsel vm12, v39, v63  }
0x431: {  	v23 =	vmin.f32 v18, $5.000000000e+00;
	v18 =	vperm.xlane v59, v2;
	v63 =	vimm.s32 $0x0  }
0x432: {  	v5 =	vmul.f32 v5, v36;
	vm14 =	vle.f32 v62, v23;
	vm15 =	vle.f32 v58, v26  }
0x433: {  	v24 =	vld.idx.msk [tilespmem:v24+s22+$0x0], $0xffff;
	v39 =	vimm.s32 $0x0;
	v9 =	vsel vm14, $0x8, v63;
	v18 =	vsel vm15, v18, v61  }
0x434: {  	v47 =	vld [tilespmem:$0x1FFB0];
	v5 =	vmul.f32 v46, v5;
	v11 =	vor.u32 $0x4, v9;
	vm4 =	vle.f32 v18, v26  }
0x435: {  	v40 =	vsel vm15, $0x4, v39;
	v18 =	vperm.xlane v37, v11;
	v42 =	vsel vm4, $0x2, v41;
	v10 =	vld.idx.msk [tilespmem:v1+s24+$0x0], $0xffff  }
0x436: {  	v2 =	vshll.u32 v2, $0x3;
	v58 =	vshrl.u32 v5, $0x10;
	v31 =	vor.u32 v42, v40  }
0x437: {  	[tilespmem:$0x1FE20] =	vst v3;
	v38 =	vld.idx.msk [tilespmem:v1+s26+$0x0], $0xffff;
	v3 =	vand.u32 $0x7F, v58;
	vm5 =	vle.f32 v18, v23;
	v2 =	vor.u32 v31, v2  }
0x438: {  	v17 =	vsel vm6, v34, v30;
	v55 =	vld [tilespmem:$0x1FFB0];
	v18 =	vsel vm5, v11, v9;
	v44 =	vor.u32 $0x1, v2  }
0x439: {  	v16 =	vmul.f32 v17, v16;
	v60 =	vld [tilespmem:$0x1FFC0];
	v0 =	vadd.f32 v0, v24;
	v45 =	vor.u32 $0x2, v18  }
0x43a: {  	v50 =	vadd.s32 $0x1, v1;
	v30 =	vld.idx.msk [tilespmem:v1+s25+$0x0], $0xffff;
	v48 =	vperm.xlane v47, v45;
	v43 =	vmul.f32 v10, v20  }
0x43b: {  	v62 =	vld [tilespmem:$0x1FFE0];
	v0 =	vadd.f32 v0, v16;
	v53 =	vshra.s32 v5, $0x17;
	v5 =	vand.u32 $0xFFFF, v5  }
0x43c: {  	vm4 =	vge.f32 v19, $0.0e+00;
	v11 =	vld.idx.msk [tilespmem:v3+s31+$0x0], $0xffff;
	vm7 =	vle.f32 v48, v23;
	v6 =	vadd.f32 v43, v38  }
0x43d: {  	v57 =	vcvt.s32.f32 v53;
	v5 =	vcvt.s32.f32 v5;
	v18 =	vsel vm7, v45, v18;
	v51 =	vld.idx.msk [tilespmem:v44+s5+$0x0], $0xffff  }
0x43e: {  	v63 =	vld [tilespmem:$0x1FFD0];
	v40 =	vsub.f32 v19, v20;
	v52 =	vor.u32 $0x1, v18;
	v6 =	vmax.f32 v6, $0.0e+00  }
0x43f: {  	v49 =	vld.idx.msk [tilespmem:v1+s29+$0x0], $0xffff;
	v27 =	vmul.f32 v30, v10;
	v56 =	vperm.xlane v55, v52;
	v6 =	vmin.f32 v6, $1.000000000e+00  }
0x440: {  	[tilespmem:$0x1FE30] =	vst v0;
	v34 =	vld.idx.msk [tilespmem:v50+s23+$0x0], $0xffff;
	v0 =	vmul.f32 $6.931471820e-01, v57;
	v45 =	vimm.s32 $0x0;
	v54 =	vsub.f32 $1.000000000e+00, v6  }
0x441: {  	v3 =	vld.idx.msk [tilespmem:v3+s30+$0x0], $0xffff;
	v5 =	vmul.f32 v5, v11;
	vm8 =	vle.f32 v56, v23;
	v42 =	vmul.f32 v6, v27  }
0x442: {  	v4 =	vld.idx.msk [tilespmem:v1+s23+$0x0], $0xffff;
	v18 =	vsel vm8, v52, v18;
	vm9 =	vle.f32 v51, v26;
	v59 =	vmul.f32 v54, v6  }
0x443: {  	v61 =	vperm.xlane v60, v18;
	v28 =	vsel vm9, v44, v2;
	v2 =	vperm.xlane v62, v18  }
0x444: {  	v47 =	vadd.f32 v27, v27;
	v8 =	vperm.xlane v63, v18;
	v24 =	vmul.f32 v59, v49  }
0x445: {  	v43 =	vmul.f32 v6, v34;
	v52 =	vimm.s32 $0x0;
	vm10 =	vle.f32 v61, v23  }
0x446: {  	v3 =	vadd.f32 v5, v3;
	v2 =	vsel vm10, v2, v8;
	v9 =	vadd.f32 v24, v27;
	v24 =	vld [tilespmem:s11+$0xFFFFFFD0]  }
0x447: {  	v50 =	vld [tilespmem:$0x1FFF0];
	v10 =	vmul.f32 v54, v4;
	v44 =	vimm.s32 $0x0;
	vm11 =	vle.f32 v2, v23  }
0x448: {  	v55 =	vld [tilespmem:$0x1FFB0];
	v25 =	vsel vm10, $0x4, v44;
	v46 =	vsel vm11, $0x2, v45;
	(erf) = vrcp.f32 v9  }
0x449: {  	v18 =	vshll.u32 v18, $0x3;
	v4 =	vsel vm4, v34, v4;
	v48 =	vld.idx.msk [tilespmem:v28+s24+$0x0], $0xffff;
	v25 =	vor.u32 v46, v25  }
0x44a: {  	v60 =	vadd.s32 $0x1, v28;
	v32 =	vmul.f32 v59, v47;
	v29 =	vld.idx.msk [tilespmem:v28+s25+$0x0], $0xffff;
	v31 =	vor.u32 v25, v18  }
0x44b: {  	v2 =	vmul.f32 v43, v6;
	v49 =	vld.idx.msk [tilespmem:v28+s26+$0x0], $0xffff;
	v39 =	vor.u32 $0x1, v31;
	v18 =	vmax.f32 v24, $-5.000000000e+00  }
0x44c: {  	v51 =	vmul.f32 v10, v54;
	v25 =	vmin.f32 v18, $5.000000000e+00;
	v18 =	vadd.f32 v10, v42  }
0x44d: {  	v27 =	vmul.f32 v27, v27;
	v2 =	vadd.f32 v32, v2;
	vm12 =	vle.f32 v50, v25  }
0x44e: {  	v53 =	vsel vm12, $0x8, v52;
	v6 =	vmul.f32 v18, v6;
	v18 =	vmul.f32 v48, v26  }
0x44f: {  	v2 =	vadd.f32 v2, v51;
	v10 =	vld [tilespmem:$0x1FFB0];
	v20 =	vmul.f32 v29, v48;
	v54 =	vor.u32 $0x4, v53  }
0x450: {  	v0 =	vadd.f32 v3, v0;
	v58 =	vld.idx.msk [tilespmem:v39+s5+$0x0], $0xffff;
	v56 =	vperm.xlane v55, v54;
	v18 =	vadd.f32 v18, v49  }
0x451: {  	v63 =	vld.idx.msk [tilespmem:v1+s22+$0x0], $0xffff;
	vm10 =	vge.f32 v21, $0.0e+00;
	v2 =	vmul.f32 v2, v27;
	v49 =	vadd.f32 v20, v20;
	v57 =	vpop (erf)  }
0x452: {  	v6 =	vmul.f32 v57, v6;
	vm13 =	vle.f32 v56, v25;
	v18 =	vmax.f32 v18, $0.0e+00  }
0x453: {  	v34 =	vld.idx.msk [tilespmem:v28+s23+$0x0], $0xffff;
	v5 =	vmul.f32 v57, v57;
	v59 =	vsel vm13, v54, v53;
	v36 =	vmin.f32 v18, $1.000000000e+00  }
0x454: {  	v62 =	vor.u32 $0x2, v59;
	v9 =	vsub.f32 $1.000000000e+00, v36;
	v6 =	vmul.f32 v6, v30  }
0x455: {  	[tilespmem:$0x1FE40] =	vst v0;
	v2 =	vmul.f32 v5, v2;
	vm14 =	vle.f32 v58, v23;
	v3 =	vperm.xlane v10, v62  }
0x456: {  	v61 =	vld.idx.msk [tilespmem:v28+s29+$0x0], $0xffff;
	v31 =	vsel vm14, v39, v31;
	v11 =	vmul.f32 v9, v36;
	v0 =	vadd.f32 v6, v63  }
0x457: {  	v43 =	vld [tilespmem:$0x1FFB0];
	v44 =	vshrl.u32 v2, $0x10;
	v45 =	vand.u32 $0xFFFF, v2;
	v2 =	vshra.s32 v2, $0x17  }
0x458: {  	v30 =	vld.idx.msk [tilespmem:v60+s23+$0x0], $0xffff;
	v57 =	vmul.f32 v9, v34;
	v63 =	vimm.s32 $0x0;
	vm15 =	vle.f32 v3, v25  }
0x459: {  	v3 =	vmul.f32 v4, v40;
	v4 =	vand.u32 $0x7F, v44;
	v47 =	vcvt.s32.f32 v45  }
0x45a: {  	v51 =	vld [tilespmem:$0x1FFC0];
	v40 =	vmul.f32 v36, v20;
	v2 =	vcvt.s32.f32 v2;
	v44 =	vadd.s32 $0x1, v31  }
0x45b: {  	v55 =	vld [tilespmem:$0x1FFD0];
	v19 =	vsel vm15, v62, v59;
	v41 =	vmul.f32 v11, v61;
	v5 =	vmul.f32 v11, v49  }
0x45c: {  	v53 =	vld [tilespmem:$0x1FFE0];
	v61 =	vimm.s32 $0x0;
	v1 =	vmul.f32 v57, v9;
	v42 =	vor.u32 $0x1, v19  }
0x45d: {  	v48 =	vmul.f32 v36, v30;
	v6 =	vperm.xlane v43, v42;
	v27 =	vadd.f32 v41, v20;
	v46 =	vld.idx.msk [tilespmem:v31+s24+$0x0], $0xffff  }
0x45e: {  	v32 =	vadd.f32 v57, v40;
	v2 =	vmul.f32 $6.931471820e-01, v2;
	v0 =	vadd.f32 v0, v3  }
0x45f: {  	v50 =	vld.idx.msk [tilespmem:v31+s26+$0x0], $0xffff;
	vm5 =	vle.f32 v6, v25;
	(erf) = vrcp.f32 v27;
	v27 =	vmul.f32 v48, v36  }
0x460: {  	v20 =	vmul.f32 v20, v20;
	v32 =	vmul.f32 v32, v36;
	v59 =	vld.idx.msk [tilespmem:v4+s31+$0x0], $0xffff;
	v19 =	vsel vm5, v42, v19  }
0x461: {  	v52 =	vperm.xlane v51, v19;
	v54 =	vperm.xlane v53, v19;
	v5 =	vadd.f32 v5, v27  }
0x462: {  	v56 =	vperm.xlane v55, v19;
	v19 =	vshll.u32 v19, $0x3;
	v58 =	vmul.f32 v46, v23  }
0x463: {  	v4 =	vld.idx.msk [tilespmem:v4+s30+$0x0], $0xffff;
	v53 =	vsel vm10, v30, v34;
	vm6 =	vle.f32 v52, v25;
	v1 =	vadd.f32 v5, v1  }
0x464: {  	v9 =	vld.idx.msk [tilespmem:v31+s29+$0x0], $0xffff;
	v38 =	vsel vm6, v54, v56;
	v60 =	vadd.f32 v58, v50;
	v62 =	vsel vm6, $0x4, v61  }
0x465: {  	v6 =	vmul.f32 v47, v59;
	v50 =	vimm.s32 $0x0;
	vm7 =	vle.f32 v38, v25;
	v38 =	vld.idx.msk [tilespmem:v31+s25+$0x0], $0xffff  }
0x466: {  	v43 =	vld.idx.msk [tilespmem:v31+s23+$0x0], $0xffff;
	v54 =	vsub.f32 v21, v26;
	v7 =	vsel vm7, $0x2, v63;
	v8 =	vmax.f32 v60, $0.0e+00  }
0x467: {  	v27 =	vld [tilespmem:s11+$0xFFFFFFE0];
	v1 =	vmul.f32 v1, v20;
	v33 =	vor.u32 v7, v62;
	v37 =	vmin.f32 v8, $1.000000000e+00  }
0x468: {  	v10 =	vld.idx.msk [tilespmem:v28+s22+$0x0], $0xffff;
	v4 =	vadd.f32 v6, v4;
	v33 =	vor.u32 v33, v19;
	v19 =	vpop (erf);
	v39 =	vsub.f32 $1.000000000e+00, v37  }
0x469: {  	[tilespmem:$0x1FDB0] =	vst v35;
	v48 =	vld [tilespmem:$0x1FFF0];
	vm7 =	vge.f32 v22, $0.0e+00;
	v20 =	vmul.f32 v19, v19;
	v19 =	vmul.f32 v19, v32  }
0x46a: {  	v26 =	vld.idx.msk [tilespmem:v44+s23+$0x0], $0xffff;
	v22 =	vsub.f32 v22, v23;
	v6 =	vmul.f32 v39, v37;
	v35 =	vmul.f32 v38, v46  }
0x46b: {  	v41 =	vor.u32 $0x1, v33;
	v34 =	vmul.f32 v39, v43;
	v1 =	vmul.f32 v20, v1  }
0x46c: {  	v20 =	vmax.f32 v27, $-5.000000000e+00;
	v29 =	vmul.f32 v19, v29;
	v5 =	vmul.f32 v6, v9  }
0x46d: {  	v51 =	vld [tilespmem:$0x1FFB0];
	v28 =	vmin.f32 v20, $5.000000000e+00;
	v57 =	vmul.f32 v37, v35;
	v20 =	vshrl.u32 v1, $0x10  }
0x46e: {  	vm8 =	vle.f32 v48, v28;
	v52 =	vadd.f32 v29, v10;
	v59 =	vand.u32 $0xFFFF, v1  }
0x46f: {  	v10 =	vmul.f32 v37, v26;
	v26 =	vsel vm7, v26, v43;
	v49 =	vand.u32 $0x7F, v20  }
0x470: {  	v29 =	vld [tilespmem:s11+$0xFFFFFFF0];
	v5 =	vadd.f32 v5, v35;
	v42 =	vsel vm8, $0x8, v50;
	v3 =	vcvt.s32.f32 v59  }
0x471: {  	v11 =	vld.idx.msk [tilespmem:v41+s5+$0x0], $0xffff;
	v62 =	vadd.f32 v34, v57;
	v34 =	vmul.f32 v34, v39;
	v45 =	vor.u32 $0x4, v42  }
0x472: {  	[tilespmem:$0x1FE50] =	vst v0;
	v60 =	vld [tilespmem:$0x1FFB0];
	v2 =	vadd.f32 v4, v2;
	v22 =	vmul.f32 v26, v22;
	v0 =	vperm.xlane v51, v45  }
0x473: {  	v1 =	vshra.s32 v1, $0x17;
	(erf) = vrcp.f32 v5;
	v8 =	vmul.f32 v62, v37  }
0x474: {  	v37 =	vmul.f32 v10, v37;
	v62 =	vimm.s32 $0x0;
	vm11 =	vle.f32 v0, v28;
	v55 =	vld.idx.msk [tilespmem:v49+s31+$0x0], $0xffff  }
0x475: {  	v0 =	vmul.f32 v53, v54;
	v47 =	vmax.f32 v29, $-5.000000000e+00;
	v56 =	vsel vm11, v45, v42;
	v32 =	vld.idx.msk [tilespmem:v49+s30+$0x0], $0xffff  }
0x476: {  	vm9 =	vle.f32 v11, v25;
	v11 =	vadd.f32 v35, v35;
	v49 =	vld [tilespmem:$0x1FFF0];
	v58 =	vor.u32 $0x2, v56  }
0x477: {  	v33 =	vsel vm9, v41, v33;
	v0 =	vadd.f32 v52, v0;
	v61 =	vperm.xlane v60, v58  }
0x478: {  	v53 =	vimm.s32 $0x0;
	v45 =	vld [tilespmem:$0x1FFB0];
	v30 =	vmin.f32 v47, $5.000000000e+00;
	v6 =	vmul.f32 v6, v11  }
0x479: {  	v57 =	vld [tilespmem:$0x1FFD0];
	v35 =	vmul.f32 v35, v35;
	[tilespmem:$0x1FE70] =	vst v0;
	v0 =	vcvt.s32.f32 v1;
	vm12 =	vle.f32 v61, v28  }
0x47a: {  	v59 =	vld [tilespmem:$0x1FFB0];
	v6 =	vadd.f32 v6, v37;
	v61 =	vadd.s32 $0x1, v33;
	v63 =	vmul.f32 v3, v55  }
0x47b: {  	v51 =	vld [tilespmem:$0x1FFC0];
	v9 =	vsel vm12, v58, v56;
	vm14 =	vle.f32 v49, v30;
	v0 =	vmul.f32 $6.931471820e-01, v0  }
0x47c: {  	v1 =	vld.idx.msk [tilespmem:v33+s24+$0x0], $0xffff;
	v5 =	vpop (erf);
	v44 =	vor.u32 $0x1, v9;
	v54 =	vsel vm14, $0x8, v53;
	v6 =	vadd.f32 v6, v34  }
0x47d: {  	[tilespmem:$0x1FE60] =	vst v2;
	v55 =	vld [tilespmem:$0x1FFE0];
	v2 =	vadd.f32 v63, v32;
	v3 =	vmul.f32 v5, v8;
	v46 =	vperm.xlane v45, v44  }
0x47e: {  	v21 =	vld.idx.msk [tilespmem:v33+s26+$0x0], $0xffff;
	v58 =	vor.u32 $0x4, v54;
	v5 =	vmul.f32 v5, v5;
	v45 =	vimm.s32 $0x0  }
0x47f: {  	v36 =	vld.idx.msk [tilespmem:v33+s25+$0x0], $0xffff;
	v60 =	vperm.xlane v59, v58;
	v6 =	vmul.f32 v6, v35;
	vm13 =	vle.f32 v46, v28  }
0x480: {  	v31 =	vld.idx.msk [tilespmem:v31+s22+$0x0], $0xffff;
	v3 =	vmul.f32 v3, v38;
	v0 =	vadd.f32 v2, v0;
	v4 =	vsel vm13, v44, v9  }
0x481: {  	vm5 =	vle.f32 v60, v30;
	v5 =	vmul.f32 v5, v6;
	v48 =	vmul.f32 v1, v25  }
0x482: {  	v46 =	vld [tilespmem:$0x1FFB0];
	v9 =	vimm.s32 $0x0;
	v52 =	vperm.xlane v51, v4;
	v56 =	vperm.xlane v55, v4  }
0x483: {  	v41 =	vperm.xlane v57, v4;
	v37 =	vsel vm5, v58, v54;
	v4 =	vshll.u32 v4, $0x3  }
0x484: {  	v1 =	vmul.f32 v36, v1;
	v50 =	vadd.f32 v48, v21;
	vm15 =	vle.f32 v52, v28  }
0x485: {  	v11 =	vld.idx.msk [tilespmem:v33+s29+$0x0], $0xffff;
	v3 =	vadd.f32 v3, v31;
	v21 =	vor.u32 $0x2, v37;
	v40 =	vsel vm15, v56, v41  }
0x486: {  	v39 =	vld.idx.msk [tilespmem:v61+s23+$0x0], $0xffff;
	v63 =	vsel vm15, $0x4, v62;
	v32 =	vmax.f32 v50, $0.0e+00;
	vm4 =	vle.f32 v40, v28  }
0x487: {  	v51 =	vld [tilespmem:$0x1FFB0];
	v47 =	vperm.xlane v46, v21;
	v41 =	vmin.f32 v32, $1.000000000e+00;
	v10 =	vsel vm4, $0x2, v9  }
0x488: {  	v55 =	vshrl.u32 v5, $0x10;
	v40 =	vld.idx.msk [tilespmem:v33+s23+$0x0], $0xffff;
	v32 =	vor.u32 v10, v63;
	v44 =	vsub.f32 $1.000000000e+00, v41  }
0x489: {  	v60 =	vadd.f32 v1, v1;
	vm6 =	vle.f32 v47, v30;
	v4 =	vor.u32 v32, v4  }
0x48a: {  	v61 =	vld [tilespmem:$0x1FFE0];
	v32 =	vsel vm6, v21, v37;
	v48 =	vor.u32 $0x1, v4;
	v49 =	vmul.f32 v44, v41  }
0x48b: {  	v58 =	vld [tilespmem:$0x1FFC0];
	vm15 =	vge.f32 v24, $0.0e+00;
	v57 =	vmul.f32 v41, v39;
	v37 =	vor.u32 $0x1, v32  }
0x48c: {  	v24 =	vsub.f32 v24, v25;
	v63 =	vld [tilespmem:$0x1FFD0];
	v52 =	vperm.xlane v51, v37;
	v50 =	vmul.f32 v49, v11  }
0x48d: {  	v31 =	vld [tilespmem:s11+$0x0];
	v47 =	vimm.s32 $0x0;
	v23 =	vmul.f32 v57, v41;
	v11 =	vmul.f32 v44, v40  }
0x48e: {  	v9 =	vmul.f32 v49, v60;
	vm8 =	vle.f32 v52, v30;
	v53 =	vadd.f32 v50, v1  }
0x48f: {  	v56 =	vsel vm8, v37, v32;
	v32 =	vand.u32 $0x7F, v55;
	v49 =	vmul.f32 v11, v44;
	v54 =	vld.idx.msk [tilespmem:v48+s5+$0x0], $0xffff  }
0x490: {  	v43 =	vadd.f32 v9, v23;
	v59 =	vperm.xlane v58, v56;
	v62 =	vperm.xlane v61, v56  }
0x491: {  	v50 =	vadd.f32 v3, v22;
	v8 =	vperm.xlane v63, v56;
	(erf) = vrcp.f32 v53  }
0x492: {  	v60 =	vld [tilespmem:$0x1FFF0];
	v6 =	vshll.u32 v56, $0x3;
	v58 =	vmax.f32 v31, $-5.000000000e+00;
	v63 =	vimm.s32 $0x0  }
0x493: {  	v53 =	vmul.f32 v1, v1;
	v1 =	vmul.f32 v41, v1;
	vm10 =	vle.f32 v59, v30  }
0x494: {  	v21 =	vld [tilespmem:$0x1FFB0];
	v10 =	vsel vm10, v62, v8;
	v46 =	vsel vm10, $0x4, v45;
	vm9 =	vle.f32 v54, v28  }
0x495: {  	v1 =	vadd.f32 v11, v1;
	vm11 =	vle.f32 v10, v30;
	v51 =	vld.idx.msk [tilespmem:v32+s31+$0x0], $0xffff;
	v35 =	vsel vm9, v48, v4  }
0x496: {  	v59 =	vld.idx.msk [tilespmem:v32+s30+$0x0], $0xffff;
	v32 =	vmin.f32 v58, $5.000000000e+00;
	v54 =	vshra.s32 v5, $0x17;
	v48 =	vsel vm11, $0x2, v47  }
0x497: {  	v5 =	vand.u32 $0xFFFF, v5;
	vm12 =	vle.f32 v60, v32;
	v34 =	vor.u32 v48, v46  }
0x498: {  	v1 =	vmul.f32 v1, v41;
	v4 =	vadd.f32 v43, v49;
	v52 =	vor.u32 v34, v6  }
0x499: {  	v37 =	vcvt.s32.f32 v54;
	v9 =	vsel vm12, $0x8, v63;
	v34 =	vor.u32 $0x1, v52  }
0x49a: {  	v5 =	vcvt.s32.f32 v5;
	v11 =	vor.u32 $0x4, v9;
	v3 =	vmul.f32 v4, v53;
	v55 =	vpop (erf);
	v6 =	vld.idx.msk [tilespmem:v35+s24+$0x0], $0xffff  }
0x49b: {  	v33 =	vld.idx.msk [tilespmem:v33+s22+$0x0], $0xffff;
	vm9 =	vge.f32 v27, $0.0e+00;
	v22 =	vperm.xlane v21, v11;
	v56 =	vmul.f32 v55, v55  }
0x49c: {  	[tilespmem:$0x1FE80] =	vst v0;
	v48 =	vadd.s32 $0x1, v35;
	v0 =	vmul.f32 v5, v51;
	v57 =	vld.idx.msk [tilespmem:v35+s26+$0x0], $0xffff;
	v1 =	vmul.f32 v55, v1  }
0x49d: {  	[tilespmem:$0x1FE90] =	vst v50;
	v23 =	vmul.f32 $6.931471820e-01, v37;
	vm13 =	vle.f32 v22, v32;
	v38 =	vld.idx.msk [tilespmem:v35+s25+$0x0], $0xffff;
	v3 =	vmul.f32 v56, v3  }
0x49e: {  	v0 =	vadd.f32 v0, v59;
	v50 =	vsel vm13, v11, v9;
	v1 =	vmul.f32 v1, v36;
	v62 =	vld.idx.msk [tilespmem:v34+s5+$0x0], $0xffff  }
0x49f: {  	v56 =	vsel vm15, v39, v40;
	v10 =	vshrl.u32 v3, $0x10;
	v61 =	vmul.f32 v6, v28  }
0x4a0: {  	v54 =	vld [tilespmem:$0x1FFB0];
	v36 =	vmul.f32 v56, v24;
	v24 =	vadd.f32 v0, v23;
	v41 =	vand.u32 $0x7F, v10  }
0x4a1: {  	v39 =	vld.idx.msk [tilespmem:v48+s23+$0x0], $0xffff;
	v58 =	vand.u32 $0xFFFF, v3;
	v3 =	vshra.s32 v3, $0x17;
	v4 =	vadd.f32 v61, v57  }
0x4a2: {  	v49 =	vld.idx.msk [tilespmem:v35+s29+$0x0], $0xffff;
	v1 =	vadd.f32 v1, v33;
	v6 =	vmul.f32 v38, v6;
	v60 =	vcvt.s32.f32 v58  }
0x4a3: {  	v45 =	vld.idx.msk [tilespmem:v35+s23+$0x0], $0xffff;
	v3 =	vcvt.s32.f32 v3;
	vm14 =	vle.f32 v62, v30;
	v4 =	vmax.f32 v4, $0.0e+00  }
0x4a4: {  	v62 =	vld [tilespmem:$0x1FFB0];
	v37 =	vsel vm14, v34, v52;
	v52 =	vor.u32 $0x2, v50;
	v4 =	vmin.f32 v4, $1.000000000e+00  }
0x4a5: {  	v3 =	vmul.f32 $6.931471820e-01, v3;
	v53 =	vld.idx.msk [tilespmem:v41+s31+$0x0], $0xffff;
	v55 =	vperm.xlane v54, v52;
	v51 =	vsub.f32 $1.000000000e+00, v4  }
0x4a6: {  	v46 =	vadd.f32 v6, v6;
	v8 =	vmul.f32 v4, v39;
	v47 =	vmul.f32 v4, v6  }
0x4a7: {  	vm4 =	vle.f32 v55, v32;
	v55 =	vimm.s32 $0x0;
	v57 =	vmul.f32 v51, v4  }
0x4a8: {  	v22 =	vld [tilespmem:$0x1FFE0];
	v2 =	vsel vm4, v52, v50;
	v25 =	vmul.f32 v8, v4;
	v50 =	vmul.f32 v51, v45  }
0x4a9: {  	v41 =	vld.idx.msk [tilespmem:v41+s30+$0x0], $0xffff;
	v45 =	vsel vm9, v39, v45;
	v61 =	vor.u32 $0x1, v2;
	v59 =	vmul.f32 v57, v49  }
0x4aa: {  	v8 =	vimm.s32 $0x0;
	v42 =	vld.idx.msk [tilespmem:v37+s24+$0x0], $0xffff;
	v63 =	vperm.xlane v62, v61;
	v5 =	vmul.f32 v60, v53  }
0x4ab: {  	v11 =	vld [tilespmem:$0x1FFC0];
	v40 =	vmul.f32 v57, v46;
	v26 =	vmul.f32 v50, v51;
	v51 =	vadd.s32 $0x1, v37  }
0x4ac: {  	v48 =	vld [tilespmem:$0x1FFD0];
	v53 =	vimm.s32 $0x0;
	v46 =	vadd.f32 v50, v47;
	v34 =	vadd.f32 v59, v6  }
0x4ad: {  	v9 =	vld.idx.msk [tilespmem:v37+s26+$0x0], $0xffff;
	vm5 =	vle.f32 v63, v32;
	v25 =	vadd.f32 v40, v25;
	v6 =	vmul.f32 v6, v6  }
0x4ae: {  	v57 =	vmul.f32 v46, v4;
	v5 =	vadd.f32 v5, v41;
	v2 =	vsel vm5, v61, v2  }
0x4af: {  	vm5 =	vge.f32 v29, $0.0e+00;
	(erf) = vrcp.f32 v34;
	v10 =	vmul.f32 v42, v30  }
0x4b0: {  	v40 =	vld.idx.msk [tilespmem:v37+s25+$0x0], $0xffff;
	v29 =	vsub.f32 v29, v30;
	v21 =	vperm.xlane v11, v2;
	v23 =	vperm.xlane v22, v2  }
0x4b1: {  	v49 =	vperm.xlane v48, v2;
	v2 =	vshll.u32 v2, $0x3;
	v26 =	vadd.f32 v25, v26  }
0x4b2: {  	v25 =	vadd.f32 v1, v36;
	v41 =	vld.idx.msk [tilespmem:v51+s23+$0x0], $0xffff;
	vm6 =	vle.f32 v21, v32;
	v0 =	vadd.f32 v10, v9  }
0x4b3: {  	v11 =	vimm.s32 $0x0;
	v6 =	vmul.f32 v26, v6;
	v33 =	vsel vm6, v23, v49  }
0x4b4: {  	v26 =	vadd.f32 v5, v3;
	vm7 =	vle.f32 v33, v32;
	v0 =	vmax.f32 v0, $0.0e+00;
	v33 =	vld [tilespmem:s11+$0x10]  }
0x4b5: {  	v52 =	vld.idx.msk [tilespmem:v37+s29+$0x0], $0xffff;
	v54 =	vsel vm6, $0x4, v53;
	v42 =	vmul.f32 v40, v42;
	v0 =	vmin.f32 v0, $1.000000000e+00  }
0x4b6: {  	v9 =	vld [tilespmem:$0x1FFF0];
	v53 =	vsub.f32 v27, v28;
	v56 =	vsel vm7, $0x2, v55;
	v47 =	vsub.f32 $1.000000000e+00, v0  }
0x4b7: {  	v50 =	vadd.f32 v42, v42;
	v44 =	vor.u32 v56, v54;
	v23 =	vmul.f32 v0, v41  }
0x4b8: {  	v3 =	vmul.f32 v45, v53;
	v2 =	vor.u32 v44, v2;
	v59 =	vmul.f32 v47, v0  }
0x4b9: {  	v49 =	vld [tilespmem:$0x1FFB0];
	v44 =	vor.u32 $0x1, v2;
	v46 =	vmul.f32 v23, v0;
	v58 =	vpop (erf);
	v61 =	vmax.f32 v33, $-5.000000000e+00  }
0x4ba: {  	v60 =	vmul.f32 v58, v58;
	v43 =	vmul.f32 v59, v52;
	v34 =	vmin.f32 v61, $5.000000000e+00  }
0x4bb: {  	v35 =	vld.idx.msk [tilespmem:v35+s22+$0x0], $0xffff;
	v1 =	vmul.f32 v58, v57;
	v51 =	vmul.f32 v59, v50;
	vm8 =	vle.f32 v9, v34  }
0x4bc: {  	v58 =	vld [tilespmem:$0x1FFB0];
	v61 =	vmul.f32 v42, v42;
	v4 =	vmul.f32 v60, v6;
	v21 =	vsel vm8, $0x8, v11  }
0x4bd: {  	v6 =	vld.idx.msk [tilespmem:v37+s23+$0x0], $0xffff;
	v62 =	vadd.f32 v43, v42;
	v1 =	vmul.f32 v1, v38;
	v22 =	vor.u32 $0x4, v21  }
0x4be: {  	v5 =	vadd.f32 v51, v46;
	v42 =	vmul.f32 v0, v42;
	v63 =	vld.idx.msk [tilespmem:v44+s5+$0x0], $0xffff;
	v48 =	vperm.xlane v49, v22  }
0x4bf: {  	v10 =	vshrl.u32 v4, $0x10;
	(erf) = vrcp.f32 v62;
	v54 =	vand.u32 $0xFFFF, v4  }
0x4c0: {  	v1 =	vadd.f32 v1, v35;
	v35 =	vld [tilespmem:s11+$0x20];
	v38 =	vand.u32 $0x7F, v10;
	vm11 =	vle.f32 v48, v34  }
0x4c1: {  	v4 =	vshra.s32 v4, $0x17;
	v27 =	vcvt.s32.f32 v54;
	v52 =	vsel vm11, v22, v21  }
0x4c2: {  	v53 =	vld [tilespmem:$0x1FFE0];
	v49 =	vmul.f32 v47, v6;
	v22 =	vcvt.s32.f32 v4;
	v56 =	vor.u32 $0x2, v52  }
0x4c3: {  	v11 =	vld [tilespmem:$0x1FFB0];
	v6 =	vsel vm5, v41, v6;
	vm10 =	vle.f32 v63, v32;
	v59 =	vperm.xlane v58, v56  }
0x4c4: {  	v51 =	vld [tilespmem:$0x1FFC0];
	v6 =	vmul.f32 v6, v29;
	v39 =	vsel vm10, v44, v2;
	v57 =	vmul.f32 v49, v47  }
0x4c5: {  	v42 =	vadd.f32 v49, v42;
	v58 =	vmax.f32 v35, $-5.000000000e+00;
	v55 =	vld.idx.msk [tilespmem:v38+s31+$0x0], $0xffff;
	vm12 =	vle.f32 v59, v34  }
0x4c6: {  	v37 =	vld.idx.msk [tilespmem:v37+s22+$0x0], $0xffff;
	v36 =	vmin.f32 v58, $5.000000000e+00;
	v5 =	vadd.f32 v5, v57;
	v2 =	vsel vm12, v56, v52  }
0x4c7: {  	v60 =	vld.idx.msk [tilespmem:v38+s30+$0x0], $0xffff;
	v0 =	vmul.f32 v42, v0;
	v59 =	vimm.s32 $0x0;
	v63 =	vor.u32 $0x1, v2  }
0x4c8: {  	v54 =	vld [tilespmem:$0x1FFD0];
	v56 =	vadd.s32 $0x1, v39;
	v62 =	vpop (erf);
	v5 =	vmul.f32 v5, v61;
	v21 =	vperm.xlane v11, v63  }
0x4c9: {  	v61 =	vimm.s32 $0x0;
	v43 =	vld.idx.msk [tilespmem:v39+s24+$0x0], $0xffff;
	v9 =	vmul.f32 v62, v62;
	v0 =	vmul.f32 v62, v0  }
0x4ca: {  	v42 =	vld.idx.msk [tilespmem:v39+s25+$0x0], $0xffff;
	v28 =	vmul.f32 v27, v55;
	v27 =	vadd.f32 v1, v3;
	vm13 =	vle.f32 v21, v34  }
0x4cb: {  	v1 =	vmul.f32 $6.931471820e-01, v22;
	v4 =	vmul.f32 v9, v5;
	v2 =	vsel vm13, v63, v2  }
0x4cc: {  	v10 =	vld.idx.msk [tilespmem:v39+s26+$0x0], $0xffff;
	v0 =	vmul.f32 v0, v40;
	v23 =	vadd.f32 v28, v60;
	v52 =	vperm.xlane v51, v2  }
0x4cd: {  	v63 =	vld [tilespmem:$0x1FFF0];
	v50 =	vshrl.u32 v4, $0x10;
	v38 =	vperm.xlane v53, v2;
	v55 =	vperm.xlane v54, v2  }
0x4ce: {  	v2 =	vshll.u32 v2, $0x3;
	v0 =	vadd.f32 v0, v37;
	v53 =	vand.u32 $0xFFFF, v4  }
0x4cf: {  	v49 =	vmul.f32 v43, v32;
	v44 =	vand.u32 $0x7F, v50;
	v41 =	vmul.f32 v42, v43  }
0x4d0: {  	v22 =	vld [tilespmem:$0x1FFB0];
	v58 =	vcvt.s32.f32 v53;
	vm14 =	vle.f32 v52, v34;
	v29 =	vadd.f32 v0, v6  }
0x4d1: {  	v5 =	vadd.f32 v49, v10;
	v57 =	vsel vm14, v38, v55;
	v60 =	vsel vm14, $0x4, v59  }
0x4d2: {  	v45 =	vld.idx.msk [tilespmem:v56+s23+$0x0], $0xffff;
	v10 =	vimm.s32 $0x0;
	vm15 =	vle.f32 v57, v34;
	vm4 =	vle.f32 v63, v36  }
0x4d3: {  	v9 =	vld.idx.msk [tilespmem:v39+s29+$0x0], $0xffff;
	v57 =	vshra.s32 v4, $0x17;
	v62 =	vsel vm15, $0x2, v61;
	v11 =	vsel vm4, $0x8, v10  }
0x4d4: {  	v37 =	vld [tilespmem:s11+$0x30];
	v5 =	vmax.f32 v5, $0.0e+00;
	v28 =	vor.u32 v62, v60;
	v21 =	vor.u32 $0x4, v11  }
0x4d5: {  	v55 =	vld [tilespmem:$0x1FFB0];
	v5 =	vmin.f32 v5, $1.000000000e+00;
	v2 =	vor.u32 v28, v2;
	v3 =	vperm.xlane v22, v21  }
0x4d6: {  	v47 =	vsub.f32 $1.000000000e+00, v5;
	v28 =	vadd.f32 v23, v1;
	v23 =	vld.idx.msk [tilespmem:v44+s31+$0x0], $0xffff;
	v1 =	vor.u32 $0x1, v2  }
0x4d7: {  	v0 =	vcvt.s32.f32 v57;
	v62 =	vmul.f32 v5, v45;
	vm6 =	vle.f32 v3, v36;
	v3 =	vld.idx.msk [tilespmem:v39+s23+$0x0], $0xffff  }
0x4d8: {  	v61 =	vmul.f32 v5, v41;
	v40 =	vmul.f32 v47, v5;
	v38 =	vsel vm6, v21, v11  }
0x4d9: {  	v10 =	vld [tilespmem:$0x1FFB0];
	v0 =	vmul.f32 $6.931471820e-01, v0;
	v22 =	vmul.f32 v62, v5;
	v52 =	vor.u32 $0x2, v38  }
0x4da: {  	vm13 =	vge.f32 v31, $0.0e+00;
	v59 =	vld.idx.msk [tilespmem:v44+s30+$0x0], $0xffff;
	v51 =	vmul.f32 v40, v9;
	v56 =	vperm.xlane v55, v52  }
0x4db: {  	v62 =	vmax.f32 v37, $-5.000000000e+00;
	v9 =	vadd.f32 v41, v41;
	v4 =	vmul.f32 v58, v23;
	v54 =	vld.idx.msk [tilespmem:v1+s5+$0x0], $0xffff  }
0x4dc: {  	v43 =	vadd.f32 v51, v41;
	vm7 =	vle.f32 v56, v36;
	v60 =	vmul.f32 v47, v3  }
0x4dd: {  	v50 =	vld [tilespmem:$0x1FFD0];
	v40 =	vmul.f32 v40, v9;
	v41 =	vmul.f32 v41, v41;
	v38 =	vsel vm7, v52, v38  }
0x4de: {  	(erf) = vrcp.f32 v43;
	v63 =	vor.u32 $0x1, v38;
	v46 =	vmul.f32 v60, v47;
	v47 =	vld [tilespmem:$0x1FFC0]  }
0x4df: {  	v49 =	vld [tilespmem:$0x1FFE0];
	v9 =	vimm.s32 $0x0;
	v4 =	vadd.f32 v4, v59;
	v11 =	vperm.xlane v10, v63  }
0x4e0: {  	v3 =	vsel vm13, v45, v3;
	v56 =	vsub.f32 v31, v32;
	vm8 =	vle.f32 v54, v34  }
0x4e1: {  	v21 =	vadd.f32 v60, v61;
	v1 =	vsel vm8, v1, v2;
	vm9 =	vle.f32 v11, v36  }
0x4e2: {  	v30 =	vadd.f32 v4, v0;
	v3 =	vmul.f32 v3, v56;
	v10 =	vld [tilespmem:$0x1FFF0];
	v23 =	vsel vm9, v63, v38  }
0x4e3: {  	v5 =	vmul.f32 v21, v5;
	v2 =	vadd.f32 v40, v22;
	v48 =	vperm.xlane v47, v23  }
0x4e4: {  	v11 =	vimm.s32 $0x0;
	v0 =	vperm.xlane v49, v23;
	v4 =	vperm.xlane v50, v23  }
0x4e5: {  	v53 =	vld [tilespmem:$0x1FFB0];
	v38 =	vmin.f32 v62, $5.000000000e+00;
	v2 =	vadd.f32 v2, v46;
	vm10 =	vle.f32 v48, v36  }
0x4e6: {  	v55 =	vadd.s32 $0x1, v1;
	v6 =	vshll.u32 v23, $0x3;
	v52 =	vld.idx.msk [tilespmem:v1+s24+$0x0], $0xffff;
	v0 =	vsel vm10, v0, v4  }
0x4e7: {  	vm12 =	vle.f32 v10, v38;
	v2 =	vmul.f32 v2, v41;
	v51 =	vpop (erf);
	vm11 =	vle.f32 v0, v36  }
0x4e8: {  	v63 =	vld.idx.msk [tilespmem:v1+s26+$0x0], $0xffff;
	v0 =	vsel vm10, $0x4, v8;
	v43 =	vmul.f32 v51, v51;
	v4 =	vsel vm11, $0x2, v9  }
0x4e9: {  	v39 =	vld.idx.msk [tilespmem:v39+s22+$0x0], $0xffff;
	v5 =	vmul.f32 v51, v5;
	v0 =	vor.u32 v4, v0;
	v4 =	vsel vm12, $0x8, v11  }
0x4ea: {  	v62 =	vld [tilespmem:$0x1FFB0];
	v2 =	vmul.f32 v43, v2;
	v0 =	vor.u32 v0, v6;
	v22 =	vor.u32 $0x4, v4  }
0x4eb: {  	v48 =	vld.idx.msk [tilespmem:v1+s25+$0x0], $0xffff;
	v21 =	vmul.f32 v52, v34;
	v23 =	vor.u32 $0x1, v0;
	v54 =	vperm.xlane v53, v22  }
0x4ec: {  	v5 =	vmul.f32 v5, v42;
	vm12 =	vge.f32 v33, $0.0e+00;
	v33 =	vsub.f32 v33, v34  }
0x4ed: {  	v57 =	vld.idx.msk [tilespmem:v1+s29+$0x0], $0xffff;
	v59 =	vshra.s32 v2, $0x17;
	v40 =	vadd.f32 v21, v63;
	vm14 =	vle.f32 v54, v38  }
0x4ee: {  	v42 =	vld.idx.msk [tilespmem:v55+s23+$0x0], $0xffff;
	v5 =	vadd.f32 v5, v39;
	v8 =	vand.u32 $0xFFFF, v2;
	v4 =	vsel vm14, v22, v4  }
0x4ef: {  	v2 =	vshrl.u32 v2, $0x10;
	v21 =	vld [tilespmem:$0x1FFB0];
	v40 =	vmax.f32 v40, $0.0e+00;
	v58 =	vor.u32 $0x2, v4  }
0x4f0: {  	v10 =	vmul.f32 v48, v52;
	v32 =	vmin.f32 v40, $1.000000000e+00;
	v61 =	vld.idx.msk [tilespmem:v23+s5+$0x0], $0xffff;
	v63 =	vperm.xlane v62, v58  }
0x4f1: {  	v45 =	vld.idx.msk [tilespmem:v1+s23+$0x0], $0xffff;
	v6 =	vcvt.s32.f32 v59;
	v49 =	vcvt.s32.f32 v8;
	v60 =	vsub.f32 $1.000000000e+00, v32  }
0x4f2: {  	v56 =	vld [tilespmem:$0x1FFD0];
	v2 =	vand.u32 $0x7F, v2;
	v40 =	vmul.f32 v10, v10;
	vm15 =	vle.f32 v63, v38  }
0x4f3: {  	v39 =	vld [tilespmem:s11+$0x40];
	v62 =	vimm.s32 $0x0;
	v9 =	vmul.f32 v60, v32;
	v4 =	vsel vm15, v58, v4  }
0x4f4: {  	v54 =	vld [tilespmem:$0x1FFC0];
	v51 =	vmul.f32 v32, v42;
	v63 =	vimm.s32 $0x0;
	v11 =	vor.u32 $0x1, v4  }
0x4f5: {  	v55 =	vld [tilespmem:$0x1FFE0];
	v31 =	vmul.f32 v9, v57;
	vm4 =	vle.f32 v61, v36;
	v22 =	vperm.xlane v21, v11  }
0x4f6: {  	v50 =	vmul.f32 v60, v45;
	v43 =	vsel vm4, v23, v0;
	v23 =	vadd.f32 v10, v10  }
0x4f7: {  	v51 =	vmul.f32 v51, v32;
	v31 =	vadd.f32 v31, v10;
	vm5 =	vle.f32 v22, v38  }
0x4f8: {  	v0 =	vmul.f32 v32, v10;
	v4 =	vsel vm5, v11, v4;
	v41 =	vmul.f32 v9, v23  }
0x4f9: {  	v58 =	vmax.f32 v39, $-5.000000000e+00;
	v10 =	vld [tilespmem:$0x1FFF0];
	(erf) = vrcp.f32 v31;
	v44 =	vperm.xlane v54, v4  }
0x4fa: {  	v31 =	vadd.f32 v5, v3;
	v3 =	vperm.xlane v55, v4;
	v5 =	vperm.xlane v56, v4  }
0x4fb: {  	v57 =	vmul.f32 v50, v60;
	v41 =	vadd.f32 v41, v51;
	v47 =	vld.idx.msk [tilespmem:v43+s24+$0x0], $0xffff;
	vm6 =	vle.f32 v44, v38  }
0x4fc: {  	v11 =	vimm.s32 $0x0;
	v0 =	vadd.f32 v50, v0;
	v55 =	vld [tilespmem:$0x1FFB0];
	v3 =	vsel vm6, v3, v5  }
0x4fd: {  	v60 =	vld.idx.msk [tilespmem:v43+s26+$0x0], $0xffff;
	v59 =	vadd.f32 v41, v57;
	v41 =	vmin.f32 v58, $5.000000000e+00;
	vm7 =	vle.f32 v3, v38  }
0x4fe: {  	v61 =	vld.idx.msk [tilespmem:v2+s31+$0x0], $0xffff;
	v5 =	vsel vm6, $0x4, v62;
	vm8 =	vle.f32 v10, v41;
	v9 =	vsel vm7, $0x2, v63  }
0x4ff: {  	v4 =	vshll.u32 v4, $0x3;
	v21 =	vsel vm8, $0x8, v11;
	v5 =	vor.u32 v9, v5  }
0x500: {  	v2 =	vld.idx.msk [tilespmem:v2+s30+$0x0], $0xffff;
	v22 =	vor.u32 $0x4, v21;
	v52 =	vmul.f32 v47, v36;
	v4 =	vor.u32 v5, v4  }
0x501: {  	v6 =	vmul.f32 $6.931471820e-01, v6;
	v62 =	vld [tilespmem:$0x1FFB0];
	v54 =	vperm.xlane v55, v22;
	v53 =	vor.u32 $0x1, v4  }
0x502: {  	v1 =	vld.idx.msk [tilespmem:v1+s22+$0x0], $0xffff;
	v0 =	vmul.f32 v0, v32;
	v58 =	vadd.s32 $0x1, v43;
	v46 =	vadd.f32 v52, v60  }
0x503: {  	v3 =	vmul.f32 v49, v61;
	v49 =	vld.idx.msk [tilespmem:v43+s25+$0x0], $0xffff;
	v40 =	vmul.f32 v59, v40;
	v23 =	vpop (erf);
	vm9 =	vle.f32 v54, v41  }
0x504: {  	v59 =	vld.idx.msk [tilespmem:v43+s29+$0x0], $0xffff;
	v56 =	vmul.f32 v23, v23;
	v5 =	vsel vm9, v22, v21;
	v57 =	vmax.f32 v46, $0.0e+00  }
0x505: {  	v2 =	vadd.f32 v3, v2;
	v21 =	vld [tilespmem:$0x1FFB0];
	v60 =	vor.u32 $0x2, v5;
	v51 =	vmin.f32 v57, $1.000000000e+00  }
0x506: {  	v40 =	vmul.f32 v56, v40;
	v63 =	vperm.xlane v62, v60;
	v3 =	vsub.f32 $1.000000000e+00, v51;
	v61 =	vld.idx.msk [tilespmem:v53+s5+$0x0], $0xffff  }
0x507: {  	vm4 =	vge.f32 v35, $0.0e+00;
	v32 =	vadd.f32 v2, v6;
	v0 =	vmul.f32 v23, v0  }
0x508: {  	v57 =	vld [tilespmem:$0x1FFC0];
	v8 =	vshrl.u32 v40, $0x10;
	vm10 =	vle.f32 v63, v41;
	v55 =	vmul.f32 v3, v51  }
0x509: {  	v0 =	vmul.f32 v0, v48;
	v50 =	vand.u32 $0x7F, v8;
	v9 =	vsel vm10, v60, v5;
	v5 =	vld.idx.msk [tilespmem:v58+s23+$0x0], $0xffff  }
0x50a: {  	v6 =	vmul.f32 v49, v47;
	v11 =	vor.u32 $0x1, v9;
	v10 =	vmul.f32 v55, v59;
	v59 =	vld [tilespmem:$0x1FFE0]  }
0x50b: {  	v0 =	vadd.f32 v0, v1;
	v1 =	vperm.xlane v21, v11;
	vm11 =	vle.f32 v61, v38;
	v61 =	vld [tilespmem:$0x1FFD0]  }
0x50c: {  	v35 =	vsub.f32 v35, v36;
	v23 =	vshra.s32 v40, $0x17;
	v44 =	vsel vm11, v53, v4  }
0x50d: {  	v40 =	vand.u32 $0xFFFF, v40;
	v47 =	vadd.f32 v10, v6;
	vm13 =	vle.f32 v1, v41  }
0x50e: {  	v40 =	vcvt.s32.f32 v40;
	v22 =	vld.idx.msk [tilespmem:v50+s31+$0x0], $0xffff;
	v2 =	vsel vm13, v11, v9;
	v56 =	vmul.f32 v51, v5  }
0x50f: {  	v4 =	vsel vm12, v42, v45;
	v45 =	vld.idx.msk [tilespmem:v43+s23+$0x0], $0xffff;
	(erf) = vrcp.f32 v47;
	v46 =	vperm.xlane v57, v2  }
0x510: {  	v58 =	vadd.f32 v6, v6;
	v60 =	vperm.xlane v59, v2;
	v62 =	vperm.xlane v61, v2  }
0x511: {  	v1 =	vcvt.s32.f32 v23;
	v11 =	vimm.s32 $0x0;
	vm14 =	vle.f32 v46, v41;
	v53 =	vld.idx.msk [tilespmem:v44+s24+$0x0], $0xffff  }
0x512: {  	v47 =	vmul.f32 v55, v58;
	v42 =	vmul.f32 v56, v51;
	v48 =	vsel vm14, v60, v62  }
0x513: {  	v10 =	vld.idx.msk [tilespmem:v44+s26+$0x0], $0xffff;
	v34 =	vmul.f32 v40, v22;
	v22 =	vimm.s32 $0x0;
	vm15 =	vle.f32 v48, v41  }
0x514: {  	v63 =	vld.idx.msk [tilespmem:v50+s30+$0x0], $0xffff;
	v9 =	vmul.f32 v3, v45;
	v21 =	vsel vm14, $0x4, v11;
	v48 =	vsel vm15, $0x2, v22  }
0x515: {  	v2 =	vshll.u32 v2, $0x3;
	v42 =	vadd.f32 v47, v42;
	v47 =	vor.u32 v48, v21  }
0x516: {  	v3 =	vmul.f32 v9, v3;
	v56 =	vmul.f32 v53, v38;
	v2 =	vor.u32 v47, v2  }
0x517: {  	v23 =	vmul.f32 v51, v6;
	v6 =	vmul.f32 v6, v6;
	v47 =	vor.u32 $0x1, v2  }
0x518: {  	v4 =	vmul.f32 v4, v33;
	v40 =	vld [tilespmem:s11+$0x50];
	v3 =	vadd.f32 v42, v3;
	v57 =	vadd.f32 v56, v10  }
0x519: {  	v1 =	vmul.f32 $6.931471820e-01, v1;
	v58 =	vadd.f32 v9, v23;
	v34 =	vadd.f32 v34, v63;
	v48 =	vld.idx.msk [tilespmem:v44+s25+$0x0], $0xffff;
	v59 =	vpop (erf)  }
0x51a: {  	v21 =	vld [tilespmem:$0x1FFF0];
	v3 =	vmul.f32 v3, v6;
	v60 =	vmul.f32 v59, v59;
	v52 =	vmax.f32 v57, $0.0e+00  }
0x51b: {  	v61 =	vadd.s32 $0x1, v44;
	v63 =	vld.idx.msk [tilespmem:v44+s29+$0x0], $0xffff;
	v62 =	vmul.f32 v58, v51;
	v51 =	vmin.f32 v52, $1.000000000e+00  }
0x51c: {  	v34 =	vadd.f32 v34, v1;
	v1 =	vmul.f32 v60, v3;
	v3 =	vsub.f32 $1.000000000e+00, v51;
	v9 =	vld.idx.msk [tilespmem:v47+s5+$0x0], $0xffff  }
0x51d: {  	v33 =	vadd.f32 v0, v4;
	v5 =	vsel vm4, v5, v45;
	v10 =	vmax.f32 v40, $-5.000000000e+00;
	v57 =	vld [tilespmem:$0x1FFB0]  }
0x51e: {  	v22 =	vimm.s32 $0x0;
	v42 =	vmin.f32 v10, $5.000000000e+00;
	v52 =	vmul.f32 v3, v51  }
0x51f: {  	v0 =	vmul.f32 v59, v62;
	vm5 =	vle.f32 v21, v42;
	v53 =	vmul.f32 v48, v53  }
0x520: {  	v50 =	vld.idx.msk [tilespmem:v61+s23+$0x0], $0xffff;
	v23 =	vsel vm5, $0x8, v22;
	v11 =	vshrl.u32 v1, $0x10;
	v4 =	vmul.f32 v52, v63  }
0x521: {  	v55 =	vld.idx.msk [tilespmem:v44+s23+$0x0], $0xffff;
	v56 =	vor.u32 $0x4, v23;
	v46 =	vand.u32 $0x7F, v11;
	vm6 =	vle.f32 v9, v41  }
0x522: {  	v10 =	vld [tilespmem:$0x1FFB0];
	v4 =	vadd.f32 v4, v53;
	v45 =	vsel vm6, v47, v2;
	v2 =	vperm.xlane v57, v56  }
0x523: {  	v5 =	vmul.f32 v5, v35;
	v58 =	vld.idx.msk [tilespmem:v43+s22+$0x0], $0xffff;
	v0 =	vmul.f32 v0, v49  }
0x524: {  	v59 =	vshra.s32 v1, $0x17;
	(erf) = vrcp.f32 v4;
	vm7 =	vle.f32 v2, v42  }
0x525: {  	v49 =	vld [tilespmem:s11+$0x60];
	v60 =	vmul.f32 v51, v50;
	v62 =	vadd.f32 v53, v53;
	v6 =	vsel vm7, v56, v23  }
0x526: {  	v22 =	vmul.f32 v51, v53;
	v63 =	vmul.f32 v3, v55;
	v61 =	vld.idx.msk [tilespmem:v46+s31+$0x0], $0xffff;
	v9 =	vor.u32 $0x2, v6  }
0x527: {  	v1 =	vand.u32 $0xFFFF, v1;
	v2 =	vcvt.s32.f32 v59;
	v59 =	vld [tilespmem:$0x1FFB0];
	v11 =	vperm.xlane v10, v9  }
0x528: {  	v0 =	vadd.f32 v0, v58;
	v1 =	vcvt.s32.f32 v1;
	v43 =	vmul.f32 v52, v62;
	v52 =	vld.idx.msk [tilespmem:v45+s24+$0x0], $0xffff  }
0x529: {  	v21 =	vld.idx.msk [tilespmem:v46+s30+$0x0], $0xffff;
	v46 =	vadd.f32 v63, v22;
	v4 =	vmul.f32 v60, v51;
	vm8 =	vle.f32 v11, v42  }
0x52a: {  	v35 =	vadd.f32 v0, v5;
	v3 =	vmul.f32 v63, v3;
	v63 =	vld [tilespmem:$0x1FFC0];
	v6 =	vsel vm8, v9, v6  }
0x52b: {  	v60 =	vmul.f32 v46, v51;
	v4 =	vadd.f32 v43, v4;
	v23 =	vld.idx.msk [tilespmem:v45+s26+$0x0], $0xffff;
	v57 =	vor.u32 $0x1, v6  }
0x52c: {  	v22 =	vadd.s32 $0x1, v45;
	v56 =	vmul.f32 v53, v53;
	v9 =	vld [tilespmem:$0x1FFE0];
	v5 =	vperm.xlane v59, v57  }
0x52d: {  	v1 =	vmul.f32 v1, v61;
	v3 =	vadd.f32 v4, v3;
	v11 =	vld [tilespmem:$0x1FFD0];
	v58 =	vmul.f32 v52, v41;
	v61 =	vpop (erf)  }
0x52e: {  	v62 =	vmul.f32 v61, v61;
	vm9 =	vle.f32 v5, v42;
	v5 =	vmul.f32 v61, v60;
	v61 =	vld [tilespmem:$0x1FFF0]  }
0x52f: {  	v1 =	vadd.f32 v1, v21;
	v3 =	vmul.f32 v3, v56;
	v56 =	vmax.f32 v49, $-5.000000000e+00  }
0x530: {  	v53 =	vmin.f32 v56, $5.000000000e+00;
	v0 =	vadd.f32 v58, v23;
	v4 =	vsel vm9, v57, v6  }
0x531: {  	v59 =	vimm.s32 $0x0;
	v6 =	vperm.xlane v63, v4;
	v10 =	vperm.xlane v9, v4;
	v9 =	vld [tilespmem:$0x1FFB0]  }
0x532: {  	v47 =	vld.idx.msk [tilespmem:v45+s25+$0x0], $0xffff;
	v3 =	vmul.f32 v62, v3;
	v0 =	vmax.f32 v0, $0.0e+00;
	v21 =	vperm.xlane v11, v4  }
0x533: {  	v62 =	vimm.s32 $0x0;
	vm10 =	vle.f32 v6, v42;
	vm12 =	vle.f32 v61, v53  }
0x534: {  	v23 =	vld.idx.msk [tilespmem:v45+s29+$0x0], $0xffff;
	v0 =	vmin.f32 v0, $1.000000000e+00;
	v36 =	vsel vm10, v10, v21;
	v63 =	vsel vm12, $0x8, v62  }
0x535: {  	v54 =	vsub.f32 $1.000000000e+00, v0;
	vm11 =	vle.f32 v36, v42;
	v56 =	vor.u32 $0x4, v63  }
0x536: {  	v2 =	vmul.f32 $6.931471820e-01, v2;
	v60 =	vsel vm11, $0x2, v59;
	v59 =	vperm.xlane v9, v56  }
0x537: {  	v57 =	vimm.s32 $0x0;
	v6 =	vmul.f32 v47, v52;
	v52 =	vmul.f32 v54, v0  }
0x538: {  	v4 =	vshll.u32 v4, $0x3;
	v58 =	vsel vm10, $0x4, v57;
	vm14 =	vle.f32 v59, v53;
	v59 =	vld [tilespmem:$0x1FFB0]  }
0x539: {  	v57 =	vshrl.u32 v3, $0x10;
	v36 =	vor.u32 v60, v58;
	v51 =	vmul.f32 v52, v23  }
0x53a: {  	v4 =	vor.u32 v36, v4;
	v36 =	vadd.f32 v1, v2;
	v1 =	vand.u32 $0x7F, v57  }
0x53b: {  	v5 =	vmul.f32 v5, v48;
	v10 =	vsel vm14, v56, v63  }
0x53c: {  	v48 =	vld.idx.msk [tilespmem:v22+s23+$0x0], $0xffff;
	v58 =	vor.u32 $0x1, v4;
	v51 =	vadd.f32 v51, v6;
	v21 =	vor.u32 $0x2, v10  }
0x53d: {  	vm13 =	vge.f32 v37, $0.0e+00;
	v37 =	vsub.f32 v37, v38;
	v2 =	vld.idx.msk [tilespmem:v45+s23+$0x0], $0xffff;
	v60 =	vperm.xlane v59, v21  }
0x53e: {  	v44 =	vld.idx.msk [tilespmem:v44+s22+$0x0], $0xffff;
	v11 =	vsel vm13, v50, v55;
	(erf) = vrcp.f32 v51  }
0x53f: {  	v37 =	vmul.f32 v11, v37;
	v22 =	vshra.s32 v3, $0x17;
	v61 =	vld.idx.msk [tilespmem:v1+s31+$0x0], $0xffff;
	vm15 =	vle.f32 v60, v53  }
0x540: {  	v43 =	vcvt.s32.f32 v22;
	v3 =	vand.u32 $0xFFFF, v3;
	v38 =	vsel vm15, v21, v10;
	v21 =	vld [tilespmem:$0x1FFB0]  }
0x541: {  	v3 =	vcvt.s32.f32 v3;
	v8 =	vadd.f32 v6, v6;
	v7 =	vmul.f32 v0, v48;
	v23 =	vld.idx.msk [tilespmem:v58+s5+$0x0], $0xffff  }
0x542: {  	v63 =	vmul.f32 v0, v6;
	v62 =	vmul.f32 v54, v2;
	v1 =	vld.idx.msk [tilespmem:v1+s30+$0x0], $0xffff  }
0x543: {  	v50 =	vmul.f32 v52, v8;
	v59 =	vld [tilespmem:$0x1FFC0];
	v10 =	vmul.f32 v7, v0  }
0x544: {  	v9 =	vadd.f32 v62, v63;
	v56 =	vmul.f32 v62, v54;
	v62 =	vld [tilespmem:$0x1FFD0];
	v11 =	vor.u32 $0x1, v38  }
0x545: {  	v3 =	vmul.f32 v3, v61;
	v61 =	vld [tilespmem:$0x1FFE0];
	v50 =	vadd.f32 v50, v10;
	v22 =	vperm.xlane v21, v11  }
0x546: {  	v5 =	vadd.f32 v5, v44;
	v6 =	vmul.f32 v6, v6;
	vm4 =	vle.f32 v23, v42  }
0x547: {  	v4 =	vsel vm4, v58, v4;
	v23 =	vpop (erf);
	v58 =	vadd.f32 v50, v56;
	vm5 =	vle.f32 v22, v53  }
0x548: {  	v46 =	vld [tilespmem:s11+$0x70];
	v0 =	vmul.f32 v9, v0;
	v44 =	vmul.f32 v23, v23;
	v57 =	vsel vm5, v11, v38  }
0x549: {  	v6 =	vmul.f32 v58, v6;
	v60 =	vperm.xlane v59, v57  }
0x54a: {  	v1 =	vadd.f32 v3, v1;
	v3 =	vperm.xlane v61, v57;
	v63 =	vperm.xlane v62, v57  }
0x54b: {  	v43 =	vmul.f32 $6.931471820e-01, v43;
	v0 =	vmul.f32 v23, v0;
	v58 =	vld [tilespmem:$0x1FFF0];
	vm6 =	vle.f32 v60, v53  }
0x54c: {  	v21 =	vimm.s32 $0x0;
	v54 =	vld.idx.msk [tilespmem:v4+s24+$0x0], $0xffff;
	v9 =	vsel vm6, v3, v63;
	v3 =	vmul.f32 v44, v6  }
0x54d: {  	v22 =	vmax.f32 v46, $-5.000000000e+00;
	v38 =	vadd.f32 v5, v37;
	v37 =	vadd.f32 v1, v43;
	v10 =	vld.idx.msk [tilespmem:v4+s26+$0x0], $0xffff  }
0x54e: {  	v11 =	vimm.s32 $0x0;
	vm7 =	vle.f32 v9, v53;
	v9 =	vld [tilespmem:$0x1FFB0];
	v59 =	vshrl.u32 v3, $0x10  }
0x54f: {  	v51 =	vmin.f32 v22, $5.000000000e+00;
	v56 =	vshll.u32 v57, $0x3;
	v43 =	vand.u32 $0x7F, v59  }
0x550: {  	vm8 =	vle.f32 v58, v51;
	v60 =	vimm.s32 $0x0;
	v1 =	vsel vm6, $0x4, v11  }
0x551: {  	v23 =	vld.idx.msk [tilespmem:v45+s22+$0x0], $0xffff;
	v61 =	vsel vm8, $0x8, v60;
	v57 =	vmul.f32 v54, v42;
	v6 =	vsel vm7, $0x2, v21  }
0x552: {  	vm9 =	vge.f32 v39, $0.0e+00;
	v62 =	vor.u32 $0x4, v61;
	v1 =	vor.u32 v6, v1  }
0x553: {  	v5 =	vadd.f32 v57, v10;
	v1 =	vor.u32 v1, v56;
	v10 =	vperm.xlane v9, v62  }
0x554: {  	v39 =	vsub.f32 v39, v41;
	v0 =	vmul.f32 v0, v47;
	v45 =	vor.u32 $0x1, v1;
	v22 =	vld.idx.msk [tilespmem:v43+s31+$0x0], $0xffff  }
0x555: {  	v2 =	vsel vm9, v48, v2;
	vm10 =	vle.f32 v10, v51;
	v10 =	vld [tilespmem:$0x1FFB0]  }
0x556: {  	v2 =	vmul.f32 v2, v39;
	v0 =	vadd.f32 v0, v23  }
0x557: {  	v63 =	vadd.s32 $0x1, v4;
	v11 =	vshra.s32 v3, $0x17;
	v3 =	vand.u32 $0xFFFF, v3  }
0x558: {  	v55 =	vld.idx.msk [tilespmem:v4+s25+$0x0], $0xffff;
	v47 =	vcvt.s32.f32 v11;
	v11 =	vcvt.s32.f32 v3;
	v6 =	vsel vm10, v62, v61  }
0x559: {  	v21 =	vld.idx.msk [tilespmem:v45+s5+$0x0], $0xffff;
	v23 =	vor.u32 $0x2, v6  }
0x55a: {  	v39 =	vadd.f32 v0, v2;
	v60 =	vperm.xlane v10, v23;
	v0 =	vmul.f32 v11, v22;
	v22 =	vld [tilespmem:$0x1FFB0]  }
0x55b: {  	v50 =	vld [tilespmem:s11+$0x80];
	v5 =	vmax.f32 v5, $0.0e+00  }
0x55c: {  	v41 =	vld.idx.msk [tilespmem:v4+s29+$0x0], $0xffff;
	v5 =	vmin.f32 v5, $1.000000000e+00;
	vm11 =	vle.f32 v60, v51  }
0x55d: {  	v58 =	vld.idx.msk [tilespmem:v63+s23+$0x0], $0xffff;
	v56 =	vsub.f32 $1.000000000e+00, v5;
	v6 =	vsel vm11, v23, v6  }
0x55e: {  	v2 =	vmul.f32 v55, v54;
	v63 =	vld [tilespmem:$0x1FFF0];
	vm12 =	vle.f32 v21, v53;
	v21 =	vor.u32 $0x1, v6  }
0x55f: {  	v44 =	vld.idx.msk [tilespmem:v4+s23+$0x0], $0xffff;
	v9 =	vmul.f32 v56, v5;
	v23 =	vperm.xlane v22, v21  }
0x560: {  	v57 =	vld [tilespmem:$0x1FFB0];
	v61 =	vmax.f32 v50, $-5.000000000e+00;
	v62 =	vadd.f32 v2, v2  }
0x561: {  	v52 =	vmin.f32 v61, $5.000000000e+00;
	v41 =	vmul.f32 v9, v41;
	vm13 =	vle.f32 v23, v51;
	v23 =	vld [tilespmem:$0x1FFD0]  }
0x562: {  	v45 =	vsel vm12, v45, v1;
	v1 =	vsel vm13, v21, v6;
	v6 =	vmul.f32 v9, v62;
	v9 =	vld [tilespmem:$0x1FFC0]  }
0x563: {  	vm14 =	vle.f32 v63, v52;
	v21 =	vld [tilespmem:$0x1FFE0]  }
0x564: {  	v41 =	vadd.f32 v41, v2;
	v11 =	vimm.s32 $0x0;
	v60 =	vmul.f32 v5, v58  }
0x565: {  	v54 =	vmul.f32 v5, v2;
	v3 =	vmul.f32 v56, v44;
	v59 =	vsel vm14, $0x8, v11  }
0x566: {  	(erf) = vrcp.f32 v41;
	v41 =	vmul.f32 v60, v5;
	v62 =	vor.u32 $0x4, v59  }
0x567: {  	v63 =	vperm.xlane v57, v62;
	v10 =	vperm.xlane v9, v1  }
0x568: {  	v48 =	vadd.f32 v3, v54;
	v54 =	vld.idx.msk [tilespmem:v45+s24+$0x0], $0xffff;
	v61 =	vperm.xlane v23, v1;
	v22 =	vperm.xlane v21, v1  }
0x569: {  	v3 =	vmul.f32 v3, v56;
	v6 =	vadd.f32 v6, v41;
	v41 =	vld.idx.msk [tilespmem:v45+s26+$0x0], $0xffff;
	vm15 =	vle.f32 v10, v51  }
0x56a: {  	vm5 =	vle.f32 v63, v52;
	v8 =	vsel vm15, v22, v61;
	v61 =	vld [tilespmem:$0x1FFB0]  }
0x56b: {  	v2 =	vmul.f32 v2, v2;
	v59 =	vsel vm5, v62, v59;
	v3 =	vadd.f32 v6, v3  }
0x56c: {  	v9 =	vimm.s32 $0x0;
	v21 =	vimm.s32 $0x0;
	vm4 =	vle.f32 v8, v51  }
0x56d: {  	v11 =	vmul.f32 v54, v53;
	v10 =	vsel vm15, $0x4, v9;
	v22 =	vsel vm4, $0x2, v21  }
0x56e: {  	v1 =	vshll.u32 v1, $0x3;
	v23 =	vor.u32 $0x2, v59;
	v56 =	vor.u32 v22, v10  }
0x56f: {  	v41 =	vadd.f32 v11, v41;
	v11 =	vld [tilespmem:$0x1FFB0];
	v1 =	vor.u32 v56, v1;
	v6 =	vperm.xlane v61, v23  }
0x570: {  	v62 =	vpop (erf);
	v56 =	vor.u32 $0x1, v1  }
0x571: {  	v4 =	vld.idx.msk [tilespmem:v4+s22+$0x0], $0xffff;
	v63 =	vmul.f32 v62, v62;
	v2 =	vmul.f32 v3, v2;
	vm6 =	vle.f32 v6, v52  }
0x572: {  	v43 =	vld.idx.msk [tilespmem:v43+s30+$0x0], $0xffff;
	v5 =	vmul.f32 v48, v5;
	v9 =	vsel vm6, v23, v59  }
0x573: {  	v3 =	vld.idx.msk [tilespmem:v45+s29+$0x0], $0xffff;
	v2 =	vmul.f32 v63, v2;
	v41 =	vmax.f32 v41, $0.0e+00;
	v10 =	vor.u32 $0x1, v9  }
0x574: {  	v5 =	vmul.f32 v62, v5;
	v57 =	vmin.f32 v41, $1.000000000e+00;
	v6 =	vld.idx.msk [tilespmem:v45+s25+$0x0], $0xffff;
	v21 =	vperm.xlane v11, v10  }
0x575: {  	v22 =	vshrl.u32 v2, $0x10;
	v59 =	vsub.f32 $1.000000000e+00, v57;
	v23 =	vld.idx.msk [tilespmem:v56+s5+$0x0], $0xffff  }
0x576: {  	v5 =	vmul.f32 v5, v55;
	v61 =	vand.u32 $0x7F, v22;
	v22 =	vld [tilespmem:$0x1FFD0];
	vm7 =	vle.f32 v21, v52  }
0x577: {  	v62 =	vmul.f32 v59, v57;
	v41 =	vsel vm7, v10, v9;
	v9 =	vadd.s32 $0x1, v45;
	v10 =	vld [tilespmem:$0x1FFC0]  }
0x578: {  	vm8 =	vge.f32 v40, $0.0e+00;
	v40 =	vsub.f32 v40, v42;
	v11 =	vld [tilespmem:$0x1FFE0]  }
0x579: {  	v4 =	vadd.f32 v5, v4;
	v5 =	vmul.f32 v6, v54;
	v3 =	vmul.f32 v62, v3  }
0x57a: {  	v44 =	vsel vm8, v58, v44;
	vm9 =	vle.f32 v23, v51  }
0x57b: {  	v40 =	vmul.f32 v44, v40;
	v3 =	vadd.f32 v3, v5;
	v55 =	vsel vm9, v56, v1;
	v56 =	vld.idx.msk [tilespmem:v45+s23+$0x0], $0xffff  }
0x57c: {  	v0 =	vadd.f32 v0, v43;
	v63 =	vperm.xlane v22, v41;
	v48 =	vperm.xlane v10, v41;
	v1 =	vld.idx.msk [tilespmem:v9+s23+$0x0], $0xffff  }
0x57d: {  	v40 =	vadd.f32 v4, v40;
	v21 =	vperm.xlane v11, v41;
	v23 =	vld.idx.msk [tilespmem:v61+s31+$0x0], $0xffff;
	(erf) = vrcp.f32 v3  }
0x57e: {  	v9 =	vimm.s32 $0x0;
	v10 =	vimm.s32 $0x0;
	vm10 =	vle.f32 v48, v52  }
0x57f: {  	v41 =	vshll.u32 v41, $0x3;
	v60 =	vsel vm10, v21, v63;
	v63 =	vand.u32 $0xFFFF, v2  }
0x580: {  	v3 =	vsel vm10, $0x4, v9;
	v22 =	vmul.f32 v59, v56;
	v42 =	vcvt.s32.f32 v63  }
0x581: {  	v43 =	vld [tilespmem:s11+$0x90];
	vm11 =	vle.f32 v60, v52;
	v63 =	vadd.f32 v5, v5;
	v48 =	vmul.f32 v57, v1  }
0x582: {  	v21 =	vld.idx.msk [tilespmem:v61+s30+$0x0], $0xffff;
	v11 =	vsel vm11, $0x2, v10;
	v42 =	vmul.f32 v42, v23;
	v23 =	vmul.f32 v57, v5  }
0x583: {  	v60 =	vld.idx.msk [tilespmem:v55+s24+$0x0], $0xffff;
	v3 =	vor.u32 v11, v3;
	v9 =	vmul.f32 v62, v63;
	v4 =	vmul.f32 v48, v57  }
0x584: {  	v58 =	vld.idx.msk [tilespmem:v55+s26+$0x0], $0xffff;
	v3 =	vor.u32 v3, v41;
	v8 =	vadd.f32 v22, v23  }
0x585: {  	v61 =	vor.u32 $0x1, v3;
	v4 =	vadd.f32 v9, v4;
	v9 =	vld [tilespmem:$0x1FFF0]  }
0x586: {  	v57 =	vmul.f32 v8, v57;
	v8 =	vmul.f32 v22, v59  }
0x587: {  	v2 =	vshra.s32 v2, $0x17  }
0x588: {  	v10 =	vmax.f32 v43, $-5.000000000e+00;
	v11 =	vmul.f32 v60, v51;
	v4 =	vadd.f32 v4, v8;
	v8 =	vld [tilespmem:$0x1FFB0]  }
0x589: {  	v2 =	vcvt.s32.f32 v2;
	v48 =	vmin.f32 v10, $5.000000000e+00  }
0x58a: {  	v10 =	vadd.f32 v11, v58;
	v11 =	vimm.s32 $0x0;
	v63 =	vld.idx.msk [tilespmem:v61+s5+$0x0], $0xffff;
	vm12 =	vle.f32 v9, v48  }
0x58b: {  	v22 =	vsel vm12, $0x8, v11  }
0x58c: {  	v47 =	vmul.f32 $6.931471820e-01, v47;
	v2 =	vmul.f32 $6.931471820e-01, v2;
	v23 =	vor.u32 $0x4, v22  }
0x58d: {  	v54 =	vadd.f32 v42, v21;
	v21 =	vld [tilespmem:s11+$0xA0];
	v42 =	vpop (erf);
	v58 =	vmax.f32 v10, $0.0e+00;
	v9 =	vperm.xlane v8, v23  }
0x58e: {  	v41 =	vadd.f32 v0, v47;
	v47 =	vmul.f32 v42, v57;
	v57 =	vmin.f32 v58, $1.000000000e+00;
	v58 =	vld.idx.msk [tilespmem:v55+s25+$0x0], $0xffff  }
0x58f: {  	v5 =	vmul.f32 v5, v5;
	v11 =	vld [tilespmem:$0x1FFF0];
	vm13 =	vle.f32 v63, v52;
	vm14 =	vle.f32 v9, v48  }
0x590: {  	v44 =	vadd.f32 v54, v2;
	v54 =	vsel vm13, v61, v3;
	v3 =	vsel vm14, v23, v22;
	v22 =	vld [tilespmem:$0x1FFB0]  }
0x591: {  	vm5 =	vge.f32 v49, $0.0e+00;
	v4 =	vmul.f32 v4, v5;
	v5 =	vld.idx.msk [tilespmem:v55+s29+$0x0], $0xffff  }
0x592: {  	v45 =	vld.idx.msk [tilespmem:v45+s22+$0x0], $0xffff;
	v42 =	vmul.f32 v42, v42;
	v10 =	vmax.f32 v21, $-5.000000000e+00;
	v13 =	vsub.f32 $1.000000000e+00, v57  }
0x593: {  	v7 =	vld [tilespmem:$0x1FFB0];
	v18 =	vsel vm5, v1, v56;
	v6 =	vmul.f32 v47, v6;
	v47 =	vmin.f32 v10, $5.000000000e+00  }
0x594: {  	v59 =	vmul.f32 v42, v4;
	v10 =	vmul.f32 v13, v57;
	v62 =	vor.u32 $0x2, v3  }
0x595: {  	v61 =	vimm.s32 $0x0;
	vm15 =	vle.f32 v11, v47;
	v23 =	vperm.xlane v22, v62;
	v22 =	vld [tilespmem:$0x1FFB0]  }
0x596: {  	v20 =	vld [tilespmem:s11+$0xB0];
	v42 =	vmul.f32 v58, v60;
	v5 =	vmul.f32 v10, v5;
	v0 =	vsel vm15, $0x8, v61  }
0x597: {  	v56 =	vld [tilespmem:$0x1FFB0];
	v61 =	vadd.f32 v6, v45;
	v45 =	vor.u32 $0x4, v0;
	vm4 =	vle.f32 v23, v48  }
0x598: {  	v11 =	vadd.f32 v5, v42;
	v5 =	vld [tilespmem:$0x1FFF0];
	v8 =	vperm.xlane v7, v45;
	v9 =	vsel vm4, v62, v3  }
0x599: {  	v63 =	vld.idx.msk [tilespmem:v54+s24+$0x0], $0xffff;
	v62 =	vor.u32 $0x1, v9  }
0x59a: {  	vm6 =	vle.f32 v8, v47;
	v23 =	vperm.xlane v22, v62;
	v22 =	vld [tilespmem:$0x1FFE0]  }
0x59b: {  	v8 =	vld [tilespmem:$0x1FFC0];
	v0 =	vsel vm6, v45, v0  }
0x59c: {  	v4 =	vld [tilespmem:$0x1FFD0];
	v6 =	vimm.s32 $0x0;
	v45 =	vsub.f32 v49, v53;
	v53 =	vor.u32 $0x2, v0  }
0x59d: {  	v3 =	vld.idx.msk [tilespmem:v54+s26+$0x0], $0xffff;
	v2 =	vperm.xlane v56, v53;
	v56 =	vadd.s32 $0x1, v55;
	vm7 =	vle.f32 v23, v48  }
0x59e: {  	(erf) = vrcp.f32 v11;
	v11 =	vmax.f32 v20, $-5.000000000e+00;
	v60 =	vsel vm7, v62, v9  }
0x59f: {  	v7 =	vimm.s32 $0x0;
	v49 =	vmin.f32 v11, $5.000000000e+00;
	v23 =	vperm.xlane v22, v60;
	v22 =	vld [tilespmem:$0x1FFB0]  }
0x5a0: {  	vm10 =	vle.f32 v5, v49;
	v62 =	vmul.f32 v63, v52;
	v9 =	vperm.xlane v8, v60  }
0x5a1: {  	vm8 =	vle.f32 v2, v47;
	v2 =	vsel vm10, $0x8, v6;
	v1 =	vperm.xlane v4, v60  }
0x5a2: {  	v5 =	vor.u32 $0x4, v2;
	v3 =	vadd.f32 v62, v3;
	v62 =	vld.idx.msk [tilespmem:v56+s23+$0x0], $0xffff;
	vm9 =	vle.f32 v9, v48  }
0x5a3: {  	v4 =	vsel vm8, v53, v0;
	v1 =	vsel vm9, v23, v1;
	v23 =	vshll.u32 v60, $0x3;
	v60 =	vld [tilespmem:$0x1FFB0]  }
0x5a4: {  	v19 =	vld.idx.msk [tilespmem:v54+s25+$0x0], $0xffff;
	v9 =	vimm.s32 $0x0;
	vm11 =	vle.f32 v1, v48;
	v0 =	vperm.xlane v22, v5  }
0x5a5: {  	v15 =	vld.idx.msk [tilespmem:v55+s23+$0x0], $0xffff;
	v8 =	vsel vm9, $0x4, v7;
	v11 =	vsel vm11, $0x2, v9  }
0x5a6: {  	v6 =	vld.idx.msk [tilespmem:v54+s29+$0x0], $0xffff;
	v56 =	vor.u32 $0x1, v4;
	v1 =	vor.u32 v11, v8;
	vm12 =	vle.f32 v0, v49  }
0x5a7: {  	v53 =	vor.u32 v1, v23;
	v23 =	vld [tilespmem:$0x1FFB0];
	v2 =	vsel vm12, v5, v2;
	v5 =	vadd.f32 v42, v42  }
0x5a8: {  	v7 =	vld [tilespmem:$0x1FFE0];
	v11 =	vmax.f32 v3, $0.0e+00;
	v22 =	vmul.f32 v57, v62;
	v9 =	vperm.xlane v60, v56  }
0x5a9: {  	v8 =	vmin.f32 v11, $1.000000000e+00;
	v5 =	vmul.f32 v10, v5;
	v10 =	vmul.f32 v19, v63;
	v63 =	vld [tilespmem:$0x1FFC0]  }
0x5aa: {  	v12 =	vmul.f32 v13, v15;
	v60 =	vsub.f32 $1.000000000e+00, v8;
	v3 =	vmul.f32 v22, v57;
	v22 =	vld [tilespmem:$0x1FFD0]  }
0x5ab: {  	vm13 =	vle.f32 v9, v47;
	v0 =	vor.u32 $0x2, v2;
	v9 =	vor.u32 $0x1, v53  }
0x5ac: {  	v11 =	vmul.f32 v60, v8;
	v1 =	vperm.xlane v23, v0;
	v23 =	vld [tilespmem:$0x1FFB0]  }
0x5ad: {  	v13 =	vmul.f32 v12, v13;
	v4 =	vsel vm13, v56, v4  }
0x5ae: {  	v6 =	vmul.f32 v11, v6;
	vm14 =	vle.f32 v1, v49;
	v56 =	vperm.xlane v63, v4  }
0x5af: {  	v1 =	vsel vm14, v0, v2;
	v2 =	vperm.xlane v22, v4;
	v63 =	vperm.xlane v7, v4  }
0x5b0: {  	v5 =	vadd.f32 v5, v3;
	v0 =	vor.u32 $0x1, v1;
	v7 =	vld.idx.msk [tilespmem:v9+s5+$0x0], $0xffff;
	vm15 =	vle.f32 v56, v47  }
0x5b1: {  	v22 =	vimm.s32 $0x0;
	v3 =	vperm.xlane v23, v0;
	v23 =	vld [tilespmem:$0x1FFC0];
	v2 =	vsel vm15, v63, v2  }
0x5b2: {  	v56 =	vadd.s32 $0x1, v54;
	v63 =	vadd.f32 v6, v10;
	vm5 =	vle.f32 v2, v47  }
0x5b3: {  	v18 =	vmul.f32 v18, v45;
	v5 =	vadd.f32 v5, v13;
	v2 =	vsel vm5, $0x2, v22;
	v22 =	vld [tilespmem:$0x1FFE0]  }
0x5b4: {  	vm4 =	vle.f32 v3, v49;
	v6 =	vimm.s32 $0x0;
	(erf) = vrcp.f32 v63;
	v63 =	vld [tilespmem:$0x1FFD0]  }
0x5b5: {  	v4 =	vshll.u32 v4, $0x3;
	v0 =	vsel vm4, v0, v1;
	v1 =	vsel vm15, $0x4, v6  }
0x5b6: {  	vm6 =	vle.f32 v7, v48;
	v1 =	vor.u32 v2, v1;
	v2 =	vperm.xlane v23, v0  }
0x5b7: {  	v16 =	vld.idx.msk [tilespmem:v56+s23+$0x0], $0xffff;
	v56 =	vshrl.u32 v59, $0x10;
	v3 =	vor.u32 v1, v4;
	v4 =	vmul.f32 v42, v42  }
0x5b8: {  	vm7 =	vle.f32 v2, v49;
	v2 =	vand.u32 $0x7F, v56;
	v56 =	vsel vm6, v9, v53  }
0x5b9: {  	v23 =	vperm.xlane v22, v0;
	v13 =	vperm.xlane v63, v0;
	v22 =	vadd.f32 v10, v10  }
0x5ba: {  	v14 =	vld.idx.msk [tilespmem:v54+s23+$0x0], $0xffff;
	v53 =	vimm.s32 $0x0;
	v4 =	vmul.f32 v5, v4;
	v0 =	vshll.u32 v0, $0x3  }
0x5bb: {  	v9 =	vsel vm7, v23, v13;
	v23 =	vimm.s32 $0x0;
	v5 =	vmul.f32 v11, v22  }
0x5bc: {  	v11 =	vmul.f32 v57, v42;
	vm8 =	vle.f32 v9, v49;
	v9 =	vor.u32 $0x1, v3  }
0x5bd: {  	v1 =	vmul.f32 v8, v16;
	v13 =	vsel vm7, $0x4, v23;
	v7 =	vld.idx.msk [tilespmem:v2+s31+$0x0], $0xffff;
	v63 =	vsel vm8, $0x2, v53  }
0x5be: {  	v22 =	vand.u32 $0xFFFF, v59;
	v11 =	vadd.f32 v12, v11;
	v13 =	vor.u32 v63, v13  }
0x5bf: {  	v2 =	vld.idx.msk [tilespmem:v2+s30+$0x0], $0xffff;
	v6 =	vor.u32 v13, v0;
	v13 =	vmul.f32 v1, v8;
	v0 =	vmul.f32 v60, v14  }
0x5c0: {  	v45 =	vld.idx.msk [tilespmem:v56+s24+$0x0], $0xffff;
	v12 =	vcvt.s32.f32 v22;
	v11 =	vmul.f32 v11, v57;
	v63 =	vpop (erf);
	v1 =	vor.u32 $0x1, v6  }
0x5c1: {  	v23 =	vmul.f32 v63, v63;
	v22 =	vld.idx.msk [tilespmem:v9+s5+$0x0], $0xffff;
	v5 =	vadd.f32 v5, v13;
	v13 =	vmul.f32 v0, v60  }
0x5c2: {  	v53 =	vadd.f32 v61, v18;
	v18 =	vld.idx.msk [tilespmem:v56+s26+$0x0], $0xffff;
	v7 =	vmul.f32 v12, v7  }
0x5c3: {  	v4 =	vmul.f32 v23, v4;
	v5 =	vadd.f32 v5, v13  }
0x5c4: {  	v13 =	vmul.f32 v10, v10;
	v2 =	vadd.f32 v7, v2;
	v7 =	vmul.f32 v63, v11;
	v63 =	vld [tilespmem:$0x1FD90]  }
0x5c5: {  	vm10 =	vge.f32 v46, $0.0e+00;
	v42 =	vmul.f32 v45, v48;
	v11 =	vpop (erf);
	v12 =	vshrl.u32 v4, $0x10;
	v23 =	vld.idx.msk [tilespmem:v1+s5+$0x0], $0xffff  }
0x5c6: {  	v5 =	vmul.f32 v5, v13;
	v13 =	vmul.f32 v11, v11;
	vm9 =	vle.f32 v22, v47;
	v22 =	vld [tilespmem:$0x1FDA0]  }
0x5c7: {  	v12 =	vand.u32 $0x7F, v12;
	v57 =	vsel vm9, v9, v3;
	v3 =	vadd.f32 v42, v18;
	v18 =	vld.idx.msk [tilespmem:v55+s22+$0x0], $0xffff  }
0x5c8: {  	v10 =	vmul.f32 v8, v10;
	v9 =	vsel vm10, v62, v15;
	v15 =	vsub.f32 v46, v51;
	v51 =	vld.idx.msk [tilespmem:v56+s25+$0x0], $0xffff  }
0x5c9: {  	v5 =	vmul.f32 v13, v5;
	v13 =	vshra.s32 v59, $0x17;
	v62 =	vand.u32 $0xFFFF, v4;
	v59 =	vld.idx.msk [tilespmem:v56+s29+$0x0], $0xffff  }
0x5ca: {  	v0 =	vadd.f32 v0, v10;
	v10 =	vcvt.s32.f32 v62;
	v62 =	vld [tilespmem:$0x1FDD0]  }
0x5cb: {  	v55 =	vadd.s32 $0x1, v56;
	vm11 =	vle.f32 v23, v49;
	v23 =	vld [tilespmem:$0x1FDB0]  }
0x5cc: {  	v13 =	vcvt.s32.f32 v13;
	v61 =	vshrl.u32 v5, $0x10;
	v42 =	vld.idx.msk [tilespmem:v12+s31+$0x0], $0xffff  }
0x5cd: {  	v8 =	vmul.f32 v0, v8;
	v3 =	vmax.f32 v3, $0.0e+00;
	v17 =	vand.u32 $0x7F, v61;
	v61 =	vld [tilespmem:$0x1FDC0]  }
0x5ce: {  	v3 =	vmin.f32 v3, $1.000000000e+00;
	v46 =	vsel vm11, v1, v6;
	v6 =	vmul.f32 $6.931471820e-01, v13;
	v13 =	vld.idx.msk [tilespmem:v57+s24+$0x0], $0xffff  }
0x5cf: {  	v7 =	vmul.f32 v7, v58;
	v58 =	vsub.f32 $1.000000000e+00, v3;
	v60 =	vld.idx.msk [tilespmem:v57+s26+$0x0], $0xffff  }
0x5d0: {  	[tilespmem:s10+$0xFFFFFF40] =	vst v63;
	v8 =	vmul.f32 v11, v8;
	v11 =	vld.idx.msk [tilespmem:v55+s23+$0x0], $0xffff  }
0x5d1: {  	[tilespmem:s17+$0xFFFFFF40] =	vst v22;
	v55 =	vld [tilespmem:$0x1FE30];
	v22 =	vadd.f32 v2, v6;
	v6 =	vmul.f32 v10, v42;
	v10 =	vmul.f32 v58, v3  }
0x5d2: {  	v45 =	vmul.f32 v51, v45;
	v1 =	vld.idx.msk [tilespmem:v57+s23+$0x0], $0xffff  }
0x5d3: {  	v7 =	vadd.f32 v7, v18;
	[tilespmem:s10+$0xFFFFFF60] =	vst v62;
	v62 =	vld [tilespmem:$0x1FE00];
	v18 =	vmul.f32 v13, v47;
	v63 =	vmul.f32 v10, v59  }
0x5d4: {  	vm12 =	vge.f32 v50, $0.0e+00;
	v2 =	vmul.f32 v9, v15;
	v15 =	vsub.f32 v50, v52;
	v50 =	vld.idx.msk [tilespmem:v57+s29+$0x0], $0xffff  }
0x5d5: {  	v14 =	vsel vm12, v16, v14;
	v16 =	vadd.f32 v18, v60;
	v60 =	vadd.f32 v63, v45;
	v63 =	vld [tilespmem:$0x1FE10]  }
0x5d6: {  	[tilespmem:s10+$0xFFFFFF50] =	vst v23;
	v9 =	vld.idx.msk [tilespmem:v17+s31+$0x0], $0xffff  }
0x5d7: {  	[tilespmem:s17+$0xFFFFFF50] =	vst v61;
	v61 =	vld [tilespmem:$0x1FDF0]  }
0x5d8: {  	v42 =	vld.idx.msk [tilespmem:v46+s24+$0x0], $0xffff  }
0x5d9: {  	v52 =	vld.idx.msk [tilespmem:v46+s26+$0x0], $0xffff  }
0x5da: {  	v23 =	vand.u32 $0xFFFF, v5;
	[tilespmem:s10+$0xFFFFFF80] =	vst v63;
	v63 =	vld [tilespmem:$0x1FE20]  }
0x5db: {  	v14 =	vmul.f32 v14, v15;
	v15 =	vld.idx.msk [tilespmem:v56+s23+$0x0], $0xffff;
	v18 =	vcvt.s32.f32 v23  }
0x5dc: {  	v19 =	vmul.f32 v8, v19;
	v59 =	vld [tilespmem:$0x1FDE0];
	v23 =	vadd.f32 v45, v45;
	[tilespmem:s10+$0xFFFFFF70] =	vst v61;
	v61 =	vmul.f32 v3, v11  }
0x5dd: {  	v18 =	vmul.f32 v18, v9;
	v9 =	vld.idx.msk [tilespmem:v57+s25+$0x0], $0xffff;
	v16 =	vmax.f32 v16, $0.0e+00;
	v8 =	vmul.f32 v42, v49  }
0x5de: {  	v23 =	vmul.f32 v10, v23;
	[tilespmem:s17+$0xFFFFFF70] =	vst v62;
	v16 =	vmin.f32 v16, $1.000000000e+00;
	v62 =	vld [tilespmem:$0x1FE40];
	v61 =	vmul.f32 v61, v3  }
0x5df: {  	(erf) = vrcp.f32 v60;
	v60 =	vsub.f32 $1.000000000e+00, v16;
	v52 =	vadd.f32 v8, v52;
	[tilespmem:s17+$0xFFFFFF80] =	vst v63;
	v63 =	vld [tilespmem:$0x1FE50]  }
0x5e0: {  	[tilespmem:s10+$0xFFFFFF90] =	vst v55;
	v55 =	vmul.f32 v58, v15;
	v8 =	vadd.f32 v7, v2;
	v7 =	vadd.f32 v23, v61;
	v23 =	vld [tilespmem:$0x1FE60]  }
0x5e1: {  	v4 =	vshra.s32 v4, $0x17;
	v10 =	vld.idx.msk [tilespmem:v46+s25+$0x0], $0xffff;
	[tilespmem:s17+$0xFFFFFF60] =	vst v59;
	v59 =	vadd.s32 $0x1, v57  }
0x5e2: {  	v58 =	vmul.f32 v55, v58;
	v2 =	vld.idx.msk [tilespmem:v12+s30+$0x0], $0xffff;
	v12 =	vmul.f32 v60, v16;
	v52 =	vmax.f32 v52, $0.0e+00  }
0x5e3: {  	v4 =	vcvt.s32.f32 v4;
	v13 =	vmul.f32 v9, v13;
	v52 =	vmin.f32 v52, $1.000000000e+00;
	[tilespmem:s17+$0xFFFFFF90] =	vst v62;
	v62 =	vld.idx.msk [tilespmem:v46+s29+$0x0], $0xffff  }
0x5e4: {  	v50 =	vmul.f32 v12, v50;
	v7 =	vadd.f32 v7, v58;
	v58 =	vld [tilespmem:$0x1FE80];
	[tilespmem:s10+$0xFFFFFFA0] =	vst v63;
	v63 =	vsub.f32 $1.000000000e+00, v52  }
0x5e5: {  	v4 =	vmul.f32 $6.931471820e-01, v4;
	[tilespmem:s17+$0xFFFFFFA0] =	vst v23;
	v23 =	vld [tilespmem:$0x1FE70]  }
0x5e6: {  	v61 =	vadd.s32 $0x1, v46;
	v59 =	vld.idx.msk [tilespmem:v59+s23+$0x0], $0xffff;
	v50 =	vadd.f32 v50, v13;
	v0 =	vmul.f32 v63, v52  }
0x5e7: {  	[tilespmem:s10+$0xFFFFFFD0] =	vst v25;
	v2 =	vadd.f32 v6, v2;
	v6 =	vmul.f32 v3, v45;
	v45 =	vmul.f32 v45, v45  }
0x5e8: {  	[tilespmem:s17+$0xFFFFFFD0] =	vst v26;
	v5 =	vshra.s32 v5, $0x17;
	(erf) = vrcp.f32 v50;
	v50 =	vmul.f32 v0, v62;
	v62 =	vld [tilespmem:$0x1FE90]  }
0x5e9: {  	[tilespmem:s10+$0xFFFFFFF0] =	vst v29;
	v5 =	vcvt.s32.f32 v5;
	v42 =	vmul.f32 v10, v42;
	v2 =	vadd.f32 v2, v4  }
0x5ea: {  	v7 =	vmul.f32 v7, v45;
	v6 =	vadd.f32 v55, v6;
	v55 =	vmul.f32 v60, v1;
	[tilespmem:s10+$0xFFFFFFB0] =	vst v23  }
0x5eb: {  	v29 =	vmul.f32 $6.931471820e-01, v5;
	v4 =	vpop (erf);
	v45 =	vmul.f32 v16, v59;
	v23 =	vadd.f32 v13, v13;
	[tilespmem:s17+$0xFFFFFFB0] =	vst v58;
	v58 =	vld.idx.msk [tilespmem:v61+s23+$0x0], $0xffff  }
0x5ec: {  	[tilespmem:s10+$0xFFFFFFE0] =	vst v27;
	v3 =	vmul.f32 v6, v3;
	v50 =	vadd.f32 v50, v42;
	v61 =	vmul.f32 v4, v4  }
0x5ed: {  	vm13 =	vge.f32 v43, $0.0e+00;
	v45 =	vmul.f32 v45, v16;
	v12 =	vmul.f32 v12, v23;
	v23 =	vld.idx.msk [tilespmem:v46+s23+$0x0], $0xffff;
	[tilespmem:s10+$0xFFFFFFC0] =	vst v62  }
0x5ee: {  	vm14 =	vge.f32 v21, $0.0e+00;
	(erf) = vrcp.f32 v50;
	v7 =	vmul.f32 v61, v7;
	[tilespmem:s17+$0xFFFFFFC0] =	vst v24  }
0x5ef: {  	v24 =	vld.idx.msk [tilespmem:v54+s22+$0x0], $0xffff;
	v61 =	vadd.f32 v12, v45;
	v12 =	vmul.f32 v55, v60;
	v54 =	vadd.f32 v42, v42  }
0x5f0: {  	[tilespmem:s17+$0xFFFFFFE0] =	vst v28;
	vm15 =	vge.f32 v20, $0.0e+00;
	v17 =	vld.idx.msk [tilespmem:v17+s30+$0x0], $0xffff;
	v60 =	vmul.f32 v13, v13;
	v50 =	vmul.f32 v52, v58  }
0x5f1: {  	[tilespmem:s17+$0xFFFFFFF0] =	vst v30;
	v62 =	vshrl.u32 v7, $0x10;
	v6 =	vadd.f32 v61, v12;
	v0 =	vmul.f32 v0, v54  }
0x5f2: {  	[tilespmem:s10+$0x0] =	vst v31;
	v25 =	vand.u32 $0x7F, v62;
	v12 =	vmul.f32 v63, v23;
	v26 =	vmul.f32 v50, v52  }
0x5f3: {  	[tilespmem:s17+$0x0] =	vst v32;
	v11 =	vsel vm13, v11, v15;
	v15 =	vsub.f32 v43, v48;
	v61 =	vpop (erf);
	v6 =	vmul.f32 v6, v60  }
0x5f4: {  	[tilespmem:s10+$0x10] =	vst v33;
	v62 =	vmul.f32 v61, v61;
	v63 =	vmul.f32 v12, v63;
	v0 =	vadd.f32 v0, v26  }
0x5f5: {  	[tilespmem:s17+$0x10] =	vst v34;
	v17 =	vadd.f32 v18, v17;
	v31 =	vmul.f32 v42, v42;
	v19 =	vadd.f32 v19, v24  }
0x5f6: {  	v33 =	vld.idx.msk [tilespmem:v56+s22+$0x0], $0xffff;
	v3 =	vmul.f32 v4, v3;
	v30 =	vmul.f32 v62, v6;
	v0 =	vadd.f32 v0, v63  }
0x5f7: {  	v4 =	vadd.f32 v17, v29;
	v13 =	vmul.f32 v16, v13;
	v14 =	vadd.f32 v19, v14;
	v17 =	vld.idx.msk [tilespmem:v25+s31+$0x0], $0xffff;
	v18 =	vpop (erf)  }
0x5f8: {  	[tilespmem:s10+$0x20] =	vst v35;
	v32 =	vmul.f32 v18, v18;
	v19 =	vshrl.u32 v30, $0x10;
	v0 =	vmul.f32 v0, v31  }
0x5f9: {  	[tilespmem:s17+$0x20] =	vst v36;
	v3 =	vmul.f32 v3, v51;
	v34 =	vand.u32 $0xFFFF, v7;
	v19 =	vand.u32 $0x7F, v19  }
0x5fa: {  	[tilespmem:s10+$0x30] =	vst v38;
	v35 =	vcvt.s32.f32 v34;
	v13 =	vadd.f32 v55, v13;
	v0 =	vmul.f32 v32, v0  }
0x5fb: {  	[tilespmem:s17+$0x30] =	vst v37;
	v11 =	vmul.f32 v11, v15;
	v3 =	vadd.f32 v3, v33;
	v45 =	vmul.f32 v52, v42  }
0x5fc: {  	[tilespmem:s10+$0x40] =	vst v39;
	v13 =	vmul.f32 v13, v16;
	v6 =	vmul.f32 v35, v17;
	v17 =	vshrl.u32 v0, $0x10  }
0x5fd: {  	[tilespmem:s10+$0x50] =	vst v40;
	v48 =	vadd.f32 v12, v45;
	v25 =	vld.idx.msk [tilespmem:v25+s30+$0x0], $0xffff;
	v12 =	vand.u32 $0xFFFF, v30;
	v17 =	vand.u32 $0x7F, v17  }
0x5fe: {  	[tilespmem:s17+$0x40] =	vst v41;
	v7 =	vshra.s32 v7, $0x17;
	v51 =	vcvt.s32.f32 v12;
	v12 =	vsub.f32 v21, v47;
	v15 =	vld.idx.msk [tilespmem:v19+s31+$0x0], $0xffff  }
0x5ff: {  	[tilespmem:s17+$0x50] =	vst v44;
	v1 =	vsel vm14, v59, v1;
	v7 =	vcvt.s32.f32 v7;
	v16 =	vld.idx.msk [tilespmem:v57+s22+$0x0], $0xffff;
	v13 =	vmul.f32 v61, v13  }
0x600: {  	v3 =	vadd.f32 v3, v11;
	v11 =	vmul.f32 v48, v52;
	v1 =	vmul.f32 v1, v12;
	v12 =	vld.idx.msk [tilespmem:v46+s22+$0x0], $0xffff  }
0x601: {  	[tilespmem:s10+$0x60] =	vst v53;
	v59 =	vsel vm15, v58, v23;
	v7 =	vmul.f32 $6.931471820e-01, v7;
	v19 =	vld.idx.msk [tilespmem:v19+s30+$0x0], $0xffff  }
0x602: {  	v57 =	vsub.f32 v20, v49;
	v50 =	vmul.f32 v13, v9;
	v11 =	vmul.f32 v18, v11;
	v13 =	vld.idx.msk [tilespmem:v17+s31+$0x0], $0xffff  }
0x603: {  	[tilespmem:s17+$0x60] =	vst v22;
	v6 =	vadd.f32 v6, v25;
	v9 =	vmul.f32 v51, v15;
	v15 =	vand.u32 $0xFFFF, v0  }
0x604: {  	[tilespmem:s10+$0x70] =	vst v8;
	v5 =	vshra.s32 v30, $0x17;
	v56 =	vmul.f32 v11, v10;
	v55 =	vcvt.s32.f32 v15;
	v15 =	vld.idx.msk [tilespmem:v17+s30+$0x0], $0xffff  }
0x605: {  	[tilespmem:s17+$0x70] =	vst v2;
	v60 =	vmul.f32 v59, v57;
	v5 =	vcvt.s32.f32 v5;
	v6 =	vadd.f32 v6, v7  }
0x606: {  	[tilespmem:s10+$0x90] =	vst v3;
	v7 =	vadd.f32 v50, v16;
	v2 =	vadd.f32 v56, v12;
	v0 =	vshra.s32 v0, $0x17  }
0x607: {  	s20 =	sadd.s32 $0x180, s20;
	[tilespmem:s10+$0x80] =	vst v14;
	v0 =	vcvt.s32.f32 v0;
	v54 =	vadd.f32 v9, v19;
	v9 =	vmul.f32 v55, v13  }
0x608: {  	p1 =	slt.u32 s20, $0x3D80;
	[tilespmem:s17+$0x80] =	vst v4;
	v5 =	vmul.f32 $6.931471820e-01, v5;
	v1 =	vadd.f32 v7, v1  }
.Ltmp5:
0x609: {  	v18 =	vld [tilespmem:$0x1FFF0];
	[tilespmem:s17+$0x90] =	vst v6;
	v63 =	vadd.f32 v2, v60;
	v0 =	vmul.f32 $6.931471820e-01, v0;
	v62 =	vadd.f32 v9, v15;
	(pc) =	sbr.rel @p1 .LBB2_8-.Ltmp5, $4  }
0x60a: {  	v14 =	vld [tilespmem:$0x1FFB0];
	[tilespmem:s10+$0xA0] =	vst v1;
	v61 =	vadd.f32 v54, v5  }
0x60b: {  	s15 =	simm.s32 $0x3EF0;
	v16 =	vld [tilespmem:$0x1FFD0];
	[tilespmem:s10+$0xB0] =	vst v63;
	v0 =	vadd.f32 v62, v0  }
0x60c: {  	s21 =	simm.s32 $0x18780;
	s7 =	simm.s32 $0x10780;
	s0 =	simm.s32 $0x8780;
	v17 =	vld [tilespmem:$0x1FFE0];
	[tilespmem:s17+$0xA0] =	vst v61  }
0x60d: {  	s11 =	sadd.s32 $0x180, s11;
	s10 =	sadd.s32 $0x180, s10;
	v13 =	vimm.s32 $0x0;
	v15 =	vld [tilespmem:$0x1FFC0];
	[tilespmem:s17+$0xB0] =	vst v0;
	s17 =	sadd.s32 $0x180, s17  }
.LBB2_9:
0x60e: {  	v0 =	vld [tilespmem:s0+$0x0];
	_ =	sdelay $0x4  }
0x60f: {  	v1 =	vmax.f32 v0, $-5.000000000e+00  }
0x610: {  	v1 =	vmin.f32 v1, $5.000000000e+00  }
0x611: {  	vm0 =	vle.f32 v18, v1  }
0x612: {  	v2 =	vsel vm0, $0x8, v13  }
0x613: {  	v3 =	vor.u32 $0x4, v2  }
0x614: {  	v4 =	vperm.xlane v14, v3;
	_ =	sdelay $0x1  }
0x615: {  	vm10 =	vle.f32 v4, v1  }
0x616: {  	v2 =	vsel vm10, v3, v2  }
0x617: {  	v3 =	vor.u32 $0x2, v2  }
0x618: {  	v45 =	vperm.xlane v14, v3;
	_ =	sdelay $0x1  }
0x619: {  	vm11 =	vle.f32 v45, v1  }
0x61a: {  	v2 =	vsel vm11, v3, v2  }
0x61b: {  	v3 =	vor.u32 $0x1, v2  }
0x61c: {  	v46 =	vperm.xlane v14, v3;
	_ =	sdelay $0x1  }
0x61d: {  	vm12 =	vle.f32 v46, v1  }
0x61e: {  	v2 =	vsel vm12, v3, v2  }
0x61f: {  	v3 =	vperm.xlane v15, v2  }
0x620: {  	v47 =	vperm.xlane v17, v2;
	v5 =	vperm.xlane v16, v2  }
0x621: {  	vm13 =	vle.f32 v3, v1  }
0x622: {  	v3 =	vsel vm13, v47, v5  }
0x623: {  	vm1 =	vle.f32 v3, v1  }
0x624: {  	v48 =	vsel vm13, $0x4, v13;
	v49 =	vsel vm1, $0x2, v13  }
0x625: {  	v2 =	vshll.u32 v2, $0x3;
	v3 =	vor.u32 v49, v48  }
0x626: {  	v2 =	vor.u32 v2, v3  }
0x627: {  	v3 =	vor.u32 $0x1, v2;
	_ =	sdelay $0x4  }
0x628: {  	v50 =	vld.idx.msk [tilespmem:v3+s5+$0x0], $0xffff;
	_ =	sdelay $0x4  }
0x629: {  	vm14 =	vle.f32 v50, v1  }
0x62a: {  	v2 =	vsel vm14, v3, v2;
	_ =	sdelay $0x4  }
0x62b: {  	v3 =	vld.idx.msk [tilespmem:v2+s24+$0x0], $0xffff;
	_ =	sdelay $0x1  }
0x62c: {  	v51 =	vld.idx.msk [tilespmem:v2+s26+$0x0], $0xffff;
	_ =	sdelay $0x2  }
0x62d: {  	v52 =	vmul.f32 v3, v1;
	_ =	sdelay $0x1  }
0x62e: {  	v4 =	vadd.f32 v52, v51;
	_ =	sdelay $0x1  }
0x62f: {  	v53 =	vld.idx.msk [tilespmem:v2+s25+$0x0], $0xffff;
	v4 =	vmax.f32 v4, $0.0e+00  }
0x630: {  	v6 =	vld.idx.msk [tilespmem:v2+s29+$0x0], $0xffff;
	v4 =	vmin.f32 v4, $1.000000000e+00  }
0x631: {  	v7 =	vadd.s32 $0x1, v2;
	v8 =	vsub.f32 $1.000000000e+00, v4;
	_ =	sdelay $0x1  }
0x632: {  	v9 =	vmul.f32 v8, v4;
	_ =	sdelay $0x1  }
0x633: {  	v3 =	vmul.f32 v53, v3;
	v6 =	vmul.f32 v9, v6  }
0x634: {  	v7 =	vld.idx.msk [tilespmem:v7+s23+$0x0], $0xffff  }
0x635: {  	v10 =	vld.idx.msk [tilespmem:v2+s23+$0x0], $0xffff;
	v6 =	vadd.f32 v6, v3;
	_ =	sdelay $0x1  }
0x636: {  	(erf) = vrcp.f32 v6;
	_ =	sdelay $0x1  }
0x637: {  	v11 =	vadd.f32 v3, v3;
	v54 =	vmul.f32 v4, v7  }
0x638: {  	v12 =	vmul.f32 v8, v10  }
0x639: {  	v9 =	vmul.f32 v9, v11;
	v6 =	vmul.f32 v54, v4;
	_ =	sdelay $0x1  }
0x63a: {  	v8 =	vmul.f32 v12, v8;
	v6 =	vadd.f32 v9, v6;
	_ =	sdelay $0x1  }
0x63b: {  	v55 =	vmul.f32 v3, v3;
	v6 =	vadd.f32 v6, v8  }
0x63c: {  	v56 =	vpop (erf)  }
0x63d: {  	v6 =	vmul.f32 v6, v55;
	v57 =	vmul.f32 v56, v56;
	_ =	sdelay $0x1  }
0x63e: {  	v6 =	vmul.f32 v57, v6;
	_ =	sdelay $0x1  }
0x63f: {  	v9 =	vshrl.u32 v6, $0x10  }
0x640: {  	v9 =	vand.u32 $0x7F, v9  }
0x641: {  	v3 =	vmul.f32 v4, v3;
	_ =	sdelay $0x1  }
0x642: {  	v3 =	vadd.f32 v12, v3;
	_ =	sdelay $0x1  }
0x643: {  	v3 =	vmul.f32 v3, v4;
	v58 =	vld.idx.msk [tilespmem:v9+s31+$0x0], $0xffff  }
0x644: {  	v2 =	vld.idx.msk [tilespmem:v2+s22+$0x0], $0xffff  }
0x645: {  	v3 =	vmul.f32 v56, v3;
	v59 =	vand.u32 $0xFFFF, v6;
	v9 =	vld.idx.msk [tilespmem:v9+s30+$0x0], $0xffff  }
0x646: {  	vm15 =	vge.f32 v0, $0.0e+00;
	v60 =	vcvt.s32.f32 v59  }
0x647: {  	v0 =	vsub.f32 v0, v1;
	v3 =	vmul.f32 v3, v53;
	v61 =	vshra.s32 v6, $0x17  }
0x648: {  	s15 =	sadd.s32 $0x10, s15;
	v62 =	vsel vm15, v7, v10;
	v1 =	vcvt.s32.f32 v61;
	v4 =	vmul.f32 v60, v58  }
0x649: {  	p1 =	slt.u32 s15, $0x3FF0;
	v0 =	vmul.f32 v62, v0;
	v2 =	vadd.f32 v3, v2  }
.Ltmp6:
0x64a: {  	v1 =	vmul.f32 $6.931471820e-01, v1;
	v63 =	vadd.f32 v4, v9;
	(pc) =	sbr.rel @p1 .LBB2_9-.Ltmp6, $4  }
0x64b: {  	v0 =	vadd.f32 v2, v0  }
0x64c: {  	v1 =	vadd.f32 v63, v1  }
0x64d: {  	[tilespmem:s7+$0x0] =	vst v0  }
0x64e: {  	s0 =	sadd.s32 $0x10, s0;
	s7 =	sadd.s32 $0x10, s7;
	[tilespmem:s21+$0x0] =	vst v1;
	s21 =	sadd.s32 $0x10, s21  }
.Ltmp7:
0x64f: {  	s0 =	sshrl.u32 s18, $0x3;
	(pc) =	sbr.rel @p0 .LBB2_12-.Ltmp7, $4  }
0x650: {  	s7 =	sadd.s32 s3, s0  }
0x651: {  	[hbm4b:s7+s5] =	stream.linear.scatter [tilespmem:s8], [sflag:$0x4], $0x4000, $0x38;
	[tilespmem:$0x18880] =	vst v63  }
0x652: {  	s21 =	sadd.s32 s4, s0  }
0x653: {  	[hbm4b:s21+s5] =	stream.linear.scatter [tilespmem:s9], [sflag:$0x6], $0x4000, $0x38;
	[tilespmem:$0x18880] =	vst v63  }
.Ltmp8:
0x654: {  	(pc) =	sbr.rel .LBB2_2-.Ltmp8, $4  }
0x655: {  	_ = 	snop  }
0x656: {  	s0 =	sadd.s32 s1, s0  }
0x657: {  	s7 =	simm.s32 $0x4880;
	s16 =	sadd.s32 $0x1, s16;
	s0 =	sadd.s32 $0x1000, s0  }
0x658: {  	[tilespmem:s7], [sflag:$0x2] =	stream.linear.gather [hbm4b:s0+s5], $0x4000, $0x38;
	[tilespmem:$0x18880] =	vst v63  }
.LBB2_13:
0x659: {  	_ =	sfence.sel $0x180000  }
0x65a: {  	[bflag:$0x0] =	sbarrier.arrive $0xFFFF  }
0x65b: {  	_ =	strace $0x90000047  }
0x65c: {  	s0 =	stileid.u32;
	[bflag:$0x2] =	sbarrier.arrive $0xFFFF  }
0x65d: {  	p0 =	sne.s32 s0, $0x0;
	s0 =	rddreg [dreg:$0x4]  }
0x65e: {  	s0 =	sadd.s32 @!p0 $0x100000, s0  }
0x65f: {  	[sflag:s0] =	ssyncadd.tile.s32 @!p0 $0x1;
	_ =	shalt  }
.Lfunc_end2:
_tile_overlayer_lowered:
.L_overlay_start_2:
0x660: {  	(tag) =	ssettag $0x2  }
0x661: {  	s0 =	rddreg [dreg:$0x0];
	s2 =	stileid.u32  }
0x662: {  	s1 =	rddreg [dreg:$0x1];
	p0 =	sne.s32 s2, $0x0  }
0x663: {  	s3 =	rddreg [dreg:$0x2];
	[bflag:$0x3] =	sbarrier.arrive $0xFFFF;
	s2 =	simm.s32 @!p0 $0x1C07  }
0x664: {  	[timem:s3], [sflag:s2] =	dma.local @!p0 [hbm:s0], s1  }
0x665: {  	s0 =	simm.s32 @!p0 $0x7  }
0x666: {  	_ =	swait.ge @!p0 [sflag:s0], s1  }
0x667: {  	s1 =	ssub.s32 @!p0 $0x0, s1;
	[sflag:s0] =	ssyncset.done @!p0 $0x0  }
0x668: {  	[sflag:s0] =	ssyncadd.s32 @!p0 s1  }
0x669: {  	[bflag:$0x3] =	sbarrier.arrive $0xFFFF  }
0x66a: {  	_ =	shalt  }

</sc_bundles>
